<compile_context>
chip_gen: v7x
topology: tpu7x:2x2x1
jax: 0.10.2.dev20260603
libtpu: 0.0.44.dev20260713+nightly
codegen_flags: <defaults>
</compile_context>

<pallas_src>
import functools

import jax
import jax.numpy as jnp
from jax import lax
from jax.experimental import pallas as pl
from jax.experimental.pallas import tpu as pltpu
from jax.experimental.pallas import tpu_sc as plsc

L_SEQ = 200
WORD_DIM = 64
POS_DIM = 64
HIDDEN = 128
LANES = 16
NC = 2
NS = 16
NCHUNK = 25

mesh = plsc.VectorSubcoreMesh(
    core_axis_name="c", subcore_axis_name="s", num_cores=NC, num_subcores=NS
)


def _m8(x):
    return pl.multiple_of(x, 8)


@functools.partial(
    pl.kernel,
    out_type=[
        jax.ShapeDtypeStruct((L_SEQ, HIDDEN), jnp.float32),
        jax.ShapeDtypeStruct((NC, HIDDEN), jnp.float32),
    ],
    mesh=mesh,
    compiler_params=pltpu.CompilerParams(
        needs_layout_passes=False,
        disable_bounds_checks=True,
        disable_semaphore_checks=True,
    ),
    scratch_types=[
        pltpu.VMEM((LANES,), jnp.int32),
        pltpu.VMEM((8, WORD_DIM, 128), jnp.float32),
        pltpu.VMEM((WORD_DIM, 128), jnp.float32),
        pltpu.VMEM((8, HIDDEN), jnp.float32),
        pltpu.VMEM((1, HIDDEN), jnp.float32),
        pltpu.VMEM((NS, HIDDEN), jnp.float32),
        pltpu.VMEM_SHARED((NS, HIDDEN), jnp.float32),
        pltpu.SemaphoreType.DMA,
        pltpu.SemaphoreType.DMA,
        pltpu.SemaphoreType.DMA,
    ],
)
def _encode(idx_hbm, wordt_hbm, post_hbm, out_hbm, hid_hbm,
            idx_v, blk_v, post_v, rows_v, psum_v, part_v, parts_s, sem,
            sem_idx, sem_pos):
    c = lax.axis_index("c")
    s = lax.axis_index("s")
    wid = s * NC + c

    zero = jnp.zeros((LANES,), jnp.float32)
    for cc in range(8):
        psum_v[0, pl.ds(cc * LANES, LANES)] = zero

    @pl.when(wid < NCHUNK)
    def _():
        base = _m8(wid * 8)
        cp_idx = pltpu.async_copy(
            idx_hbm.at[pl.ds(base, 8)], idx_v.at[pl.ds(0, 8)], sem_idx
        )
        pos_base = pl.multiple_of(jnp.where(wid < 16, 0, 128), 128)
        cp_pos = pltpu.async_copy(
            post_hbm.at[:, pl.ds(pos_base, 128)], post_v, sem_pos
        )
        cp_idx.wait()
        toks = idx_v[pl.ds(0, LANES)]
        rowids = [lax.iota(jnp.int32, LANES) + cc * LANES for cc in range(4)]

        cps = [
            pltpu.async_copy(
                wordt_hbm.at[
                    :, pl.ds(pl.multiple_of((toks[j] // 128) * 128, 128), 128)
                ],
                blk_v.at[j],
                sem,
            )
            for j in range(8)
        ]
        cp_pos.wait()
        accp = [jnp.zeros((LANES,), jnp.float32) for _ in range(4)]
        for j in range(8):
            poscol = jnp.broadcast_to(base + j - pos_base, (LANES,)).astype(
                jnp.int32
            )
            for cc in range(4):
                p = plsc.load_gather(post_v, [rowids[cc], poscol])
                rows_v[j, pl.ds(WORD_DIM + cc * LANES, LANES)] = p
                accp[cc] = accp[cc] + p

        for cp in cps:
            cp.wait()

        accw = [jnp.zeros((LANES,), jnp.float32) for _ in range(4)]
        for j in range(8):
            lanecol = jnp.broadcast_to(toks[j] % 128, (LANES,)).astype(jnp.int32)
            for cc in range(4):
                g = plsc.load_gather(blk_v.at[j], [rowids[cc], lanecol])
                rows_v[j, pl.ds(cc * LANES, LANES)] = g
                accw[cc] = accw[cc] + g

        cp_out = pltpu.async_copy(rows_v, out_hbm.at[pl.ds(base, 8)], sem)
        for cc in range(4):
            psum_v[0, pl.ds(cc * LANES, LANES)] = accw[cc]
            psum_v[0, pl.ds(WORD_DIM + cc * LANES, LANES)] = accp[cc]
        cp_out.wait()

    pltpu.sync_copy(psum_v, parts_s.at[pl.ds(s, 1)])
    plsc.subcore_barrier()

    @pl.when(s == 0)
    def _():
        pltpu.sync_copy(parts_s, part_v)
        scale = jnp.float32(1.0 / L_SEQ)
        for cc in range(8):
            tot = part_v[0, pl.ds(cc * LANES, LANES)]
            for j in range(1, NS):
                tot = tot + part_v[j, pl.ds(cc * LANES, LANES)]
            psum_v[0, pl.ds(cc * LANES, LANES)] = tot * scale
        pltpu.sync_copy(psum_v, hid_hbm.at[pl.ds(c, 1)])


def kernel(inputs, W_word, W_pos):
    out, hid2 = _encode(inputs, W_word.T, W_pos.T)
    return out, (hid2[0] + hid2[1]).reshape(1, 1, HIDDEN)

# --- scband reference (transcript-rebuilt; emitter-appended) ---
"""Pipeline reference for scband-encoder-positional-79242146612026 (READ-ONLY COPY).

The authoritative reference and input builder live on the scoring server;
editing this copy changes nothing except your own understanding.
"""

import jax, jax.numpy as jnp
import numpy as np

MAX_LENGTH = 200
VOCAB = 1000000
WORD_DIM = 64
POS_DIM = 64

def setup_inputs(seed: int = 0) -> dict:
    key = jax.random.key(seed)
    k1, k2, k3 = jax.random.split(key, 3)
    inputs = jax.random.randint(k1, (MAX_LENGTH,), 0, VOCAB, dtype=jnp.int64 if jax.config.read('jax_enable_x64') else jnp.int32)
    inputs = inputs.astype(jnp.int32)
    W_word = jax.random.normal(k2, (VOCAB, WORD_DIM), dtype=jnp.float32) * 0.02
    W_pos = jax.random.normal(k3, (MAX_LENGTH, POS_DIM), dtype=jnp.float32) * 0.02
    return {"inputs": inputs, "W_word": W_word, "W_pos": W_pos}

def reference(inputs, W_word, W_pos):
    # Faithful translation of EncoderPositional.forward.
    # The original loops over inputs, embedding each token and its position,
    # writing rows into a zero-initialized [max_length, hidden] buffer.
    L = inputs.shape[0]
    hidden_size = W_word.shape[1] + W_pos.shape[1]
    word_emb = jnp.take(W_word, inputs, axis=0)                 # [L, word_dim] gather
    pos_emb = jnp.take(W_pos, jnp.arange(L), axis=0)            # [L, pos_dim] gather
    rows = jnp.concatenate([word_emb, pos_emb], axis=-1)        # [L, hidden]
    output = jnp.zeros((MAX_LENGTH, hidden_size), dtype=jnp.float32)
    output = output.at[jnp.arange(L)].set(rows)                 # scatter-overwrite
    hidden = output[:L].mean(axis=0).reshape(1, 1, -1)
    return (output, hidden)

if __name__ == "__main__":
    import jax
    _d = setup_inputs()
    print(jax.jit(kernel)(*tuple(_d.values())))

</pallas_src>

<mosaic_0001>
#map = affine_map<(d0, d1) -> (0)>
#map1 = affine_map<(d0, d1) -> (0, 0)>
module attributes {stable_mosaic.version = 14 : i64} {
  func.func @_encode(%arg0: i32, %arg1: i32, %arg2: memref<200xi32, #tpu.memory_space<hbm>>, %arg3: memref<64x1000000xf32, #tpu.memory_space<hbm>>, %arg4: memref<64x200xf32, #tpu.memory_space<hbm>>, %arg5: memref<200x128xf32, #tpu.memory_space<hbm>>, %arg6: memref<2x128xf32, #tpu.memory_space<hbm>>, %arg7: memref<16xi32, #tpu.memory_space<vmem>>, %arg8: memref<8x64x128xf32, #tpu.memory_space<vmem>>, %arg9: memref<64x128xf32, #tpu.memory_space<vmem>>, %arg10: memref<8x128xf32, #tpu.memory_space<vmem>>, %arg11: memref<1x128xf32, #tpu.memory_space<vmem>>, %arg12: memref<16x128xf32, #tpu.memory_space<vmem>>, %arg13: memref<16x128xf32, #tpu.memory_space<vmem_shared>>, %arg14: memref<!tpu.dma_semaphore, #tpu.memory_space<semaphore_mem>>, %arg15: memref<!tpu.dma_semaphore, #tpu.memory_space<semaphore_mem>>, %arg16: memref<!tpu.dma_semaphore, #tpu.memory_space<semaphore_mem>>) attributes {dimension_semantics = [#tpu.dimension_semantics<core_parallel>, #tpu.dimension_semantics<subcore_parallel>], iteration_bounds = array<i64: 2, 16>, scalar_prefetch = 0 : i64, scratch_operands = 10 : i64, tpu.core_type = #tpu.core_type<sc_vector_subcore>, window_params = [{transform_indices = #map}, {transform_indices = #map1}, {transform_indices = #map1}, {transform_indices = #map1}, {transform_indices = #map1}]} {
    %mul3A = arith.constant 2 : i32
    %mul3A_0 = arith.muli %arg1, %mul3A : i32
    %add3A = arith.addi %mul3A_0, %arg0 : i32
    %broadcast_in_dim3A = arith.constant 0.000000e+00 : f32
    %broadcast_in_dim3A_1 = vector.broadcast %broadcast_in_dim3A : f32 to vector<16xf32>
    %swap3A = arith.constant 0 : i32
    %swap3A_2 = arith.index_cast %swap3A : i32 to index
    %swap3A_3 = arith.constant 0 : index
    %swap3A_4 = tpu.vector_load %arg11[%swap3A_2, %swap3A_3] {strides = array<i32>} : memref<1x128xf32, #tpu.memory_space<vmem>>, vector<16xf32>,
    tpu.vector_store %arg11[%swap3A_2, %swap3A_3], %broadcast_in_dim3A_1 {strides = array<i32>} : memref<1x128xf32, #tpu.memory_space<vmem>>, vector<16xf32>,
    %swap3A_5 = arith.constant 0 : i32
    %swap3A_6 = arith.index_cast %swap3A_5 : i32 to index
    %swap3A_7 = arith.constant 16 : index
    %swap3A_8 = tpu.vector_load %arg11[%swap3A_6, %swap3A_7] {strides = array<i32>} : memref<1x128xf32, #tpu.memory_space<vmem>>, vector<16xf32>,
    tpu.vector_store %arg11[%swap3A_6, %swap3A_7], %broadcast_in_dim3A_1 {strides = array<i32>} : memref<1x128xf32, #tpu.memory_space<vmem>>, vector<16xf32>,
    %swap3A_9 = arith.constant 0 : i32
    %swap3A_10 = arith.index_cast %swap3A_9 : i32 to index
    %swap3A_11 = arith.constant 32 : index
    %swap3A_12 = tpu.vector_load %arg11[%swap3A_10, %swap3A_11] {strides = array<i32>} : memref<1x128xf32, #tpu.memory_space<vmem>>, vector<16xf32>,
    tpu.vector_store %arg11[%swap3A_10, %swap3A_11], %broadcast_in_dim3A_1 {strides = array<i32>} : memref<1x128xf32, #tpu.memory_space<vmem>>, vector<16xf32>,
    %swap3A_13 = arith.constant 0 : i32
    %swap3A_14 = arith.index_cast %swap3A_13 : i32 to index
    %swap3A_15 = arith.constant 48 : index
    %swap3A_16 = tpu.vector_load %arg11[%swap3A_14, %swap3A_15] {strides = array<i32>} : memref<1x128xf32, #tpu.memory_space<vmem>>, vector<16xf32>,
    tpu.vector_store %arg11[%swap3A_14, %swap3A_15], %broadcast_in_dim3A_1 {strides = array<i32>} : memref<1x128xf32, #tpu.memory_space<vmem>>, vector<16xf32>,
    %swap3A_17 = arith.constant 0 : i32
    %swap3A_18 = arith.index_cast %swap3A_17 : i32 to index
    %swap3A_19 = arith.constant 64 : index
    %swap3A_20 = tpu.vector_load %arg11[%swap3A_18, %swap3A_19] {strides = array<i32>} : memref<1x128xf32, #tpu.memory_space<vmem>>, vector<16xf32>,
    tpu.vector_store %arg11[%swap3A_18, %swap3A_19], %broadcast_in_dim3A_1 {strides = array<i32>} : memref<1x128xf32, #tpu.memory_space<vmem>>, vector<16xf32>,
    %swap3A_21 = arith.constant 0 : i32
    %swap3A_22 = arith.index_cast %swap3A_21 : i32 to index
    %swap3A_23 = arith.constant 80 : index
    %swap3A_24 = tpu.vector_load %arg11[%swap3A_22, %swap3A_23] {strides = array<i32>} : memref<1x128xf32, #tpu.memory_space<vmem>>, vector<16xf32>,
    tpu.vector_store %arg11[%swap3A_22, %swap3A_23], %broadcast_in_dim3A_1 {strides = array<i32>} : memref<1x128xf32, #tpu.memory_space<vmem>>, vector<16xf32>,
    %swap3A_25 = arith.constant 0 : i32
    %swap3A_26 = arith.index_cast %swap3A_25 : i32 to index
    %swap3A_27 = arith.constant 96 : index
    %swap3A_28 = tpu.vector_load %arg11[%swap3A_26, %swap3A_27] {strides = array<i32>} : memref<1x128xf32, #tpu.memory_space<vmem>>, vector<16xf32>,
    tpu.vector_store %arg11[%swap3A_26, %swap3A_27], %broadcast_in_dim3A_1 {strides = array<i32>} : memref<1x128xf32, #tpu.memory_space<vmem>>, vector<16xf32>,
    %swap3A_29 = arith.constant 0 : i32
    %swap3A_30 = arith.index_cast %swap3A_29 : i32 to index
    %swap3A_31 = arith.constant 112 : index
    %swap3A_32 = tpu.vector_load %arg11[%swap3A_30, %swap3A_31] {strides = array<i32>} : memref<1x128xf32, #tpu.memory_space<vmem>>, vector<16xf32>,
    tpu.vector_store %arg11[%swap3A_30, %swap3A_31], %broadcast_in_dim3A_1 {strides = array<i32>} : memref<1x128xf32, #tpu.memory_space<vmem>>, vector<16xf32>,
    %lt3A = arith.constant 25 : i32
    %lt3A_33 = arith.cmpi slt, %add3A, %lt3A : i32
    %convert_element_type3A = arith.extui %lt3A_33 : i1 to i32
    %cond3A = arith.constant 0 : i32
    %cond3A_34 = arith.cmpi ne, %convert_element_type3A, %cond3A : i32
    scf.if %cond3A_34 {
      %mul3A_39 = arith.constant 8 : i32
      %mul3A_40 = arith.muli %add3A, %mul3A_39 : i32
      %multiple_of3A = tpu.assume_multiple %mul3A_40, 8 : i32
      %dma_start3A = arith.constant 0 : i32
      %dma_start3A_41 = tpu.memref_slice %arg7[%dma_start3A] : memref<16xi32, #tpu.memory_space<vmem>> -> memref<8xi32, #tpu.memory_space<vmem>>
      %dma_start3A_42 = tpu.memref_slice %arg2[%multiple_of3A] : memref<200xi32, #tpu.memory_space<hbm>> -> memref<8xi32, #tpu.memory_space<hbm>>
      %dma_start3A_43 = arith.constant 0 : i32
      %dma_start3A_44 = tpu.memref_slice %arg7[%dma_start3A_43] : memref<16xi32, #tpu.memory_space<vmem>> -> memref<8xi32, #tpu.memory_space<vmem>>
      %dma_start3A_45 = tpu.memref_slice %arg2[%multiple_of3A] : memref<200xi32, #tpu.memory_space<hbm>> -> memref<8xi32, #tpu.memory_space<hbm>>
      tpu.enqueue_dma source(%dma_start3A_45 : memref<8xi32, #tpu.memory_space<hbm>>) target(%dma_start3A_44 : memref<8xi32, #tpu.memory_space<vmem>>) target_semaphore(%arg15 : memref<!tpu.dma_semaphore, #tpu.memory_space<semaphore_mem>>)
      %lt3A_46 = arith.constant 16 : i32
      %lt3A_47 = arith.cmpi slt, %add3A, %lt3A_46 : i32
      %jit3A = arith.constant 0 : i32
      %jit3A_48 = arith.constant 128 : i32
      %select_n3A = arith.select %lt3A_47, %jit3A, %jit3A_48 : i32
      %multiple_of3A_49 = tpu.assume_multiple %select_n3A, 128 : i32
      %dma_start3A_50 = arith.constant 0 : i32
      %dma_start3A_51 = tpu.memref_slice %arg4[%dma_start3A_50, %multiple_of3A_49] : memref<64x200xf32, #tpu.memory_space<hbm>> -> memref<64x128xf32, #tpu.memory_space<hbm>>
      %dma_start3A_52 = arith.constant 0 : i32
      %dma_start3A_53 = tpu.memref_slice %arg4[%dma_start3A_52, %multiple_of3A_49] : memref<64x200xf32, #tpu.memory_space<hbm>> -> memref<64x128xf32, #tpu.memory_space<hbm>>
      tpu.enqueue_dma source(%dma_start3A_53 : memref<64x128xf32, #tpu.memory_space<hbm>>) target(%arg9 : memref<64x128xf32, #tpu.memory_space<vmem>>) target_semaphore(%arg16 : memref<!tpu.dma_semaphore, #tpu.memory_space<semaphore_mem>>)
      %dma_wait3A = arith.constant 0 : i32
      %dma_wait3A_54 = tpu.memref_slice %arg7[%dma_wait3A] : memref<16xi32, #tpu.memory_space<vmem>> -> memref<8xi32, #tpu.memory_space<vmem>>
      %dma_wait3A_55 = tpu.memref_slice %arg2[%multiple_of3A] : memref<200xi32, #tpu.memory_space<hbm>> -> memref<8xi32, #tpu.memory_space<hbm>>
      %dma_wait3A_56 = arith.constant 0 : i32
      %dma_wait3A_57 = tpu.memref_slice %arg7[%dma_wait3A_56] : memref<16xi32, #tpu.memory_space<vmem>> -> memref<8xi32, #tpu.memory_space<vmem>>
      %dma_wait3A_58 = tpu.memref_slice %arg2[%multiple_of3A] : memref<200xi32, #tpu.memory_space<hbm>> -> memref<8xi32, #tpu.memory_space<hbm>>
      tpu.wait_dma2 semaphore(%arg15 : memref<!tpu.dma_semaphore, #tpu.memory_space<semaphore_mem>>) src(%dma_wait3A_58 : memref<8xi32, #tpu.memory_space<hbm>>) dst(%dma_wait3A_57 : memref<8xi32, #tpu.memory_space<vmem>>)
      %get3A = arith.constant 0 : index
      %get3A_59 = tpu.vector_load %arg7[%get3A] {strides = array<i32>} : memref<16xi32, #tpu.memory_space<vmem>>, vector<16xi32>,
      %iota3A = tpu.iota {dimensions = array<i32: 0>} : vector<16xi32>
      %add3A_60 = arith.constant 0 : i32
      %add3A_61 = vector.broadcast %add3A_60 : i32 to vector<16xi32>
      %add3A_62 = arith.addi %iota3A, %add3A_61 : vector<16xi32>
      %iota3A_63 = tpu.iota {dimensions = array<i32: 0>} : vector<16xi32>
      %add3A_64 = arith.constant 16 : i32
      %add3A_65 = vector.broadcast %add3A_64 : i32 to vector<16xi32>
      %add3A_66 = arith.addi %iota3A_63, %add3A_65 : vector<16xi32>
      %iota3A_67 = tpu.iota {dimensions = array<i32: 0>} : vector<16xi32>
      %add3A_68 = arith.constant 32 : i32
      %add3A_69 = vector.broadcast %add3A_68 : i32 to vector<16xi32>
      %add3A_70 = arith.addi %iota3A_67, %add3A_69 : vector<16xi32>
      %iota3A_71 = tpu.iota {dimensions = array<i32: 0>} : vector<16xi32>
      %add3A_72 = arith.constant 48 : i32
      %add3A_73 = vector.broadcast %add3A_72 : i32 to vector<16xi32>
      %add3A_74 = arith.addi %iota3A_71, %add3A_73 : vector<16xi32>
      %slice3A = vector.extract_strided_slice %get3A_59 {offsets = [0], sizes = [1], strides = [1]} : vector<16xi32> to vector<1xi32>
      %squeeze3A = vector.extract %slice3A[0] : i32 from vector<1xi32>
      %jit3A_75 = arith.constant 128 : i32
      %div3A = arith.divsi %squeeze3A, %jit3A_75 : i32
      %sign3A = arith.constant 0 : i32
      %sign3A_76 = arith.cmpi sgt, %squeeze3A, %sign3A : i32
      %sign3A_77 = arith.extui %sign3A_76 : i1 to i32
      %sign3A_78 = arith.constant 0 : i32
      %sign3A_79 = arith.cmpi slt, %squeeze3A, %sign3A_78 : i32
      %sign3A_80 = arith.extui %sign3A_79 : i1 to i32
      %sign3A_81 = arith.subi %sign3A_77, %sign3A_80 : i32
      %sign3A_82 = arith.constant 0 : i32
      %sign3A_83 = arith.cmpi sgt, %jit3A_75, %sign3A_82 : i32
      %sign3A_84 = arith.extui %sign3A_83 : i1 to i32
      %sign3A_85 = arith.constant 0 : i32
      %sign3A_86 = arith.cmpi slt, %jit3A_75, %sign3A_85 : i32
      %sign3A_87 = arith.extui %sign3A_86 : i1 to i32
      %sign3A_88 = arith.subi %sign3A_84, %sign3A_87 : i32
      %ne3A = arith.cmpi ne, %sign3A_81, %sign3A_88 : i32
      %rem3A = arith.remsi %squeeze3A, %jit3A_75 : i32
      %ne3A_89 = arith.constant 0 : i32
      %ne3A_90 = arith.cmpi ne, %rem3A, %ne3A_89 : i32
      %and3A = arith.andi %ne3A, %ne3A_90 : i1
      %sub3A = arith.constant 1 : i32
      %sub3A_91 = arith.subi %div3A, %sub3A : i32
      %select_n3A_92 = arith.select %and3A, %sub3A_91, %div3A : i32
      %mul3A_93 = arith.constant 128 : i32
      %mul3A_94 = arith.muli %select_n3A_92, %mul3A_93 : i32
      %multiple_of3A_95 = tpu.assume_multiple %mul3A_94, 128 : i32
      %dma_start3A_96 = arith.constant 0 : i32
      %dma_start3A_97 = arith.constant 0 : i32
      %dma_start3A_98 = arith.constant 0 : i32
      %dma_start3A_99 = tpu.memref_slice %arg8[%dma_start3A_96, %dma_start3A_97, %dma_start3A_98] : memref<8x64x128xf32, #tpu.memory_space<vmem>> -> memref<1x64x128xf32, #tpu.memory_space<vmem>>
      %dma_start3A_100 = tpu.memref_squeeze %dma_start3A_99 : memref<1x64x128xf32, #tpu.memory_space<vmem>> -> memref<64x128xf32, #tpu.memory_space<vmem>>
      %dma_start3A_101 = arith.constant 0 : i32
      %dma_start3A_102 = tpu.memref_slice %arg3[%dma_start3A_101, %multiple_of3A_95] : memref<64x1000000xf32, #tpu.memory_space<hbm>> -> memref<64x128xf32, #tpu.memory_space<hbm>>
      %dma_start3A_103 = arith.constant 0 : i32
      %dma_start3A_104 = arith.constant 0 : i32
      %dma_start3A_105 = tpu.memref_slice %arg8[%dma_start3A_96, %dma_start3A_103, %dma_start3A_104] : memref<8x64x128xf32, #tpu.memory_space<vmem>> -> memref<1x64x128xf32, #tpu.memory_space<vmem>>
      %dma_start3A_106 = tpu.memref_squeeze %dma_start3A_105 : memref<1x64x128xf32, #tpu.memory_space<vmem>> -> memref<64x128xf32, #tpu.memory_space<vmem>>
      %dma_start3A_107 = arith.constant 0 : i32
      %dma_start3A_108 = tpu.memref_slice %arg3[%dma_start3A_107, %multiple_of3A_95] : memref<64x1000000xf32, #tpu.memory_space<hbm>> -> memref<64x128xf32, #tpu.memory_space<hbm>>
      tpu.enqueue_dma source(%dma_start3A_108 : memref<64x128xf32, #tpu.memory_space<hbm>>) target(%dma_start3A_106 : memref<64x128xf32, #tpu.memory_space<vmem>>) target_semaphore(%arg14 : memref<!tpu.dma_semaphore, #tpu.memory_space<semaphore_mem>>)
      %slice3A_109 = vector.extract_strided_slice %get3A_59 {offsets = [1], sizes = [1], strides = [1]} : vector<16xi32> to vector<1xi32>
      %squeeze3A_110 = vector.extract %slice3A_109[0] : i32 from vector<1xi32>
      %jit3A_111 = arith.constant 128 : i32
      %div3A_112 = arith.divsi %squeeze3A_110, %jit3A_111 : i32
      %sign3A_113 = arith.constant 0 : i32
      %sign3A_114 = arith.cmpi sgt, %squeeze3A_110, %sign3A_113 : i32
      %sign3A_115 = arith.extui %sign3A_114 : i1 to i32
      %sign3A_116 = arith.constant 0 : i32
      %sign3A_117 = arith.cmpi slt, %squeeze3A_110, %sign3A_116 : i32
      %sign3A_118 = arith.extui %sign3A_117 : i1 to i32
      %sign3A_119 = arith.subi %sign3A_115, %sign3A_118 : i32
      %sign3A_120 = arith.constant 0 : i32
      %sign3A_121 = arith.cmpi sgt, %jit3A_111, %sign3A_120 : i32
      %sign3A_122 = arith.extui %sign3A_121 : i1 to i32
      %sign3A_123 = arith.constant 0 : i32
      %sign3A_124 = arith.cmpi slt, %jit3A_111, %sign3A_123 : i32
      %sign3A_125 = arith.extui %sign3A_124 : i1 to i32
      %sign3A_126 = arith.subi %sign3A_122, %sign3A_125 : i32
      %ne3A_127 = arith.cmpi ne, %sign3A_119, %sign3A_126 : i32
      %rem3A_128 = arith.remsi %squeeze3A_110, %jit3A_111 : i32
      %ne3A_129 = arith.constant 0 : i32
      %ne3A_130 = arith.cmpi ne, %rem3A_128, %ne3A_129 : i32
      %and3A_131 = arith.andi %ne3A_127, %ne3A_130 : i1
      %sub3A_132 = arith.constant 1 : i32
      %sub3A_133 = arith.subi %div3A_112, %sub3A_132 : i32
      %select_n3A_134 = arith.select %and3A_131, %sub3A_133, %div3A_112 : i32
      %mul3A_135 = arith.constant 128 : i32
      %mul3A_136 = arith.muli %select_n3A_134, %mul3A_135 : i32
      %multiple_of3A_137 = tpu.assume_multiple %mul3A_136, 128 : i32
      %dma_start3A_138 = arith.constant 1 : i32
      %dma_start3A_139 = arith.constant 0 : i32
      %dma_start3A_140 = arith.constant 0 : i32
      %dma_start3A_141 = tpu.memref_slice %arg8[%dma_start3A_138, %dma_start3A_139, %dma_start3A_140] : memref<8x64x128xf32, #tpu.memory_space<vmem>> -> memref<1x64x128xf32, #tpu.memory_space<vmem>>
      %dma_start3A_142 = tpu.memref_squeeze %dma_start3A_141 : memref<1x64x128xf32, #tpu.memory_space<vmem>> -> memref<64x128xf32, #tpu.memory_space<vmem>>
      %dma_start3A_143 = arith.constant 0 : i32
      %dma_start3A_144 = tpu.memref_slice %arg3[%dma_start3A_143, %multiple_of3A_137] : memref<64x1000000xf32, #tpu.memory_space<hbm>> -> memref<64x128xf32, #tpu.memory_space<hbm>>
      %dma_start3A_145 = arith.constant 0 : i32
      %dma_start3A_146 = arith.constant 0 : i32
      %dma_start3A_147 = tpu.memref_slice %arg8[%dma_start3A_138, %dma_start3A_145, %dma_start3A_146] : memref<8x64x128xf32, #tpu.memory_space<vmem>> -> memref<1x64x128xf32, #tpu.memory_space<vmem>>
      %dma_start3A_148 = tpu.memref_squeeze %dma_start3A_147 : memref<1x64x128xf32, #tpu.memory_space<vmem>> -> memref<64x128xf32, #tpu.memory_space<vmem>>
      %dma_start3A_149 = arith.constant 0 : i32
      %dma_start3A_150 = tpu.memref_slice %arg3[%dma_start3A_149, %multiple_of3A_137] : memref<64x1000000xf32, #tpu.memory_space<hbm>> -> memref<64x128xf32, #tpu.memory_space<hbm>>
      tpu.enqueue_dma source(%dma_start3A_150 : memref<64x128xf32, #tpu.memory_space<hbm>>) target(%dma_start3A_148 : memref<64x128xf32, #tpu.memory_space<vmem>>) target_semaphore(%arg14 : memref<!tpu.dma_semaphore, #tpu.memory_space<semaphore_mem>>)
      %slice3A_151 = vector.extract_strided_slice %get3A_59 {offsets = [2], sizes = [1], strides = [1]} : vector<16xi32> to vector<1xi32>
      %squeeze3A_152 = vector.extract %slice3A_151[0] : i32 from vector<1xi32>
      %jit3A_153 = arith.constant 128 : i32
      %div3A_154 = arith.divsi %squeeze3A_152, %jit3A_153 : i32
      %sign3A_155 = arith.constant 0 : i32
      %sign3A_156 = arith.cmpi sgt, %squeeze3A_152, %sign3A_155 : i32
      %sign3A_157 = arith.extui %sign3A_156 : i1 to i32
      %sign3A_158 = arith.constant 0 : i32
      %sign3A_159 = arith.cmpi slt, %squeeze3A_152, %sign3A_158 : i32
      %sign3A_160 = arith.extui %sign3A_159 : i1 to i32
      %sign3A_161 = arith.subi %sign3A_157, %sign3A_160 : i32
      %sign3A_162 = arith.constant 0 : i32
      %sign3A_163 = arith.cmpi sgt, %jit3A_153, %sign3A_162 : i32
      %sign3A_164 = arith.extui %sign3A_163 : i1 to i32
      %sign3A_165 = arith.constant 0 : i32
      %sign3A_166 = arith.cmpi slt, %jit3A_153, %sign3A_165 : i32
      %sign3A_167 = arith.extui %sign3A_166 : i1 to i32
      %sign3A_168 = arith.subi %sign3A_164, %sign3A_167 : i32
      %ne3A_169 = arith.cmpi ne, %sign3A_161, %sign3A_168 : i32
      %rem3A_170 = arith.remsi %squeeze3A_152, %jit3A_153 : i32
      %ne3A_171 = arith.constant 0 : i32
      %ne3A_172 = arith.cmpi ne, %rem3A_170, %ne3A_171 : i32
      %and3A_173 = arith.andi %ne3A_169, %ne3A_172 : i1
      %sub3A_174 = arith.constant 1 : i32
      %sub3A_175 = arith.subi %div3A_154, %sub3A_174 : i32
      %select_n3A_176 = arith.select %and3A_173, %sub3A_175, %div3A_154 : i32
      %mul3A_177 = arith.constant 128 : i32
      %mul3A_178 = arith.muli %select_n3A_176, %mul3A_177 : i32
      %multiple_of3A_179 = tpu.assume_multiple %mul3A_178, 128 : i32
      %dma_start3A_180 = arith.constant 2 : i32
      %dma_start3A_181 = arith.constant 0 : i32
      %dma_start3A_182 = arith.constant 0 : i32
      %dma_start3A_183 = tpu.memref_slice %arg8[%dma_start3A_180, %dma_start3A_181, %dma_start3A_182] : memref<8x64x128xf32, #tpu.memory_space<vmem>> -> memref<1x64x128xf32, #tpu.memory_space<vmem>>
      %dma_start3A_184 = tpu.memref_squeeze %dma_start3A_183 : memref<1x64x128xf32, #tpu.memory_space<vmem>> -> memref<64x128xf32, #tpu.memory_space<vmem>>
      %dma_start3A_185 = arith.constant 0 : i32
      %dma_start3A_186 = tpu.memref_slice %arg3[%dma_start3A_185, %multiple_of3A_179] : memref<64x1000000xf32, #tpu.memory_space<hbm>> -> memref<64x128xf32, #tpu.memory_space<hbm>>
      %dma_start3A_187 = arith.constant 0 : i32
      %dma_start3A_188 = arith.constant 0 : i32
      %dma_start3A_189 = tpu.memref_slice %arg8[%dma_start3A_180, %dma_start3A_187, %dma_start3A_188] : memref<8x64x128xf32, #tpu.memory_space<vmem>> -> memref<1x64x128xf32, #tpu.memory_space<vmem>>
      %dma_start3A_190 = tpu.memref_squeeze %dma_start3A_189 : memref<1x64x128xf32, #tpu.memory_space<vmem>> -> memref<64x128xf32, #tpu.memory_space<vmem>>
      %dma_start3A_191 = arith.constant 0 : i32
      %dma_start3A_192 = tpu.memref_slice %arg3[%dma_start3A_191, %multiple_of3A_179] : memref<64x1000000xf32, #tpu.memory_space<hbm>> -> memref<64x128xf32, #tpu.memory_space<hbm>>
      tpu.enqueue_dma source(%dma_start3A_192 : memref<64x128xf32, #tpu.memory_space<hbm>>) target(%dma_start3A_190 : memref<64x128xf32, #tpu.memory_space<vmem>>) target_semaphore(%arg14 : memref<!tpu.dma_semaphore, #tpu.memory_space<semaphore_mem>>)
      %slice3A_193 = vector.extract_strided_slice %get3A_59 {offsets = [3], sizes = [1], strides = [1]} : vector<16xi32> to vector<1xi32>
      %squeeze3A_194 = vector.extract %slice3A_193[0] : i32 from vector<1xi32>
      %jit3A_195 = arith.constant 128 : i32
      %div3A_196 = arith.divsi %squeeze3A_194, %jit3A_195 : i32
      %sign3A_197 = arith.constant 0 : i32
      %sign3A_198 = arith.cmpi sgt, %squeeze3A_194, %sign3A_197 : i32
      %sign3A_199 = arith.extui %sign3A_198 : i1 to i32
      %sign3A_200 = arith.constant 0 : i32
      %sign3A_201 = arith.cmpi slt, %squeeze3A_194, %sign3A_200 : i32
      %sign3A_202 = arith.extui %sign3A_201 : i1 to i32
      %sign3A_203 = arith.subi %sign3A_199, %sign3A_202 : i32
      %sign3A_204 = arith.constant 0 : i32
      %sign3A_205 = arith.cmpi sgt, %jit3A_195, %sign3A_204 : i32
      %sign3A_206 = arith.extui %sign3A_205 : i1 to i32
      %sign3A_207 = arith.constant 0 : i32
      %sign3A_208 = arith.cmpi slt, %jit3A_195, %sign3A_207 : i32
      %sign3A_209 = arith.extui %sign3A_208 : i1 to i32
      %sign3A_210 = arith.subi %sign3A_206, %sign3A_209 : i32
      %ne3A_211 = arith.cmpi ne, %sign3A_203, %sign3A_210 : i32
      %rem3A_212 = arith.remsi %squeeze3A_194, %jit3A_195 : i32
      %ne3A_213 = arith.constant 0 : i32
      %ne3A_214 = arith.cmpi ne, %rem3A_212, %ne3A_213 : i32
      %and3A_215 = arith.andi %ne3A_211, %ne3A_214 : i1
      %sub3A_216 = arith.constant 1 : i32
      %sub3A_217 = arith.subi %div3A_196, %sub3A_216 : i32
      %select_n3A_218 = arith.select %and3A_215, %sub3A_217, %div3A_196 : i32
      %mul3A_219 = arith.constant 128 : i32
      %mul3A_220 = arith.muli %select_n3A_218, %mul3A_219 : i32
      %multiple_of3A_221 = tpu.assume_multiple %mul3A_220, 128 : i32
      %dma_start3A_222 = arith.constant 3 : i32
      %dma_start3A_223 = arith.constant 0 : i32
      %dma_start3A_224 = arith.constant 0 : i32
      %dma_start3A_225 = tpu.memref_slice %arg8[%dma_start3A_222, %dma_start3A_223, %dma_start3A_224] : memref<8x64x128xf32, #tpu.memory_space<vmem>> -> memref<1x64x128xf32, #tpu.memory_space<vmem>>
      %dma_start3A_226 = tpu.memref_squeeze %dma_start3A_225 : memref<1x64x128xf32, #tpu.memory_space<vmem>> -> memref<64x128xf32, #tpu.memory_space<vmem>>
      %dma_start3A_227 = arith.constant 0 : i32
      %dma_start3A_228 = tpu.memref_slice %arg3[%dma_start3A_227, %multiple_of3A_221] : memref<64x1000000xf32, #tpu.memory_space<hbm>> -> memref<64x128xf32, #tpu.memory_space<hbm>>
      %dma_start3A_229 = arith.constant 0 : i32
      %dma_start3A_230 = arith.constant 0 : i32
      %dma_start3A_231 = tpu.memref_slice %arg8[%dma_start3A_222, %dma_start3A_229, %dma_start3A_230] : memref<8x64x128xf32, #tpu.memory_space<vmem>> -> memref<1x64x128xf32, #tpu.memory_space<vmem>>
      %dma_start3A_232 = tpu.memref_squeeze %dma_start3A_231 : memref<1x64x128xf32, #tpu.memory_space<vmem>> -> memref<64x128xf32, #tpu.memory_space<vmem>>
      %dma_start3A_233 = arith.constant 0 : i32
      %dma_start3A_234 = tpu.memref_slice %arg3[%dma_start3A_233, %multiple_of3A_221] : memref<64x1000000xf32, #tpu.memory_space<hbm>> -> memref<64x128xf32, #tpu.memory_space<hbm>>
      tpu.enqueue_dma source(%dma_start3A_234 : memref<64x128xf32, #tpu.memory_space<hbm>>) target(%dma_start3A_232 : memref<64x128xf32, #tpu.memory_space<vmem>>) target_semaphore(%arg14 : memref<!tpu.dma_semaphore, #tpu.memory_space<semaphore_mem>>)
      %slice3A_235 = vector.extract_strided_slice %get3A_59 {offsets = [4], sizes = [1], strides = [1]} : vector<16xi32> to vector<1xi32>
      %squeeze3A_236 = vector.extract %slice3A_235[0] : i32 from vector<1xi32>
      %jit3A_237 = arith.constant 128 : i32
      %div3A_238 = arith.divsi %squeeze3A_236, %jit3A_237 : i32
      %sign3A_239 = arith.constant 0 : i32
      %sign3A_240 = arith.cmpi sgt, %squeeze3A_236, %sign3A_239 : i32
      %sign3A_241 = arith.extui %sign3A_240 : i1 to i32
      %sign3A_242 = arith.constant 0 : i32
      %sign3A_243 = arith.cmpi slt, %squeeze3A_236, %sign3A_242 : i32
      %sign3A_244 = arith.extui %sign3A_243 : i1 to i32
      %sign3A_245 = arith.subi %sign3A_241, %sign3A_244 : i32
      %sign3A_246 = arith.constant 0 : i32
      %sign3A_247 = arith.cmpi sgt, %jit3A_237, %sign3A_246 : i32
      %sign3A_248 = arith.extui %sign3A_247 : i1 to i32
      %sign3A_249 = arith.constant 0 : i32
      %sign3A_250 = arith.cmpi slt, %jit3A_237, %sign3A_249 : i32
      %sign3A_251 = arith.extui %sign3A_250 : i1 to i32
      %sign3A_252 = arith.subi %sign3A_248, %sign3A_251 : i32
      %ne3A_253 = arith.cmpi ne, %sign3A_245, %sign3A_252 : i32
      %rem3A_254 = arith.remsi %squeeze3A_236, %jit3A_237 : i32
      %ne3A_255 = arith.constant 0 : i32
      %ne3A_256 = arith.cmpi ne, %rem3A_254, %ne3A_255 : i32
      %and3A_257 = arith.andi %ne3A_253, %ne3A_256 : i1
      %sub3A_258 = arith.constant 1 : i32
      %sub3A_259 = arith.subi %div3A_238, %sub3A_258 : i32
      %select_n3A_260 = arith.select %and3A_257, %sub3A_259, %div3A_238 : i32
      %mul3A_261 = arith.constant 128 : i32
      %mul3A_262 = arith.muli %select_n3A_260, %mul3A_261 : i32
      %multiple_of3A_263 = tpu.assume_multiple %mul3A_262, 128 : i32
      %dma_start3A_264 = arith.constant 4 : i32
      %dma_start3A_265 = arith.constant 0 : i32
      %dma_start3A_266 = arith.constant 0 : i32
      %dma_start3A_267 = tpu.memref_slice %arg8[%dma_start3A_264, %dma_start3A_265, %dma_start3A_266] : memref<8x64x128xf32, #tpu.memory_space<vmem>> -> memref<1x64x128xf32, #tpu.memory_space<vmem>>
      %dma_start3A_268 = tpu.memref_squeeze %dma_start3A_267 : memref<1x64x128xf32, #tpu.memory_space<vmem>> -> memref<64x128xf32, #tpu.memory_space<vmem>>
      %dma_start3A_269 = arith.constant 0 : i32
      %dma_start3A_270 = tpu.memref_slice %arg3[%dma_start3A_269, %multiple_of3A_263] : memref<64x1000000xf32, #tpu.memory_space<hbm>> -> memref<64x128xf32, #tpu.memory_space<hbm>>
      %dma_start3A_271 = arith.constant 0 : i32
      %dma_start3A_272 = arith.constant 0 : i32
      %dma_start3A_273 = tpu.memref_slice %arg8[%dma_start3A_264, %dma_start3A_271, %dma_start3A_272] : memref<8x64x128xf32, #tpu.memory_space<vmem>> -> memref<1x64x128xf32, #tpu.memory_space<vmem>>
      %dma_start3A_274 = tpu.memref_squeeze %dma_start3A_273 : memref<1x64x128xf32, #tpu.memory_space<vmem>> -> memref<64x128xf32, #tpu.memory_space<vmem>>
      %dma_start3A_275 = arith.constant 0 : i32
      %dma_start3A_276 = tpu.memref_slice %arg3[%dma_start3A_275, %multiple_of3A_263] : memref<64x1000000xf32, #tpu.memory_space<hbm>> -> memref<64x128xf32, #tpu.memory_space<hbm>>
      tpu.enqueue_dma source(%dma_start3A_276 : memref<64x128xf32, #tpu.memory_space<hbm>>) target(%dma_start3A_274 : memref<64x128xf32, #tpu.memory_space<vmem>>) target_semaphore(%arg14 : memref<!tpu.dma_semaphore, #tpu.memory_space<semaphore_mem>>)
      %slice3A_277 = vector.extract_strided_slice %get3A_59 {offsets = [5], sizes = [1], strides = [1]} : vector<16xi32> to vector<1xi32>
      %squeeze3A_278 = vector.extract %slice3A_277[0] : i32 from vector<1xi32>
      %jit3A_279 = arith.constant 128 : i32
      %div3A_280 = arith.divsi %squeeze3A_278, %jit3A_279 : i32
      %sign3A_281 = arith.constant 0 : i32
      %sign3A_282 = arith.cmpi sgt, %squeeze3A_278, %sign3A_281 : i32
      %sign3A_283 = arith.extui %sign3A_282 : i1 to i32
      %sign3A_284 = arith.constant 0 : i32
      %sign3A_285 = arith.cmpi slt, %squeeze3A_278, %sign3A_284 : i32
      %sign3A_286 = arith.extui %sign3A_285 : i1 to i32
      %sign3A_287 = arith.subi %sign3A_283, %sign3A_286 : i32
      %sign3A_288 = arith.constant 0 : i32
      %sign3A_289 = arith.cmpi sgt, %jit3A_279, %sign3A_288 : i32
      %sign3A_290 = arith.extui %sign3A_289 : i1 to i32
      %sign3A_291 = arith.constant 0 : i32
      %sign3A_292 = arith.cmpi slt, %jit3A_279, %sign3A_291 : i32
      %sign3A_293 = arith.extui %sign3A_292 : i1 to i32
      %sign3A_294 = arith.subi %sign3A_290, %sign3A_293 : i32
      %ne3A_295 = arith.cmpi ne, %sign3A_287, %sign3A_294 : i32
      %rem3A_296 = arith.remsi %squeeze3A_278, %jit3A_279 : i32
      %ne3A_297 = arith.constant 0 : i32
      %ne3A_298 = arith.cmpi ne, %rem3A_296, %ne3A_297 : i32
      %and3A_299 = arith.andi %ne3A_295, %ne3A_298 : i1
      %sub3A_300 = arith.constant 1 : i32
      %sub3A_301 = arith.subi %div3A_280, %sub3A_300 : i32
      %select_n3A_302 = arith.select %and3A_299, %sub3A_301, %div3A_280 : i32
      %mul3A_303 = arith.constant 128 : i32
      %mul3A_304 = arith.muli %select_n3A_302, %mul3A_303 : i32
      %multiple_of3A_305 = tpu.assume_multiple %mul3A_304, 128 : i32
      %dma_start3A_306 = arith.constant 5 : i32
      %dma_start3A_307 = arith.constant 0 : i32
      %dma_start3A_308 = arith.constant 0 : i32
      %dma_start3A_309 = tpu.memref_slice %arg8[%dma_start3A_306, %dma_start3A_307, %dma_start3A_308] : memref<8x64x128xf32, #tpu.memory_space<vmem>> -> memref<1x64x128xf32, #tpu.memory_space<vmem>>
      %dma_start3A_310 = tpu.memref_squeeze %dma_start3A_309 : memref<1x64x128xf32, #tpu.memory_space<vmem>> -> memref<64x128xf32, #tpu.memory_space<vmem>>
      %dma_start3A_311 = arith.constant 0 : i32
      %dma_start3A_312 = tpu.memref_slice %arg3[%dma_start3A_311, %multiple_of3A_305] : memref<64x1000000xf32, #tpu.memory_space<hbm>> -> memref<64x128xf32, #tpu.memory_space<hbm>>
      %dma_start3A_313 = arith.constant 0 : i32
      %dma_start3A_314 = arith.constant 0 : i32
      %dma_start3A_315 = tpu.memref_slice %arg8[%dma_start3A_306, %dma_start3A_313, %dma_start3A_314] : memref<8x64x128xf32, #tpu.memory_space<vmem>> -> memref<1x64x128xf32, #tpu.memory_space<vmem>>
      %dma_start3A_316 = tpu.memref_squeeze %dma_start3A_315 : memref<1x64x128xf32, #tpu.memory_space<vmem>> -> memref<64x128xf32, #tpu.memory_space<vmem>>
      %dma_start3A_317 = arith.constant 0 : i32
      %dma_start3A_318 = tpu.memref_slice %arg3[%dma_start3A_317, %multiple_of3A_305] : memref<64x1000000xf32, #tpu.memory_space<hbm>> -> memref<64x128xf32, #tpu.memory_space<hbm>>
      tpu.enqueue_dma source(%dma_start3A_318 : memref<64x128xf32, #tpu.memory_space<hbm>>) target(%dma_start3A_316 : memref<64x128xf32, #tpu.memory_space<vmem>>) target_semaphore(%arg14 : memref<!tpu.dma_semaphore, #tpu.memory_space<semaphore_mem>>)
      %slice3A_319 = vector.extract_strided_slice %get3A_59 {offsets = [6], sizes = [1], strides = [1]} : vector<16xi32> to vector<1xi32>
      %squeeze3A_320 = vector.extract %slice3A_319[0] : i32 from vector<1xi32>
      %jit3A_321 = arith.constant 128 : i32
      %div3A_322 = arith.divsi %squeeze3A_320, %jit3A_321 : i32
      %sign3A_323 = arith.constant 0 : i32
      %sign3A_324 = arith.cmpi sgt, %squeeze3A_320, %sign3A_323 : i32
      %sign3A_325 = arith.extui %sign3A_324 : i1 to i32
      %sign3A_326 = arith.constant 0 : i32
      %sign3A_327 = arith.cmpi slt, %squeeze3A_320, %sign3A_326 : i32
      %sign3A_328 = arith.extui %sign3A_327 : i1 to i32
      %sign3A_329 = arith.subi %sign3A_325, %sign3A_328 : i32
      %sign3A_330 = arith.constant 0 : i32
      %sign3A_331 = arith.cmpi sgt, %jit3A_321, %sign3A_330 : i32
      %sign3A_332 = arith.extui %sign3A_331 : i1 to i32
      %sign3A_333 = arith.constant 0 : i32
      %sign3A_334 = arith.cmpi slt, %jit3A_321, %sign3A_333 : i32
      %sign3A_335 = arith.extui %sign3A_334 : i1 to i32
      %sign3A_336 = arith.subi %sign3A_332, %sign3A_335 : i32
      %ne3A_337 = arith.cmpi ne, %sign3A_329, %sign3A_336 : i32
      %rem3A_338 = arith.remsi %squeeze3A_320, %jit3A_321 : i32
      %ne3A_339 = arith.constant 0 : i32
      %ne3A_340 = arith.cmpi ne, %rem3A_338, %ne3A_339 : i32
      %and3A_341 = arith.andi %ne3A_337, %ne3A_340 : i1
      %sub3A_342 = arith.constant 1 : i32
      %sub3A_343 = arith.subi %div3A_322, %sub3A_342 : i32
      %select_n3A_344 = arith.select %and3A_341, %sub3A_343, %div3A_322 : i32
      %mul3A_345 = arith.constant 128 : i32
      %mul3A_346 = arith.muli %select_n3A_344, %mul3A_345 : i32
      %multiple_of3A_347 = tpu.assume_multiple %mul3A_346, 128 : i32
      %dma_start3A_348 = arith.constant 6 : i32
      %dma_start3A_349 = arith.constant 0 : i32
      %dma_start3A_350 = arith.constant 0 : i32
      %dma_start3A_351 = tpu.memref_slice %arg8[%dma_start3A_348, %dma_start3A_349, %dma_start3A_350] : memref<8x64x128xf32, #tpu.memory_space<vmem>> -> memref<1x64x128xf32, #tpu.memory_space<vmem>>
      %dma_start3A_352 = tpu.memref_squeeze %dma_start3A_351 : memref<1x64x128xf32, #tpu.memory_space<vmem>> -> memref<64x128xf32, #tpu.memory_space<vmem>>
      %dma_start3A_353 = arith.constant 0 : i32
      %dma_start3A_354 = tpu.memref_slice %arg3[%dma_start3A_353, %multiple_of3A_347] : memref<64x1000000xf32, #tpu.memory_space<hbm>> -> memref<64x128xf32, #tpu.memory_space<hbm>>
      %dma_start3A_355 = arith.constant 0 : i32
      %dma_start3A_356 = arith.constant 0 : i32
      %dma_start3A_357 = tpu.memref_slice %arg8[%dma_start3A_348, %dma_start3A_355, %dma_start3A_356] : memref<8x64x128xf32, #tpu.memory_space<vmem>> -> memref<1x64x128xf32, #tpu.memory_space<vmem>>
      %dma_start3A_358 = tpu.memref_squeeze %dma_start3A_357 : memref<1x64x128xf32, #tpu.memory_space<vmem>> -> memref<64x128xf32, #tpu.memory_space<vmem>>
      %dma_start3A_359 = arith.constant 0 : i32
      %dma_start3A_360 = tpu.memref_slice %arg3[%dma_start3A_359, %multiple_of3A_347] : memref<64x1000000xf32, #tpu.memory_space<hbm>> -> memref<64x128xf32, #tpu.memory_space<hbm>>
      tpu.enqueue_dma source(%dma_start3A_360 : memref<64x128xf32, #tpu.memory_space<hbm>>) target(%dma_start3A_358 : memref<64x128xf32, #tpu.memory_space<vmem>>) target_semaphore(%arg14 : memref<!tpu.dma_semaphore, #tpu.memory_space<semaphore_mem>>)
      %slice3A_361 = vector.extract_strided_slice %get3A_59 {offsets = [7], sizes = [1], strides = [1]} : vector<16xi32> to vector<1xi32>
      %squeeze3A_362 = vector.extract %slice3A_361[0] : i32 from vector<1xi32>
      %jit3A_363 = arith.constant 128 : i32
      %div3A_364 = arith.divsi %squeeze3A_362, %jit3A_363 : i32
      %sign3A_365 = arith.constant 0 : i32
      %sign3A_366 = arith.cmpi sgt, %squeeze3A_362, %sign3A_365 : i32
      %sign3A_367 = arith.extui %sign3A_366 : i1 to i32
      %sign3A_368 = arith.constant 0 : i32
      %sign3A_369 = arith.cmpi slt, %squeeze3A_362, %sign3A_368 : i32
      %sign3A_370 = arith.extui %sign3A_369 : i1 to i32
      %sign3A_371 = arith.subi %sign3A_367, %sign3A_370 : i32
      %sign3A_372 = arith.constant 0 : i32
      %sign3A_373 = arith.cmpi sgt, %jit3A_363, %sign3A_372 : i32
      %sign3A_374 = arith.extui %sign3A_373 : i1 to i32
      %sign3A_375 = arith.constant 0 : i32
      %sign3A_376 = arith.cmpi slt, %jit3A_363, %sign3A_375 : i32
      %sign3A_377 = arith.extui %sign3A_376 : i1 to i32
      %sign3A_378 = arith.subi %sign3A_374, %sign3A_377 : i32
      %ne3A_379 = arith.cmpi ne, %sign3A_371, %sign3A_378 : i32
      %rem3A_380 = arith.remsi %squeeze3A_362, %jit3A_363 : i32
      %ne3A_381 = arith.constant 0 : i32
      %ne3A_382 = arith.cmpi ne, %rem3A_380, %ne3A_381 : i32
      %and3A_383 = arith.andi %ne3A_379, %ne3A_382 : i1
      %sub3A_384 = arith.constant 1 : i32
      %sub3A_385 = arith.subi %div3A_364, %sub3A_384 : i32
      %select_n3A_386 = arith.select %and3A_383, %sub3A_385, %div3A_364 : i32
      %mul3A_387 = arith.constant 128 : i32
      %mul3A_388 = arith.muli %select_n3A_386, %mul3A_387 : i32
      %multiple_of3A_389 = tpu.assume_multiple %mul3A_388, 128 : i32
      %dma_start3A_390 = arith.constant 7 : i32
      %dma_start3A_391 = arith.constant 0 : i32
      %dma_start3A_392 = arith.constant 0 : i32
      %dma_start3A_393 = tpu.memref_slice %arg8[%dma_start3A_390, %dma_start3A_391, %dma_start3A_392] : memref<8x64x128xf32, #tpu.memory_space<vmem>> -> memref<1x64x128xf32, #tpu.memory_space<vmem>>
      %dma_start3A_394 = tpu.memref_squeeze %dma_start3A_393 : memref<1x64x128xf32, #tpu.memory_space<vmem>> -> memref<64x128xf32, #tpu.memory_space<vmem>>
      %dma_start3A_395 = arith.constant 0 : i32
      %dma_start3A_396 = tpu.memref_slice %arg3[%dma_start3A_395, %multiple_of3A_389] : memref<64x1000000xf32, #tpu.memory_space<hbm>> -> memref<64x128xf32, #tpu.memory_space<hbm>>
      %dma_start3A_397 = arith.constant 0 : i32
      %dma_start3A_398 = arith.constant 0 : i32
      %dma_start3A_399 = tpu.memref_slice %arg8[%dma_start3A_390, %dma_start3A_397, %dma_start3A_398] : memref<8x64x128xf32, #tpu.memory_space<vmem>> -> memref<1x64x128xf32, #tpu.memory_space<vmem>>
      %dma_start3A_400 = tpu.memref_squeeze %dma_start3A_399 : memref<1x64x128xf32, #tpu.memory_space<vmem>> -> memref<64x128xf32, #tpu.memory_space<vmem>>
      %dma_start3A_401 = arith.constant 0 : i32
      %dma_start3A_402 = tpu.memref_slice %arg3[%dma_start3A_401, %multiple_of3A_389] : memref<64x1000000xf32, #tpu.memory_space<hbm>> -> memref<64x128xf32, #tpu.memory_space<hbm>>
      tpu.enqueue_dma source(%dma_start3A_402 : memref<64x128xf32, #tpu.memory_space<hbm>>) target(%dma_start3A_400 : memref<64x128xf32, #tpu.memory_space<vmem>>) target_semaphore(%arg14 : memref<!tpu.dma_semaphore, #tpu.memory_space<semaphore_mem>>)
      %dma_wait3A_403 = arith.constant 0 : i32
      %dma_wait3A_404 = tpu.memref_slice %arg4[%dma_wait3A_403, %multiple_of3A_49] : memref<64x200xf32, #tpu.memory_space<hbm>> -> memref<64x128xf32, #tpu.memory_space<hbm>>
      %dma_wait3A_405 = arith.constant 0 : i32
      %dma_wait3A_406 = tpu.memref_slice %arg4[%dma_wait3A_405, %multiple_of3A_49] : memref<64x200xf32, #tpu.memory_space<hbm>> -> memref<64x128xf32, #tpu.memory_space<hbm>>
      tpu.wait_dma2 semaphore(%arg16 : memref<!tpu.dma_semaphore, #tpu.memory_space<semaphore_mem>>) src(%dma_wait3A_406 : memref<64x128xf32, #tpu.memory_space<hbm>>) dst(%arg9 : memref<64x128xf32, #tpu.memory_space<vmem>>)
      %broadcast_in_dim3A_407 = arith.constant 0.000000e+00 : f32
      %broadcast_in_dim3A_408 = vector.broadcast %broadcast_in_dim3A_407 : f32 to vector<16xf32>
      %broadcast_in_dim3A_409 = arith.constant 0.000000e+00 : f32
      %broadcast_in_dim3A_410 = vector.broadcast %broadcast_in_dim3A_409 : f32 to vector<16xf32>
      %broadcast_in_dim3A_411 = arith.constant 0.000000e+00 : f32
      %broadcast_in_dim3A_412 = vector.broadcast %broadcast_in_dim3A_411 : f32 to vector<16xf32>
      %broadcast_in_dim3A_413 = arith.constant 0.000000e+00 : f32
      %broadcast_in_dim3A_414 = vector.broadcast %broadcast_in_dim3A_413 : f32 to vector<16xf32>
      %add3A_415 = arith.constant 0 : i32
      %add3A_416 = arith.addi %multiple_of3A, %add3A_415 : i32
      %sub3A_417 = arith.subi %add3A_416, %multiple_of3A_49 : i32
      %broadcast_in_dim3A_418 = vector.broadcast %sub3A_417 : i32 to vector<16xi32>
      %gather3A = tpu.vector_load_idx %arg9[%add3A_62, %broadcast_in_dim3A_418] : memref<64x128xf32, #tpu.memory_space<vmem>>[vector<16xi32>, vector<16xi32>], vector<16xf32>,
      %swap3A_419 = arith.constant 0 : i32
      %swap3A_420 = arith.index_cast %swap3A_419 : i32 to index
      %swap3A_421 = arith.constant 64 : index
      %swap3A_422 = tpu.vector_load %arg10[%swap3A_420, %swap3A_421] {strides = array<i32>} : memref<8x128xf32, #tpu.memory_space<vmem>>, vector<16xf32>,
      tpu.vector_store %arg10[%swap3A_420, %swap3A_421], %gather3A {strides = array<i32>} : memref<8x128xf32, #tpu.memory_space<vmem>>, vector<16xf32>,
      %add3A_423 = arith.addf %broadcast_in_dim3A_408, %gather3A : vector<16xf32>
      %gather3A_424 = tpu.vector_load_idx %arg9[%add3A_66, %broadcast_in_dim3A_418] : memref<64x128xf32, #tpu.memory_space<vmem>>[vector<16xi32>, vector<16xi32>], vector<16xf32>,
      %swap3A_425 = arith.constant 0 : i32
      %swap3A_426 = arith.index_cast %swap3A_425 : i32 to index
      %swap3A_427 = arith.constant 80 : index
      %swap3A_428 = tpu.vector_load %arg10[%swap3A_426, %swap3A_427] {strides = array<i32>} : memref<8x128xf32, #tpu.memory_space<vmem>>, vector<16xf32>,
      tpu.vector_store %arg10[%swap3A_426, %swap3A_427], %gather3A_424 {strides = array<i32>} : memref<8x128xf32, #tpu.memory_space<vmem>>, vector<16xf32>,
      %add3A_429 = arith.addf %broadcast_in_dim3A_410, %gather3A_424 : vector<16xf32>
      %gather3A_430 = tpu.vector_load_idx %arg9[%add3A_70, %broadcast_in_dim3A_418] : memref<64x128xf32, #tpu.memory_space<vmem>>[vector<16xi32>, vector<16xi32>], vector<16xf32>,
      %swap3A_431 = arith.constant 0 : i32
      %swap3A_432 = arith.index_cast %swap3A_431 : i32 to index
      %swap3A_433 = arith.constant 96 : index
      %swap3A_434 = tpu.vector_load %arg10[%swap3A_432, %swap3A_433] {strides = array<i32>} : memref<8x128xf32, #tpu.memory_space<vmem>>, vector<16xf32>,
      tpu.vector_store %arg10[%swap3A_432, %swap3A_433], %gather3A_430 {strides = array<i32>} : memref<8x128xf32, #tpu.memory_space<vmem>>, vector<16xf32>,
      %add3A_435 = arith.addf %broadcast_in_dim3A_412, %gather3A_430 : vector<16xf32>
      %gather3A_436 = tpu.vector_load_idx %arg9[%add3A_74, %broadcast_in_dim3A_418] : memref<64x128xf32, #tpu.memory_space<vmem>>[vector<16xi32>, vector<16xi32>], vector<16xf32>,
      %swap3A_437 = arith.constant 0 : i32
      %swap3A_438 = arith.index_cast %swap3A_437 : i32 to index
      %swap3A_439 = arith.constant 112 : index
      %swap3A_440 = tpu.vector_load %arg10[%swap3A_438, %swap3A_439] {strides = array<i32>} : memref<8x128xf32, #tpu.memory_space<vmem>>, vector<16xf32>,
      tpu.vector_store %arg10[%swap3A_438, %swap3A_439], %gather3A_436 {strides = array<i32>} : memref<8x128xf32, #tpu.memory_space<vmem>>, vector<16xf32>,
      %add3A_441 = arith.addf %broadcast_in_dim3A_414, %gather3A_436 : vector<16xf32>
      %add3A_442 = arith.constant 1 : i32
      %add3A_443 = arith.addi %multiple_of3A, %add3A_442 : i32
      %sub3A_444 = arith.subi %add3A_443, %multiple_of3A_49 : i32
      %broadcast_in_dim3A_445 = vector.broadcast %sub3A_444 : i32 to vector<16xi32>
      %gather3A_446 = tpu.vector_load_idx %arg9[%add3A_62, %broadcast_in_dim3A_445] : memref<64x128xf32, #tpu.memory_space<vmem>>[vector<16xi32>, vector<16xi32>], vector<16xf32>,
      %swap3A_447 = arith.constant 1 : i32
      %swap3A_448 = arith.index_cast %swap3A_447 : i32 to index
      %swap3A_449 = arith.constant 64 : index
      %swap3A_450 = tpu.vector_load %arg10[%swap3A_448, %swap3A_449] {strides = array<i32>} : memref<8x128xf32, #tpu.memory_space<vmem>>, vector<16xf32>,
      tpu.vector_store %arg10[%swap3A_448, %swap3A_449], %gather3A_446 {strides = array<i32>} : memref<8x128xf32, #tpu.memory_space<vmem>>, vector<16xf32>,
      %add3A_451 = arith.addf %add3A_423, %gather3A_446 : vector<16xf32>
      %gather3A_452 = tpu.vector_load_idx %arg9[%add3A_66, %broadcast_in_dim3A_445] : memref<64x128xf32, #tpu.memory_space<vmem>>[vector<16xi32>, vector<16xi32>], vector<16xf32>,
      %swap3A_453 = arith.constant 1 : i32
      %swap3A_454 = arith.index_cast %swap3A_453 : i32 to index
      %swap3A_455 = arith.constant 80 : index
      %swap3A_456 = tpu.vector_load %arg10[%swap3A_454, %swap3A_455] {strides = array<i32>} : memref<8x128xf32, #tpu.memory_space<vmem>>, vector<16xf32>,
      tpu.vector_store %arg10[%swap3A_454, %swap3A_455], %gather3A_452 {strides = array<i32>} : memref<8x128xf32, #tpu.memory_space<vmem>>, vector<16xf32>,
      %add3A_457 = arith.addf %add3A_429, %gather3A_452 : vector<16xf32>
      %gather3A_458 = tpu.vector_load_idx %arg9[%add3A_70, %broadcast_in_dim3A_445] : memref<64x128xf32, #tpu.memory_space<vmem>>[vector<16xi32>, vector<16xi32>], vector<16xf32>,
      %swap3A_459 = arith.constant 1 : i32
      %swap3A_460 = arith.index_cast %swap3A_459 : i32 to index
      %swap3A_461 = arith.constant 96 : index
      %swap3A_462 = tpu.vector_load %arg10[%swap3A_460, %swap3A_461] {strides = array<i32>} : memref<8x128xf32, #tpu.memory_space<vmem>>, vector<16xf32>,
      tpu.vector_store %arg10[%swap3A_460, %swap3A_461], %gather3A_458 {strides = array<i32>} : memref<8x128xf32, #tpu.memory_space<vmem>>, vector<16xf32>,
      %add3A_463 = arith.addf %add3A_435, %gather3A_458 : vector<16xf32>
      %gather3A_464 = tpu.vector_load_idx %arg9[%add3A_74, %broadcast_in_dim3A_445] : memref<64x128xf32, #tpu.memory_space<vmem>>[vector<16xi32>, vector<16xi32>], vector<16xf32>,
      %swap3A_465 = arith.constant 1 : i32
      %swap3A_466 = arith.index_cast %swap3A_465 : i32 to index
      %swap3A_467 = arith.constant 112 : index
      %swap3A_468 = tpu.vector_load %arg10[%swap3A_466, %swap3A_467] {strides = array<i32>} : memref<8x128xf32, #tpu.memory_space<vmem>>, vector<16xf32>,
      tpu.vector_store %arg10[%swap3A_466, %swap3A_467], %gather3A_464 {strides = array<i32>} : memref<8x128xf32, #tpu.memory_space<vmem>>, vector<16xf32>,
      %add3A_469 = arith.addf %add3A_441, %gather3A_464 : vector<16xf32>
      %add3A_470 = arith.constant 2 : i32
      %add3A_471 = arith.addi %multiple_of3A, %add3A_470 : i32
      %sub3A_472 = arith.subi %add3A_471, %multiple_of3A_49 : i32
      %broadcast_in_dim3A_473 = vector.broadcast %sub3A_472 : i32 to vector<16xi32>
      %gather3A_474 = tpu.vector_load_idx %arg9[%add3A_62, %broadcast_in_dim3A_473] : memref<64x128xf32, #tpu.memory_space<vmem>>[vector<16xi32>, vector<16xi32>], vector<16xf32>,
      %swap3A_475 = arith.constant 2 : i32
      %swap3A_476 = arith.index_cast %swap3A_475 : i32 to index
      %swap3A_477 = arith.constant 64 : index
      %swap3A_478 = tpu.vector_load %arg10[%swap3A_476, %swap3A_477] {strides = array<i32>} : memref<8x128xf32, #tpu.memory_space<vmem>>, vector<16xf32>,
      tpu.vector_store %arg10[%swap3A_476, %swap3A_477], %gather3A_474 {strides = array<i32>} : memref<8x128xf32, #tpu.memory_space<vmem>>, vector<16xf32>,
      %add3A_479 = arith.addf %add3A_451, %gather3A_474 : vector<16xf32>
      %gather3A_480 = tpu.vector_load_idx %arg9[%add3A_66, %broadcast_in_dim3A_473] : memref<64x128xf32, #tpu.memory_space<vmem>>[vector<16xi32>, vector<16xi32>], vector<16xf32>,
      %swap3A_481 = arith.constant 2 : i32
      %swap3A_482 = arith.index_cast %swap3A_481 : i32 to index
      %swap3A_483 = arith.constant 80 : index
      %swap3A_484 = tpu.vector_load %arg10[%swap3A_482, %swap3A_483] {strides = array<i32>} : memref<8x128xf32, #tpu.memory_space<vmem>>, vector<16xf32>,
      tpu.vector_store %arg10[%swap3A_482, %swap3A_483], %gather3A_480 {strides = array<i32>} : memref<8x128xf32, #tpu.memory_space<vmem>>, vector<16xf32>,
      %add3A_485 = arith.addf %add3A_457, %gather3A_480 : vector<16xf32>
      %gather3A_486 = tpu.vector_load_idx %arg9[%add3A_70, %broadcast_in_dim3A_473] : memref<64x128xf32, #tpu.memory_space<vmem>>[vector<16xi32>, vector<16xi32>], vector<16xf32>,
      %swap3A_487 = arith.constant 2 : i32
      %swap3A_488 = arith.index_cast %swap3A_487 : i32 to index
      %swap3A_489 = arith.constant 96 : index
      %swap3A_490 = tpu.vector_load %arg10[%swap3A_488, %swap3A_489] {strides = array<i32>} : memref<8x128xf32, #tpu.memory_space<vmem>>, vector<16xf32>,
      tpu.vector_store %arg10[%swap3A_488, %swap3A_489], %gather3A_486 {strides = array<i32>} : memref<8x128xf32, #tpu.memory_space<vmem>>, vector<16xf32>,
      %add3A_491 = arith.addf %add3A_463, %gather3A_486 : vector<16xf32>
      %gather3A_492 = tpu.vector_load_idx %arg9[%add3A_74, %broadcast_in_dim3A_473] : memref<64x128xf32, #tpu.memory_space<vmem>>[vector<16xi32>, vector<16xi32>], vector<16xf32>,
      %swap3A_493 = arith.constant 2 : i32
      %swap3A_494 = arith.index_cast %swap3A_493 : i32 to index
      %swap3A_495 = arith.constant 112 : index
      %swap3A_496 = tpu.vector_load %arg10[%swap3A_494, %swap3A_495] {strides = array<i32>} : memref<8x128xf32, #tpu.memory_space<vmem>>, vector<16xf32>,
      tpu.vector_store %arg10[%swap3A_494, %swap3A_495], %gather3A_492 {strides = array<i32>} : memref<8x128xf32, #tpu.memory_space<vmem>>, vector<16xf32>,
      %add3A_497 = arith.addf %add3A_469, %gather3A_492 : vector<16xf32>
      %add3A_498 = arith.constant 3 : i32
      %add3A_499 = arith.addi %multiple_of3A, %add3A_498 : i32
      %sub3A_500 = arith.subi %add3A_499, %multiple_of3A_49 : i32
      %broadcast_in_dim3A_501 = vector.broadcast %sub3A_500 : i32 to vector<16xi32>
      %gather3A_502 = tpu.vector_load_idx %arg9[%add3A_62, %broadcast_in_dim3A_501] : memref<64x128xf32, #tpu.memory_space<vmem>>[vector<16xi32>, vector<16xi32>], vector<16xf32>,
      %swap3A_503 = arith.constant 3 : i32
      %swap3A_504 = arith.index_cast %swap3A_503 : i32 to index
      %swap3A_505 = arith.constant 64 : index
      %swap3A_506 = tpu.vector_load %arg10[%swap3A_504, %swap3A_505] {strides = array<i32>} : memref<8x128xf32, #tpu.memory_space<vmem>>, vector<16xf32>,
      tpu.vector_store %arg10[%swap3A_504, %swap3A_505], %gather3A_502 {strides = array<i32>} : memref<8x128xf32, #tpu.memory_space<vmem>>, vector<16xf32>,
      %add3A_507 = arith.addf %add3A_479, %gather3A_502 : vector<16xf32>
      %gather3A_508 = tpu.vector_load_idx %arg9[%add3A_66, %broadcast_in_dim3A_501] : memref<64x128xf32, #tpu.memory_space<vmem>>[vector<16xi32>, vector<16xi32>], vector<16xf32>,
      %swap3A_509 = arith.constant 3 : i32
      %swap3A_510 = arith.index_cast %swap3A_509 : i32 to index
      %swap3A_511 = arith.constant 80 : index
      %swap3A_512 = tpu.vector_load %arg10[%swap3A_510, %swap3A_511] {strides = array<i32>} : memref<8x128xf32, #tpu.memory_space<vmem>>, vector<16xf32>,
      tpu.vector_store %arg10[%swap3A_510, %swap3A_511], %gather3A_508 {strides = array<i32>} : memref<8x128xf32, #tpu.memory_space<vmem>>, vector<16xf32>,
      %add3A_513 = arith.addf %add3A_485, %gather3A_508 : vector<16xf32>
      %gather3A_514 = tpu.vector_load_idx %arg9[%add3A_70, %broadcast_in_dim3A_501] : memref<64x128xf32, #tpu.memory_space<vmem>>[vector<16xi32>, vector<16xi32>], vector<16xf32>,
      %swap3A_515 = arith.constant 3 : i32
      %swap3A_516 = arith.index_cast %swap3A_515 : i32 to index
      %swap3A_517 = arith.constant 96 : index
      %swap3A_518 = tpu.vector_load %arg10[%swap3A_516, %swap3A_517] {strides = array<i32>} : memref<8x128xf32, #tpu.memory_space<vmem>>, vector<16xf32>,
      tpu.vector_store %arg10[%swap3A_516, %swap3A_517], %gather3A_514 {strides = array<i32>} : memref<8x128xf32, #tpu.memory_space<vmem>>, vector<16xf32>,
      %add3A_519 = arith.addf %add3A_491, %gather3A_514 : vector<16xf32>
      %gather3A_520 = tpu.vector_load_idx %arg9[%add3A_74, %broadcast_in_dim3A_501] : memref<64x128xf32, #tpu.memory_space<vmem>>[vector<16xi32>, vector<16xi32>], vector<16xf32>,
      %swap3A_521 = arith.constant 3 : i32
      %swap3A_522 = arith.index_cast %swap3A_521 : i32 to index
      %swap3A_523 = arith.constant 112 : index
      %swap3A_524 = tpu.vector_load %arg10[%swap3A_522, %swap3A_523] {strides = array<i32>} : memref<8x128xf32, #tpu.memory_space<vmem>>, vector<16xf32>,
      tpu.vector_store %arg10[%swap3A_522, %swap3A_523], %gather3A_520 {strides = array<i32>} : memref<8x128xf32, #tpu.memory_space<vmem>>, vector<16xf32>,
      %add3A_525 = arith.addf %add3A_497, %gather3A_520 : vector<16xf32>
      %add3A_526 = arith.constant 4 : i32
      %add3A_527 = arith.addi %multiple_of3A, %add3A_526 : i32
      %sub3A_528 = arith.subi %add3A_527, %multiple_of3A_49 : i32
      %broadcast_in_dim3A_529 = vector.broadcast %sub3A_528 : i32 to vector<16xi32>
      %gather3A_530 = tpu.vector_load_idx %arg9[%add3A_62, %broadcast_in_dim3A_529] : memref<64x128xf32, #tpu.memory_space<vmem>>[vector<16xi32>, vector<16xi32>], vector<16xf32>,
      %swap3A_531 = arith.constant 4 : i32
      %swap3A_532 = arith.index_cast %swap3A_531 : i32 to index
      %swap3A_533 = arith.constant 64 : index
      %swap3A_534 = tpu.vector_load %arg10[%swap3A_532, %swap3A_533] {strides = array<i32>} : memref<8x128xf32, #tpu.memory_space<vmem>>, vector<16xf32>,
      tpu.vector_store %arg10[%swap3A_532, %swap3A_533], %gather3A_530 {strides = array<i32>} : memref<8x128xf32, #tpu.memory_space<vmem>>, vector<16xf32>,
      %add3A_535 = arith.addf %add3A_507, %gather3A_530 : vector<16xf32>
      %gather3A_536 = tpu.vector_load_idx %arg9[%add3A_66, %broadcast_in_dim3A_529] : memref<64x128xf32, #tpu.memory_space<vmem>>[vector<16xi32>, vector<16xi32>], vector<16xf32>,
      %swap3A_537 = arith.constant 4 : i32
      %swap3A_538 = arith.index_cast %swap3A_537 : i32 to index
      %swap3A_539 = arith.constant 80 : index
      %swap3A_540 = tpu.vector_load %arg10[%swap3A_538, %swap3A_539] {strides = array<i32>} : memref<8x128xf32, #tpu.memory_space<vmem>>, vector<16xf32>,
      tpu.vector_store %arg10[%swap3A_538, %swap3A_539], %gather3A_536 {strides = array<i32>} : memref<8x128xf32, #tpu.memory_space<vmem>>, vector<16xf32>,
      %add3A_541 = arith.addf %add3A_513, %gather3A_536 : vector<16xf32>
      %gather3A_542 = tpu.vector_load_idx %arg9[%add3A_70, %broadcast_in_dim3A_529] : memref<64x128xf32, #tpu.memory_space<vmem>>[vector<16xi32>, vector<16xi32>], vector<16xf32>,
      %swap3A_543 = arith.constant 4 : i32
      %swap3A_544 = arith.index_cast %swap3A_543 : i32 to index
      %swap3A_545 = arith.constant 96 : index
      %swap3A_546 = tpu.vector_load %arg10[%swap3A_544, %swap3A_545] {strides = array<i32>} : memref<8x128xf32, #tpu.memory_space<vmem>>, vector<16xf32>,
      tpu.vector_store %arg10[%swap3A_544, %swap3A_545], %gather3A_542 {strides = array<i32>} : memref<8x128xf32, #tpu.memory_space<vmem>>, vector<16xf32>,
      %add3A_547 = arith.addf %add3A_519, %gather3A_542 : vector<16xf32>
      %gather3A_548 = tpu.vector_load_idx %arg9[%add3A_74, %broadcast_in_dim3A_529] : memref<64x128xf32, #tpu.memory_space<vmem>>[vector<16xi32>, vector<16xi32>], vector<16xf32>,
      %swap3A_549 = arith.constant 4 : i32
      %swap3A_550 = arith.index_cast %swap3A_549 : i32 to index
      %swap3A_551 = arith.constant 112 : index
      %swap3A_552 = tpu.vector_load %arg10[%swap3A_550, %swap3A_551] {strides = array<i32>} : memref<8x128xf32, #tpu.memory_space<vmem>>, vector<16xf32>,
      tpu.vector_store %arg10[%swap3A_550, %swap3A_551], %gather3A_548 {strides = array<i32>} : memref<8x128xf32, #tpu.memory_space<vmem>>, vector<16xf32>,
      %add3A_553 = arith.addf %add3A_525, %gather3A_548 : vector<16xf32>
      %add3A_554 = arith.constant 5 : i32
      %add3A_555 = arith.addi %multiple_of3A, %add3A_554 : i32
      %sub3A_556 = arith.subi %add3A_555, %multiple_of3A_49 : i32
      %broadcast_in_dim3A_557 = vector.broadcast %sub3A_556 : i32 to vector<16xi32>
      %gather3A_558 = tpu.vector_load_idx %arg9[%add3A_62, %broadcast_in_dim3A_557] : memref<64x128xf32, #tpu.memory_space<vmem>>[vector<16xi32>, vector<16xi32>], vector<16xf32>,
      %swap3A_559 = arith.constant 5 : i32
      %swap3A_560 = arith.index_cast %swap3A_559 : i32 to index
      %swap3A_561 = arith.constant 64 : index
      %swap3A_562 = tpu.vector_load %arg10[%swap3A_560, %swap3A_561] {strides = array<i32>} : memref<8x128xf32, #tpu.memory_space<vmem>>, vector<16xf32>,
      tpu.vector_store %arg10[%swap3A_560, %swap3A_561], %gather3A_558 {strides = array<i32>} : memref<8x128xf32, #tpu.memory_space<vmem>>, vector<16xf32>,
      %add3A_563 = arith.addf %add3A_535, %gather3A_558 : vector<16xf32>
      %gather3A_564 = tpu.vector_load_idx %arg9[%add3A_66, %broadcast_in_dim3A_557] : memref<64x128xf32, #tpu.memory_space<vmem>>[vector<16xi32>, vector<16xi32>], vector<16xf32>,
      %swap3A_565 = arith.constant 5 : i32
      %swap3A_566 = arith.index_cast %swap3A_565 : i32 to index
      %swap3A_567 = arith.constant 80 : index
      %swap3A_568 = tpu.vector_load %arg10[%swap3A_566, %swap3A_567] {strides = array<i32>} : memref<8x128xf32, #tpu.memory_space<vmem>>, vector<16xf32>,
      tpu.vector_store %arg10[%swap3A_566, %swap3A_567], %gather3A_564 {strides = array<i32>} : memref<8x128xf32, #tpu.memory_space<vmem>>, vector<16xf32>,
      %add3A_569 = arith.addf %add3A_541, %gather3A_564 : vector<16xf32>
      %gather3A_570 = tpu.vector_load_idx %arg9[%add3A_70, %broadcast_in_dim3A_557] : memref<64x128xf32, #tpu.memory_space<vmem>>[vector<16xi32>, vector<16xi32>], vector<16xf32>,
      %swap3A_571 = arith.constant 5 : i32
      %swap3A_572 = arith.index_cast %swap3A_571 : i32 to index
      %swap3A_573 = arith.constant 96 : index
      %swap3A_574 = tpu.vector_load %arg10[%swap3A_572, %swap3A_573] {strides = array<i32>} : memref<8x128xf32, #tpu.memory_space<vmem>>, vector<16xf32>,
      tpu.vector_store %arg10[%swap3A_572, %swap3A_573], %gather3A_570 {strides = array<i32>} : memref<8x128xf32, #tpu.memory_space<vmem>>, vector<16xf32>,
      %add3A_575 = arith.addf %add3A_547, %gather3A_570 : vector<16xf32>
      %gather3A_576 = tpu.vector_load_idx %arg9[%add3A_74, %broadcast_in_dim3A_557] : memref<64x128xf32, #tpu.memory_space<vmem>>[vector<16xi32>, vector<16xi32>], vector<16xf32>,
      %swap3A_577 = arith.constant 5 : i32
      %swap3A_578 = arith.index_cast %swap3A_577 : i32 to index
      %swap3A_579 = arith.constant 112 : index
      %swap3A_580 = tpu.vector_load %arg10[%swap3A_578, %swap3A_579] {strides = array<i32>} : memref<8x128xf32, #tpu.memory_space<vmem>>, vector<16xf32>,
      tpu.vector_store %arg10[%swap3A_578, %swap3A_579], %gather3A_576 {strides = array<i32>} : memref<8x128xf32, #tpu.memory_space<vmem>>, vector<16xf32>,
      %add3A_581 = arith.addf %add3A_553, %gather3A_576 : vector<16xf32>
      %add3A_582 = arith.constant 6 : i32
      %add3A_583 = arith.addi %multiple_of3A, %add3A_582 : i32
      %sub3A_584 = arith.subi %add3A_583, %multiple_of3A_49 : i32
      %broadcast_in_dim3A_585 = vector.broadcast %sub3A_584 : i32 to vector<16xi32>
      %gather3A_586 = tpu.vector_load_idx %arg9[%add3A_62, %broadcast_in_dim3A_585] : memref<64x128xf32, #tpu.memory_space<vmem>>[vector<16xi32>, vector<16xi32>], vector<16xf32>,
      %swap3A_587 = arith.constant 6 : i32
      %swap3A_588 = arith.index_cast %swap3A_587 : i32 to index
      %swap3A_589 = arith.constant 64 : index
      %swap3A_590 = tpu.vector_load %arg10[%swap3A_588, %swap3A_589] {strides = array<i32>} : memref<8x128xf32, #tpu.memory_space<vmem>>, vector<16xf32>,
      tpu.vector_store %arg10[%swap3A_588, %swap3A_589], %gather3A_586 {strides = array<i32>} : memref<8x128xf32, #tpu.memory_space<vmem>>, vector<16xf32>,
      %add3A_591 = arith.addf %add3A_563, %gather3A_586 : vector<16xf32>
      %gather3A_592 = tpu.vector_load_idx %arg9[%add3A_66, %broadcast_in_dim3A_585] : memref<64x128xf32, #tpu.memory_space<vmem>>[vector<16xi32>, vector<16xi32>], vector<16xf32>,
      %swap3A_593 = arith.constant 6 : i32
      %swap3A_594 = arith.index_cast %swap3A_593 : i32 to index
      %swap3A_595 = arith.constant 80 : index
      %swap3A_596 = tpu.vector_load %arg10[%swap3A_594, %swap3A_595] {strides = array<i32>} : memref<8x128xf32, #tpu.memory_space<vmem>>, vector<16xf32>,
      tpu.vector_store %arg10[%swap3A_594, %swap3A_595], %gather3A_592 {strides = array<i32>} : memref<8x128xf32, #tpu.memory_space<vmem>>, vector<16xf32>,
      %add3A_597 = arith.addf %add3A_569, %gather3A_592 : vector<16xf32>
      %gather3A_598 = tpu.vector_load_idx %arg9[%add3A_70, %broadcast_in_dim3A_585] : memref<64x128xf32, #tpu.memory_space<vmem>>[vector<16xi32>, vector<16xi32>], vector<16xf32>,
      %swap3A_599 = arith.constant 6 : i32
      %swap3A_600 = arith.index_cast %swap3A_599 : i32 to index
      %swap3A_601 = arith.constant 96 : index
      %swap3A_602 = tpu.vector_load %arg10[%swap3A_600, %swap3A_601] {strides = array<i32>} : memref<8x128xf32, #tpu.memory_space<vmem>>, vector<16xf32>,
      tpu.vector_store %arg10[%swap3A_600, %swap3A_601], %gather3A_598 {strides = array<i32>} : memref<8x128xf32, #tpu.memory_space<vmem>>, vector<16xf32>,
      %add3A_603 = arith.addf %add3A_575, %gather3A_598 : vector<16xf32>
      %gather3A_604 = tpu.vector_load_idx %arg9[%add3A_74, %broadcast_in_dim3A_585] : memref<64x128xf32, #tpu.memory_space<vmem>>[vector<16xi32>, vector<16xi32>], vector<16xf32>,
      %swap3A_605 = arith.constant 6 : i32
      %swap3A_606 = arith.index_cast %swap3A_605 : i32 to index
      %swap3A_607 = arith.constant 112 : index
      %swap3A_608 = tpu.vector_load %arg10[%swap3A_606, %swap3A_607] {strides = array<i32>} : memref<8x128xf32, #tpu.memory_space<vmem>>, vector<16xf32>,
      tpu.vector_store %arg10[%swap3A_606, %swap3A_607], %gather3A_604 {strides = array<i32>} : memref<8x128xf32, #tpu.memory_space<vmem>>, vector<16xf32>,
      %add3A_609 = arith.addf %add3A_581, %gather3A_604 : vector<16xf32>
      %add3A_610 = arith.constant 7 : i32
      %add3A_611 = arith.addi %multiple_of3A, %add3A_610 : i32
      %sub3A_612 = arith.subi %add3A_611, %multiple_of3A_49 : i32
      %broadcast_in_dim3A_613 = vector.broadcast %sub3A_612 : i32 to vector<16xi32>
      %gather3A_614 = tpu.vector_load_idx %arg9[%add3A_62, %broadcast_in_dim3A_613] : memref<64x128xf32, #tpu.memory_space<vmem>>[vector<16xi32>, vector<16xi32>], vector<16xf32>,
      %swap3A_615 = arith.constant 7 : i32
      %swap3A_616 = arith.index_cast %swap3A_615 : i32 to index
      %swap3A_617 = arith.constant 64 : index
      %swap3A_618 = tpu.vector_load %arg10[%swap3A_616, %swap3A_617] {strides = array<i32>} : memref<8x128xf32, #tpu.memory_space<vmem>>, vector<16xf32>,
      tpu.vector_store %arg10[%swap3A_616, %swap3A_617], %gather3A_614 {strides = array<i32>} : memref<8x128xf32, #tpu.memory_space<vmem>>, vector<16xf32>,
      %add3A_619 = arith.addf %add3A_591, %gather3A_614 : vector<16xf32>
      %gather3A_620 = tpu.vector_load_idx %arg9[%add3A_66, %broadcast_in_dim3A_613] : memref<64x128xf32, #tpu.memory_space<vmem>>[vector<16xi32>, vector<16xi32>], vector<16xf32>,
      %swap3A_621 = arith.constant 7 : i32
      %swap3A_622 = arith.index_cast %swap3A_621 : i32 to index
      %swap3A_623 = arith.constant 80 : index
      %swap3A_624 = tpu.vector_load %arg10[%swap3A_622, %swap3A_623] {strides = array<i32>} : memref<8x128xf32, #tpu.memory_space<vmem>>, vector<16xf32>,
      tpu.vector_store %arg10[%swap3A_622, %swap3A_623], %gather3A_620 {strides = array<i32>} : memref<8x128xf32, #tpu.memory_space<vmem>>, vector<16xf32>,
      %add3A_625 = arith.addf %add3A_597, %gather3A_620 : vector<16xf32>
      %gather3A_626 = tpu.vector_load_idx %arg9[%add3A_70, %broadcast_in_dim3A_613] : memref<64x128xf32, #tpu.memory_space<vmem>>[vector<16xi32>, vector<16xi32>], vector<16xf32>,
      %swap3A_627 = arith.constant 7 : i32
      %swap3A_628 = arith.index_cast %swap3A_627 : i32 to index
      %swap3A_629 = arith.constant 96 : index
      %swap3A_630 = tpu.vector_load %arg10[%swap3A_628, %swap3A_629] {strides = array<i32>} : memref<8x128xf32, #tpu.memory_space<vmem>>, vector<16xf32>,
      tpu.vector_store %arg10[%swap3A_628, %swap3A_629], %gather3A_626 {strides = array<i32>} : memref<8x128xf32, #tpu.memory_space<vmem>>, vector<16xf32>,
      %add3A_631 = arith.addf %add3A_603, %gather3A_626 : vector<16xf32>
      %gather3A_632 = tpu.vector_load_idx %arg9[%add3A_74, %broadcast_in_dim3A_613] : memref<64x128xf32, #tpu.memory_space<vmem>>[vector<16xi32>, vector<16xi32>], vector<16xf32>,
      %swap3A_633 = arith.constant 7 : i32
      %swap3A_634 = arith.index_cast %swap3A_633 : i32 to index
      %swap3A_635 = arith.constant 112 : index
      %swap3A_636 = tpu.vector_load %arg10[%swap3A_634, %swap3A_635] {strides = array<i32>} : memref<8x128xf32, #tpu.memory_space<vmem>>, vector<16xf32>,
      tpu.vector_store %arg10[%swap3A_634, %swap3A_635], %gather3A_632 {strides = array<i32>} : memref<8x128xf32, #tpu.memory_space<vmem>>, vector<16xf32>,
      %add3A_637 = arith.addf %add3A_609, %gather3A_632 : vector<16xf32>
      %dma_wait3A_638 = arith.constant 0 : i32
      %dma_wait3A_639 = arith.constant 0 : i32
      %dma_wait3A_640 = arith.constant 0 : i32
      %dma_wait3A_641 = tpu.memref_slice %arg8[%dma_wait3A_638, %dma_wait3A_639, %dma_wait3A_640] : memref<8x64x128xf32, #tpu.memory_space<vmem>> -> memref<1x64x128xf32, #tpu.memory_space<vmem>>
      %dma_wait3A_642 = tpu.memref_squeeze %dma_wait3A_641 : memref<1x64x128xf32, #tpu.memory_space<vmem>> -> memref<64x128xf32, #tpu.memory_space<vmem>>
      %dma_wait3A_643 = arith.constant 0 : i32
      %dma_wait3A_644 = tpu.memref_slice %arg3[%dma_wait3A_643, %multiple_of3A_95] : memref<64x1000000xf32, #tpu.memory_space<hbm>> -> memref<64x128xf32, #tpu.memory_space<hbm>>
      %dma_wait3A_645 = arith.constant 0 : i32
      %dma_wait3A_646 = arith.constant 0 : i32
      %dma_wait3A_647 = tpu.memref_slice %arg8[%dma_wait3A_638, %dma_wait3A_645, %dma_wait3A_646] : memref<8x64x128xf32, #tpu.memory_space<vmem>> -> memref<1x64x128xf32, #tpu.memory_space<vmem>>
      %dma_wait3A_648 = tpu.memref_squeeze %dma_wait3A_647 : memref<1x64x128xf32, #tpu.memory_space<vmem>> -> memref<64x128xf32, #tpu.memory_space<vmem>>
      %dma_wait3A_649 = arith.constant 0 : i32
      %dma_wait3A_650 = tpu.memref_slice %arg3[%dma_wait3A_649, %multiple_of3A_95] : memref<64x1000000xf32, #tpu.memory_space<hbm>> -> memref<64x128xf32, #tpu.memory_space<hbm>>
      tpu.wait_dma2 semaphore(%arg14 : memref<!tpu.dma_semaphore, #tpu.memory_space<semaphore_mem>>) src(%dma_wait3A_650 : memref<64x128xf32, #tpu.memory_space<hbm>>) dst(%dma_wait3A_648 : memref<64x128xf32, #tpu.memory_space<vmem>>)
      %dma_wait3A_651 = arith.constant 1 : i32
      %dma_wait3A_652 = arith.constant 0 : i32
      %dma_wait3A_653 = arith.constant 0 : i32
      %dma_wait3A_654 = tpu.memref_slice %arg8[%dma_wait3A_651, %dma_wait3A_652, %dma_wait3A_653] : memref<8x64x128xf32, #tpu.memory_space<vmem>> -> memref<1x64x128xf32, #tpu.memory_space<vmem>>
      %dma_wait3A_655 = tpu.memref_squeeze %dma_wait3A_654 : memref<1x64x128xf32, #tpu.memory_space<vmem>> -> memref<64x128xf32, #tpu.memory_space<vmem>>
      %dma_wait3A_656 = arith.constant 0 : i32
      %dma_wait3A_657 = tpu.memref_slice %arg3[%dma_wait3A_656, %multiple_of3A_137] : memref<64x1000000xf32, #tpu.memory_space<hbm>> -> memref<64x128xf32, #tpu.memory_space<hbm>>
      %dma_wait3A_658 = arith.constant 0 : i32
      %dma_wait3A_659 = arith.constant 0 : i32
      %dma_wait3A_660 = tpu.memref_slice %arg8[%dma_wait3A_651, %dma_wait3A_658, %dma_wait3A_659] : memref<8x64x128xf32, #tpu.memory_space<vmem>> -> memref<1x64x128xf32, #tpu.memory_space<vmem>>
      %dma_wait3A_661 = tpu.memref_squeeze %dma_wait3A_660 : memref<1x64x128xf32, #tpu.memory_space<vmem>> -> memref<64x128xf32, #tpu.memory_space<vmem>>
      %dma_wait3A_662 = arith.constant 0 : i32
      %dma_wait3A_663 = tpu.memref_slice %arg3[%dma_wait3A_662, %multiple_of3A_137] : memref<64x1000000xf32, #tpu.memory_space<hbm>> -> memref<64x128xf32, #tpu.memory_space<hbm>>
      tpu.wait_dma2 semaphore(%arg14 : memref<!tpu.dma_semaphore, #tpu.memory_space<semaphore_mem>>) src(%dma_wait3A_663 : memref<64x128xf32, #tpu.memory_space<hbm>>) dst(%dma_wait3A_661 : memref<64x128xf32, #tpu.memory_space<vmem>>)
      %dma_wait3A_664 = arith.constant 2 : i32
      %dma_wait3A_665 = arith.constant 0 : i32
      %dma_wait3A_666 = arith.constant 0 : i32
      %dma_wait3A_667 = tpu.memref_slice %arg8[%dma_wait3A_664, %dma_wait3A_665, %dma_wait3A_666] : memref<8x64x128xf32, #tpu.memory_space<vmem>> -> memref<1x64x128xf32, #tpu.memory_space<vmem>>
      %dma_wait3A_668 = tpu.memref_squeeze %dma_wait3A_667 : memref<1x64x128xf32, #tpu.memory_space<vmem>> -> memref<64x128xf32, #tpu.memory_space<vmem>>
      %dma_wait3A_669 = arith.constant 0 : i32
      %dma_wait3A_670 = tpu.memref_slice %arg3[%dma_wait3A_669, %multiple_of3A_179] : memref<64x1000000xf32, #tpu.memory_space<hbm>> -> memref<64x128xf32, #tpu.memory_space<hbm>>
      %dma_wait3A_671 = arith.constant 0 : i32
      %dma_wait3A_672 = arith.constant 0 : i32
      %dma_wait3A_673 = tpu.memref_slice %arg8[%dma_wait3A_664, %dma_wait3A_671, %dma_wait3A_672] : memref<8x64x128xf32, #tpu.memory_space<vmem>> -> memref<1x64x128xf32, #tpu.memory_space<vmem>>
      %dma_wait3A_674 = tpu.memref_squeeze %dma_wait3A_673 : memref<1x64x128xf32, #tpu.memory_space<vmem>> -> memref<64x128xf32, #tpu.memory_space<vmem>>
      %dma_wait3A_675 = arith.constant 0 : i32
      %dma_wait3A_676 = tpu.memref_slice %arg3[%dma_wait3A_675, %multiple_of3A_179] : memref<64x1000000xf32, #tpu.memory_space<hbm>> -> memref<64x128xf32, #tpu.memory_space<hbm>>
      tpu.wait_dma2 semaphore(%arg14 : memref<!tpu.dma_semaphore, #tpu.memory_space<semaphore_mem>>) src(%dma_wait3A_676 : memref<64x128xf32, #tpu.memory_space<hbm>>) dst(%dma_wait3A_674 : memref<64x128xf32, #tpu.memory_space<vmem>>)
      %dma_wait3A_677 = arith.constant 3 : i32
      %dma_wait3A_678 = arith.constant 0 : i32
      %dma_wait3A_679 = arith.constant 0 : i32
      %dma_wait3A_680 = tpu.memref_slice %arg8[%dma_wait3A_677, %dma_wait3A_678, %dma_wait3A_679] : memref<8x64x128xf32, #tpu.memory_space<vmem>> -> memref<1x64x128xf32, #tpu.memory_space<vmem>>
      %dma_wait3A_681 = tpu.memref_squeeze %dma_wait3A_680 : memref<1x64x128xf32, #tpu.memory_space<vmem>> -> memref<64x128xf32, #tpu.memory_space<vmem>>
      %dma_wait3A_682 = arith.constant 0 : i32
      %dma_wait3A_683 = tpu.memref_slice %arg3[%dma_wait3A_682, %multiple_of3A_221] : memref<64x1000000xf32, #tpu.memory_space<hbm>> -> memref<64x128xf32, #tpu.memory_space<hbm>>
      %dma_wait3A_684 = arith.constant 0 : i32
      %dma_wait3A_685 = arith.constant 0 : i32
      %dma_wait3A_686 = tpu.memref_slice %arg8[%dma_wait3A_677, %dma_wait3A_684, %dma_wait3A_685] : memref<8x64x128xf32, #tpu.memory_space<vmem>> -> memref<1x64x128xf32, #tpu.memory_space<vmem>>
      %dma_wait3A_687 = tpu.memref_squeeze %dma_wait3A_686 : memref<1x64x128xf32, #tpu.memory_space<vmem>> -> memref<64x128xf32, #tpu.memory_space<vmem>>
      %dma_wait3A_688 = arith.constant 0 : i32
      %dma_wait3A_689 = tpu.memref_slice %arg3[%dma_wait3A_688, %multiple_of3A_221] : memref<64x1000000xf32, #tpu.memory_space<hbm>> -> memref<64x128xf32, #tpu.memory_space<hbm>>
      tpu.wait_dma2 semaphore(%arg14 : memref<!tpu.dma_semaphore, #tpu.memory_space<semaphore_mem>>) src(%dma_wait3A_689 : memref<64x128xf32, #tpu.memory_space<hbm>>) dst(%dma_wait3A_687 : memref<64x128xf32, #tpu.memory_space<vmem>>)
      %dma_wait3A_690 = arith.constant 4 : i32
      %dma_wait3A_691 = arith.constant 0 : i32
      %dma_wait3A_692 = arith.constant 0 : i32
      %dma_wait3A_693 = tpu.memref_slice %arg8[%dma_wait3A_690, %dma_wait3A_691, %dma_wait3A_692] : memref<8x64x128xf32, #tpu.memory_space<vmem>> -> memref<1x64x128xf32, #tpu.memory_space<vmem>>
      %dma_wait3A_694 = tpu.memref_squeeze %dma_wait3A_693 : memref<1x64x128xf32, #tpu.memory_space<vmem>> -> memref<64x128xf32, #tpu.memory_space<vmem>>
      %dma_wait3A_695 = arith.constant 0 : i32
      %dma_wait3A_696 = tpu.memref_slice %arg3[%dma_wait3A_695, %multiple_of3A_263] : memref<64x1000000xf32, #tpu.memory_space<hbm>> -> memref<64x128xf32, #tpu.memory_space<hbm>>
      %dma_wait3A_697 = arith.constant 0 : i32
      %dma_wait3A_698 = arith.constant 0 : i32
      %dma_wait3A_699 = tpu.memref_slice %arg8[%dma_wait3A_690, %dma_wait3A_697, %dma_wait3A_698] : memref<8x64x128xf32, #tpu.memory_space<vmem>> -> memref<1x64x128xf32, #tpu.memory_space<vmem>>
      %dma_wait3A_700 = tpu.memref_squeeze %dma_wait3A_699 : memref<1x64x128xf32, #tpu.memory_space<vmem>> -> memref<64x128xf32, #tpu.memory_space<vmem>>
      %dma_wait3A_701 = arith.constant 0 : i32
      %dma_wait3A_702 = tpu.memref_slice %arg3[%dma_wait3A_701, %multiple_of3A_263] : memref<64x1000000xf32, #tpu.memory_space<hbm>> -> memref<64x128xf32, #tpu.memory_space<hbm>>
      tpu.wait_dma2 semaphore(%arg14 : memref<!tpu.dma_semaphore, #tpu.memory_space<semaphore_mem>>) src(%dma_wait3A_702 : memref<64x128xf32, #tpu.memory_space<hbm>>) dst(%dma_wait3A_700 : memref<64x128xf32, #tpu.memory_space<vmem>>)
      %dma_wait3A_703 = arith.constant 5 : i32
      %dma_wait3A_704 = arith.constant 0 : i32
      %dma_wait3A_705 = arith.constant 0 : i32
      %dma_wait3A_706 = tpu.memref_slice %arg8[%dma_wait3A_703, %dma_wait3A_704, %dma_wait3A_705] : memref<8x64x128xf32, #tpu.memory_space<vmem>> -> memref<1x64x128xf32, #tpu.memory_space<vmem>>
      %dma_wait3A_707 = tpu.memref_squeeze %dma_wait3A_706 : memref<1x64x128xf32, #tpu.memory_space<vmem>> -> memref<64x128xf32, #tpu.memory_space<vmem>>
      %dma_wait3A_708 = arith.constant 0 : i32
      %dma_wait3A_709 = tpu.memref_slice %arg3[%dma_wait3A_708, %multiple_of3A_305] : memref<64x1000000xf32, #tpu.memory_space<hbm>> -> memref<64x128xf32, #tpu.memory_space<hbm>>
      %dma_wait3A_710 = arith.constant 0 : i32
      %dma_wait3A_711 = arith.constant 0 : i32
      %dma_wait3A_712 = tpu.memref_slice %arg8[%dma_wait3A_703, %dma_wait3A_710, %dma_wait3A_711] : memref<8x64x128xf32, #tpu.memory_space<vmem>> -> memref<1x64x128xf32, #tpu.memory_space<vmem>>
      %dma_wait3A_713 = tpu.memref_squeeze %dma_wait3A_712 : memref<1x64x128xf32, #tpu.memory_space<vmem>> -> memref<64x128xf32, #tpu.memory_space<vmem>>
      %dma_wait3A_714 = arith.constant 0 : i32
      %dma_wait3A_715 = tpu.memref_slice %arg3[%dma_wait3A_714, %multiple_of3A_305] : memref<64x1000000xf32, #tpu.memory_space<hbm>> -> memref<64x128xf32, #tpu.memory_space<hbm>>
      tpu.wait_dma2 semaphore(%arg14 : memref<!tpu.dma_semaphore, #tpu.memory_space<semaphore_mem>>) src(%dma_wait3A_715 : memref<64x128xf32, #tpu.memory_space<hbm>>) dst(%dma_wait3A_713 : memref<64x128xf32, #tpu.memory_space<vmem>>)
      %dma_wait3A_716 = arith.constant 6 : i32
      %dma_wait3A_717 = arith.constant 0 : i32
      %dma_wait3A_718 = arith.constant 0 : i32
      %dma_wait3A_719 = tpu.memref_slice %arg8[%dma_wait3A_716, %dma_wait3A_717, %dma_wait3A_718] : memref<8x64x128xf32, #tpu.memory_space<vmem>> -> memref<1x64x128xf32, #tpu.memory_space<vmem>>
      %dma_wait3A_720 = tpu.memref_squeeze %dma_wait3A_719 : memref<1x64x128xf32, #tpu.memory_space<vmem>> -> memref<64x128xf32, #tpu.memory_space<vmem>>
      %dma_wait3A_721 = arith.constant 0 : i32
      %dma_wait3A_722 = tpu.memref_slice %arg3[%dma_wait3A_721, %multiple_of3A_347] : memref<64x1000000xf32, #tpu.memory_space<hbm>> -> memref<64x128xf32, #tpu.memory_space<hbm>>
      %dma_wait3A_723 = arith.constant 0 : i32
      %dma_wait3A_724 = arith.constant 0 : i32
      %dma_wait3A_725 = tpu.memref_slice %arg8[%dma_wait3A_716, %dma_wait3A_723, %dma_wait3A_724] : memref<8x64x128xf32, #tpu.memory_space<vmem>> -> memref<1x64x128xf32, #tpu.memory_space<vmem>>
      %dma_wait3A_726 = tpu.memref_squeeze %dma_wait3A_725 : memref<1x64x128xf32, #tpu.memory_space<vmem>> -> memref<64x128xf32, #tpu.memory_space<vmem>>
      %dma_wait3A_727 = arith.constant 0 : i32
      %dma_wait3A_728 = tpu.memref_slice %arg3[%dma_wait3A_727, %multiple_of3A_347] : memref<64x1000000xf32, #tpu.memory_space<hbm>> -> memref<64x128xf32, #tpu.memory_space<hbm>>
      tpu.wait_dma2 semaphore(%arg14 : memref<!tpu.dma_semaphore, #tpu.memory_space<semaphore_mem>>) src(%dma_wait3A_728 : memref<64x128xf32, #tpu.memory_space<hbm>>) dst(%dma_wait3A_726 : memref<64x128xf32, #tpu.memory_space<vmem>>)
      %dma_wait3A_729 = arith.constant 7 : i32
      %dma_wait3A_730 = arith.constant 0 : i32
      %dma_wait3A_731 = arith.constant 0 : i32
      %dma_wait3A_732 = tpu.memref_slice %arg8[%dma_wait3A_729, %dma_wait3A_730, %dma_wait3A_731] : memref<8x64x128xf32, #tpu.memory_space<vmem>> -> memref<1x64x128xf32, #tpu.memory_space<vmem>>
      %dma_wait3A_733 = tpu.memref_squeeze %dma_wait3A_732 : memref<1x64x128xf32, #tpu.memory_space<vmem>> -> memref<64x128xf32, #tpu.memory_space<vmem>>
      %dma_wait3A_734 = arith.constant 0 : i32
      %dma_wait3A_735 = tpu.memref_slice %arg3[%dma_wait3A_734, %multiple_of3A_389] : memref<64x1000000xf32, #tpu.memory_space<hbm>> -> memref<64x128xf32, #tpu.memory_space<hbm>>
      %dma_wait3A_736 = arith.constant 0 : i32
      %dma_wait3A_737 = arith.constant 0 : i32
      %dma_wait3A_738 = tpu.memref_slice %arg8[%dma_wait3A_729, %dma_wait3A_736, %dma_wait3A_737] : memref<8x64x128xf32, #tpu.memory_space<vmem>> -> memref<1x64x128xf32, #tpu.memory_space<vmem>>
      %dma_wait3A_739 = tpu.memref_squeeze %dma_wait3A_738 : memref<1x64x128xf32, #tpu.memory_space<vmem>> -> memref<64x128xf32, #tpu.memory_space<vmem>>
      %dma_wait3A_740 = arith.constant 0 : i32
      %dma_wait3A_741 = tpu.memref_slice %arg3[%dma_wait3A_740, %multiple_of3A_389] : memref<64x1000000xf32, #tpu.memory_space<hbm>> -> memref<64x128xf32, #tpu.memory_space<hbm>>
      tpu.wait_dma2 semaphore(%arg14 : memref<!tpu.dma_semaphore, #tpu.memory_space<semaphore_mem>>) src(%dma_wait3A_741 : memref<64x128xf32, #tpu.memory_space<hbm>>) dst(%dma_wait3A_739 : memref<64x128xf32, #tpu.memory_space<vmem>>)
      %broadcast_in_dim3A_742 = arith.constant 0.000000e+00 : f32
      %broadcast_in_dim3A_743 = vector.broadcast %broadcast_in_dim3A_742 : f32 to vector<16xf32>
      %broadcast_in_dim3A_744 = arith.constant 0.000000e+00 : f32
      %broadcast_in_dim3A_745 = vector.broadcast %broadcast_in_dim3A_744 : f32 to vector<16xf32>
      %broadcast_in_dim3A_746 = arith.constant 0.000000e+00 : f32
      %broadcast_in_dim3A_747 = vector.broadcast %broadcast_in_dim3A_746 : f32 to vector<16xf32>
      %broadcast_in_dim3A_748 = arith.constant 0.000000e+00 : f32
      %broadcast_in_dim3A_749 = vector.broadcast %broadcast_in_dim3A_748 : f32 to vector<16xf32>
      %slice3A_750 = vector.extract_strided_slice %get3A_59 {offsets = [0], sizes = [1], strides = [1]} : vector<16xi32> to vector<1xi32>
      %squeeze3A_751 = vector.extract %slice3A_750[0] : i32 from vector<1xi32>
      %jit3A_752 = arith.constant 128 : i32
      %eq3A_753 = arith.constant 0 : i32
      %eq3A_754 = arith.cmpi eq, %jit3A_752, %eq3A_753 : i32
      %jit3A_755 = arith.constant 1 : i32
      %select_n3A_756 = arith.select %eq3A_754, %jit3A_755, %jit3A_752 : i32
      %rem3A_757 = arith.remsi %squeeze3A_751, %select_n3A_756 : i32
      %ne3A_758 = arith.constant 0 : i32
      %ne3A_759 = arith.cmpi ne, %rem3A_757, %ne3A_758 : i32
      %lt3A_760 = arith.constant 0 : i32
      %lt3A_761 = arith.cmpi slt, %rem3A_757, %lt3A_760 : i32
      %lt3A_762 = arith.constant 0 : i32
      %lt3A_763 = arith.cmpi slt, %select_n3A_756, %lt3A_762 : i32
      %ne3A_764 = arith.xori %lt3A_761, %lt3A_763 : i1
      %and3A_765 = arith.andi %ne3A_764, %ne3A_759 : i1
      %add3A_766 = arith.addi %rem3A_757, %select_n3A_756 : i32
      %select_n3A_767 = arith.select %and3A_765, %add3A_766, %rem3A_757 : i32
      %broadcast_in_dim3A_768 = vector.broadcast %select_n3A_767 : i32 to vector<16xi32>
      %gather3A_769 = arith.constant 0 : i32
      %gather3A_770 = arith.constant 0 : i32
      %gather3A_771 = arith.constant 0 : i32
      %gather3A_772 = tpu.memref_slice %arg8[%gather3A_769, %gather3A_770, %gather3A_771] : memref<8x64x128xf32, #tpu.memory_space<vmem>> -> memref<1x64x128xf32, #tpu.memory_space<vmem>>
      %gather3A_773 = tpu.memref_squeeze %gather3A_772 : memref<1x64x128xf32, #tpu.memory_space<vmem>> -> memref<64x128xf32, #tpu.memory_space<vmem>>
      %gather3A_774 = tpu.vector_load_idx %gather3A_773[%add3A_62, %broadcast_in_dim3A_768] : memref<64x128xf32, #tpu.memory_space<vmem>>[vector<16xi32>, vector<16xi32>], vector<16xf32>,
      %swap3A_775 = arith.constant 0 : i32
      %swap3A_776 = arith.index_cast %swap3A_775 : i32 to index
      %swap3A_777 = arith.constant 0 : index
      %swap3A_778 = tpu.vector_load %arg10[%swap3A_776, %swap3A_777] {strides = array<i32>} : memref<8x128xf32, #tpu.memory_space<vmem>>, vector<16xf32>,
      tpu.vector_store %arg10[%swap3A_776, %swap3A_777], %gather3A_774 {strides = array<i32>} : memref<8x128xf32, #tpu.memory_space<vmem>>, vector<16xf32>,
      %add3A_779 = arith.addf %broadcast_in_dim3A_743, %gather3A_774 : vector<16xf32>
      %gather3A_780 = arith.constant 0 : i32
      %gather3A_781 = arith.constant 0 : i32
      %gather3A_782 = arith.constant 0 : i32
      %gather3A_783 = tpu.memref_slice %arg8[%gather3A_780, %gather3A_781, %gather3A_782] : memref<8x64x128xf32, #tpu.memory_space<vmem>> -> memref<1x64x128xf32, #tpu.memory_space<vmem>>
      %gather3A_784 = tpu.memref_squeeze %gather3A_783 : memref<1x64x128xf32, #tpu.memory_space<vmem>> -> memref<64x128xf32, #tpu.memory_space<vmem>>
      %gather3A_785 = tpu.vector_load_idx %gather3A_784[%add3A_66, %broadcast_in_dim3A_768] : memref<64x128xf32, #tpu.memory_space<vmem>>[vector<16xi32>, vector<16xi32>], vector<16xf32>,
      %swap3A_786 = arith.constant 0 : i32
      %swap3A_787 = arith.index_cast %swap3A_786 : i32 to index
      %swap3A_788 = arith.constant 16 : index
      %swap3A_789 = tpu.vector_load %arg10[%swap3A_787, %swap3A_788] {strides = array<i32>} : memref<8x128xf32, #tpu.memory_space<vmem>>, vector<16xf32>,
      tpu.vector_store %arg10[%swap3A_787, %swap3A_788], %gather3A_785 {strides = array<i32>} : memref<8x128xf32, #tpu.memory_space<vmem>>, vector<16xf32>,
      %add3A_790 = arith.addf %broadcast_in_dim3A_745, %gather3A_785 : vector<16xf32>
      %gather3A_791 = arith.constant 0 : i32
      %gather3A_792 = arith.constant 0 : i32
      %gather3A_793 = arith.constant 0 : i32
      %gather3A_794 = tpu.memref_slice %arg8[%gather3A_791, %gather3A_792, %gather3A_793] : memref<8x64x128xf32, #tpu.memory_space<vmem>> -> memref<1x64x128xf32, #tpu.memory_space<vmem>>
      %gather3A_795 = tpu.memref_squeeze %gather3A_794 : memref<1x64x128xf32, #tpu.memory_space<vmem>> -> memref<64x128xf32, #tpu.memory_space<vmem>>
      %gather3A_796 = tpu.vector_load_idx %gather3A_795[%add3A_70, %broadcast_in_dim3A_768] : memref<64x128xf32, #tpu.memory_space<vmem>>[vector<16xi32>, vector<16xi32>], vector<16xf32>,
      %swap3A_797 = arith.constant 0 : i32
      %swap3A_798 = arith.index_cast %swap3A_797 : i32 to index
      %swap3A_799 = arith.constant 32 : index
      %swap3A_800 = tpu.vector_load %arg10[%swap3A_798, %swap3A_799] {strides = array<i32>} : memref<8x128xf32, #tpu.memory_space<vmem>>, vector<16xf32>,
      tpu.vector_store %arg10[%swap3A_798, %swap3A_799], %gather3A_796 {strides = array<i32>} : memref<8x128xf32, #tpu.memory_space<vmem>>, vector<16xf32>,
      %add3A_801 = arith.addf %broadcast_in_dim3A_747, %gather3A_796 : vector<16xf32>
      %gather3A_802 = arith.constant 0 : i32
      %gather3A_803 = arith.constant 0 : i32
      %gather3A_804 = arith.constant 0 : i32
      %gather3A_805 = tpu.memref_slice %arg8[%gather3A_802, %gather3A_803, %gather3A_804] : memref<8x64x128xf32, #tpu.memory_space<vmem>> -> memref<1x64x128xf32, #tpu.memory_space<vmem>>
      %gather3A_806 = tpu.memref_squeeze %gather3A_805 : memref<1x64x128xf32, #tpu.memory_space<vmem>> -> memref<64x128xf32, #tpu.memory_space<vmem>>
      %gather3A_807 = tpu.vector_load_idx %gather3A_806[%add3A_74, %broadcast_in_dim3A_768] : memref<64x128xf32, #tpu.memory_space<vmem>>[vector<16xi32>, vector<16xi32>], vector<16xf32>,
      %swap3A_808 = arith.constant 0 : i32
      %swap3A_809 = arith.index_cast %swap3A_808 : i32 to index
      %swap3A_810 = arith.constant 48 : index
      %swap3A_811 = tpu.vector_load %arg10[%swap3A_809, %swap3A_810] {strides = array<i32>} : memref<8x128xf32, #tpu.memory_space<vmem>>, vector<16xf32>,
      tpu.vector_store %arg10[%swap3A_809, %swap3A_810], %gather3A_807 {strides = array<i32>} : memref<8x128xf32, #tpu.memory_space<vmem>>, vector<16xf32>,
      %add3A_812 = arith.addf %broadcast_in_dim3A_749, %gather3A_807 : vector<16xf32>
      %slice3A_813 = vector.extract_strided_slice %get3A_59 {offsets = [1], sizes = [1], strides = [1]} : vector<16xi32> to vector<1xi32>
      %squeeze3A_814 = vector.extract %slice3A_813[0] : i32 from vector<1xi32>
      %jit3A_815 = arith.constant 128 : i32
      %eq3A_816 = arith.constant 0 : i32
      %eq3A_817 = arith.cmpi eq, %jit3A_815, %eq3A_816 : i32
      %jit3A_818 = arith.constant 1 : i32
      %select_n3A_819 = arith.select %eq3A_817, %jit3A_818, %jit3A_815 : i32
      %rem3A_820 = arith.remsi %squeeze3A_814, %select_n3A_819 : i32
      %ne3A_821 = arith.constant 0 : i32
      %ne3A_822 = arith.cmpi ne, %rem3A_820, %ne3A_821 : i32
      %lt3A_823 = arith.constant 0 : i32
      %lt3A_824 = arith.cmpi slt, %rem3A_820, %lt3A_823 : i32
      %lt3A_825 = arith.constant 0 : i32
      %lt3A_826 = arith.cmpi slt, %select_n3A_819, %lt3A_825 : i32
      %ne3A_827 = arith.xori %lt3A_824, %lt3A_826 : i1
      %and3A_828 = arith.andi %ne3A_827, %ne3A_822 : i1
      %add3A_829 = arith.addi %rem3A_820, %select_n3A_819 : i32
      %select_n3A_830 = arith.select %and3A_828, %add3A_829, %rem3A_820 : i32
      %broadcast_in_dim3A_831 = vector.broadcast %select_n3A_830 : i32 to vector<16xi32>
      %gather3A_832 = arith.constant 1 : i32
      %gather3A_833 = arith.constant 0 : i32
      %gather3A_834 = arith.constant 0 : i32
      %gather3A_835 = tpu.memref_slice %arg8[%gather3A_832, %gather3A_833, %gather3A_834] : memref<8x64x128xf32, #tpu.memory_space<vmem>> -> memref<1x64x128xf32, #tpu.memory_space<vmem>>
      %gather3A_836 = tpu.memref_squeeze %gather3A_835 : memref<1x64x128xf32, #tpu.memory_space<vmem>> -> memref<64x128xf32, #tpu.memory_space<vmem>>
      %gather3A_837 = tpu.vector_load_idx %gather3A_836[%add3A_62, %broadcast_in_dim3A_831] : memref<64x128xf32, #tpu.memory_space<vmem>>[vector<16xi32>, vector<16xi32>], vector<16xf32>,
      %swap3A_838 = arith.constant 1 : i32
      %swap3A_839 = arith.index_cast %swap3A_838 : i32 to index
      %swap3A_840 = arith.constant 0 : index
      %swap3A_841 = tpu.vector_load %arg10[%swap3A_839, %swap3A_840] {strides = array<i32>} : memref<8x128xf32, #tpu.memory_space<vmem>>, vector<16xf32>,
      tpu.vector_store %arg10[%swap3A_839, %swap3A_840], %gather3A_837 {strides = array<i32>} : memref<8x128xf32, #tpu.memory_space<vmem>>, vector<16xf32>,
      %add3A_842 = arith.addf %add3A_779, %gather3A_837 : vector<16xf32>
      %gather3A_843 = arith.constant 1 : i32
      %gather3A_844 = arith.constant 0 : i32
      %gather3A_845 = arith.constant 0 : i32
      %gather3A_846 = tpu.memref_slice %arg8[%gather3A_843, %gather3A_844, %gather3A_845] : memref<8x64x128xf32, #tpu.memory_space<vmem>> -> memref<1x64x128xf32, #tpu.memory_space<vmem>>
      %gather3A_847 = tpu.memref_squeeze %gather3A_846 : memref<1x64x128xf32, #tpu.memory_space<vmem>> -> memref<64x128xf32, #tpu.memory_space<vmem>>
      %gather3A_848 = tpu.vector_load_idx %gather3A_847[%add3A_66, %broadcast_in_dim3A_831] : memref<64x128xf32, #tpu.memory_space<vmem>>[vector<16xi32>, vector<16xi32>], vector<16xf32>,
      %swap3A_849 = arith.constant 1 : i32
      %swap3A_850 = arith.index_cast %swap3A_849 : i32 to index
      %swap3A_851 = arith.constant 16 : index
      %swap3A_852 = tpu.vector_load %arg10[%swap3A_850, %swap3A_851] {strides = array<i32>} : memref<8x128xf32, #tpu.memory_space<vmem>>, vector<16xf32>,
      tpu.vector_store %arg10[%swap3A_850, %swap3A_851], %gather3A_848 {strides = array<i32>} : memref<8x128xf32, #tpu.memory_space<vmem>>, vector<16xf32>,
      %add3A_853 = arith.addf %add3A_790, %gather3A_848 : vector<16xf32>
      %gather3A_854 = arith.constant 1 : i32
      %gather3A_855 = arith.constant 0 : i32
      %gather3A_856 = arith.constant 0 : i32
      %gather3A_857 = tpu.memref_slice %arg8[%gather3A_854, %gather3A_855, %gather3A_856] : memref<8x64x128xf32, #tpu.memory_space<vmem>> -> memref<1x64x128xf32, #tpu.memory_space<vmem>>
      %gather3A_858 = tpu.memref_squeeze %gather3A_857 : memref<1x64x128xf32, #tpu.memory_space<vmem>> -> memref<64x128xf32, #tpu.memory_space<vmem>>
      %gather3A_859 = tpu.vector_load_idx %gather3A_858[%add3A_70, %broadcast_in_dim3A_831] : memref<64x128xf32, #tpu.memory_space<vmem>>[vector<16xi32>, vector<16xi32>], vector<16xf32>,
      %swap3A_860 = arith.constant 1 : i32
      %swap3A_861 = arith.index_cast %swap3A_860 : i32 to index
      %swap3A_862 = arith.constant 32 : index
      %swap3A_863 = tpu.vector_load %arg10[%swap3A_861, %swap3A_862] {strides = array<i32>} : memref<8x128xf32, #tpu.memory_space<vmem>>, vector<16xf32>,
      tpu.vector_store %arg10[%swap3A_861, %swap3A_862], %gather3A_859 {strides = array<i32>} : memref<8x128xf32, #tpu.memory_space<vmem>>, vector<16xf32>,
      %add3A_864 = arith.addf %add3A_801, %gather3A_859 : vector<16xf32>
      %gather3A_865 = arith.constant 1 : i32
      %gather3A_866 = arith.constant 0 : i32
      %gather3A_867 = arith.constant 0 : i32
      %gather3A_868 = tpu.memref_slice %arg8[%gather3A_865, %gather3A_866, %gather3A_867] : memref<8x64x128xf32, #tpu.memory_space<vmem>> -> memref<1x64x128xf32, #tpu.memory_space<vmem>>
      %gather3A_869 = tpu.memref_squeeze %gather3A_868 : memref<1x64x128xf32, #tpu.memory_space<vmem>> -> memref<64x128xf32, #tpu.memory_space<vmem>>
      %gather3A_870 = tpu.vector_load_idx %gather3A_869[%add3A_74, %broadcast_in_dim3A_831] : memref<64x128xf32, #tpu.memory_space<vmem>>[vector<16xi32>, vector<16xi32>], vector<16xf32>,
      %swap3A_871 = arith.constant 1 : i32
      %swap3A_872 = arith.index_cast %swap3A_871 : i32 to index
      %swap3A_873 = arith.constant 48 : index
      %swap3A_874 = tpu.vector_load %arg10[%swap3A_872, %swap3A_873] {strides = array<i32>} : memref<8x128xf32, #tpu.memory_space<vmem>>, vector<16xf32>,
      tpu.vector_store %arg10[%swap3A_872, %swap3A_873], %gather3A_870 {strides = array<i32>} : memref<8x128xf32, #tpu.memory_space<vmem>>, vector<16xf32>,
      %add3A_875 = arith.addf %add3A_812, %gather3A_870 : vector<16xf32>
      %slice3A_876 = vector.extract_strided_slice %get3A_59 {offsets = [2], sizes = [1], strides = [1]} : vector<16xi32> to vector<1xi32>
      %squeeze3A_877 = vector.extract %slice3A_876[0] : i32 from vector<1xi32>
      %jit3A_878 = arith.constant 128 : i32
      %eq3A_879 = arith.constant 0 : i32
      %eq3A_880 = arith.cmpi eq, %jit3A_878, %eq3A_879 : i32
      %jit3A_881 = arith.constant 1 : i32
      %select_n3A_882 = arith.select %eq3A_880, %jit3A_881, %jit3A_878 : i32
      %rem3A_883 = arith.remsi %squeeze3A_877, %select_n3A_882 : i32
      %ne3A_884 = arith.constant 0 : i32
      %ne3A_885 = arith.cmpi ne, %rem3A_883, %ne3A_884 : i32
      %lt3A_886 = arith.constant 0 : i32
      %lt3A_887 = arith.cmpi slt, %rem3A_883, %lt3A_886 : i32
      %lt3A_888 = arith.constant 0 : i32
      %lt3A_889 = arith.cmpi slt, %select_n3A_882, %lt3A_888 : i32
      %ne3A_890 = arith.xori %lt3A_887, %lt3A_889 : i1
      %and3A_891 = arith.andi %ne3A_890, %ne3A_885 : i1
      %add3A_892 = arith.addi %rem3A_883, %select_n3A_882 : i32
      %select_n3A_893 = arith.select %and3A_891, %add3A_892, %rem3A_883 : i32
      %broadcast_in_dim3A_894 = vector.broadcast %select_n3A_893 : i32 to vector<16xi32>
      %gather3A_895 = arith.constant 2 : i32
      %gather3A_896 = arith.constant 0 : i32
      %gather3A_897 = arith.constant 0 : i32
      %gather3A_898 = tpu.memref_slice %arg8[%gather3A_895, %gather3A_896, %gather3A_897] : memref<8x64x128xf32, #tpu.memory_space<vmem>> -> memref<1x64x128xf32, #tpu.memory_space<vmem>>
      %gather3A_899 = tpu.memref_squeeze %gather3A_898 : memref<1x64x128xf32, #tpu.memory_space<vmem>> -> memref<64x128xf32, #tpu.memory_space<vmem>>
      %gather3A_900 = tpu.vector_load_idx %gather3A_899[%add3A_62, %broadcast_in_dim3A_894] : memref<64x128xf32, #tpu.memory_space<vmem>>[vector<16xi32>, vector<16xi32>], vector<16xf32>,
      %swap3A_901 = arith.constant 2 : i32
      %swap3A_902 = arith.index_cast %swap3A_901 : i32 to index
      %swap3A_903 = arith.constant 0 : index
      %swap3A_904 = tpu.vector_load %arg10[%swap3A_902, %swap3A_903] {strides = array<i32>} : memref<8x128xf32, #tpu.memory_space<vmem>>, vector<16xf32>,
      tpu.vector_store %arg10[%swap3A_902, %swap3A_903], %gather3A_900 {strides = array<i32>} : memref<8x128xf32, #tpu.memory_space<vmem>>, vector<16xf32>,
      %add3A_905 = arith.addf %add3A_842, %gather3A_900 : vector<16xf32>
      %gather3A_906 = arith.constant 2 : i32
      %gather3A_907 = arith.constant 0 : i32
      %gather3A_908 = arith.constant 0 : i32
      %gather3A_909 = tpu.memref_slice %arg8[%gather3A_906, %gather3A_907, %gather3A_908] : memref<8x64x128xf32, #tpu.memory_space<vmem>> -> memref<1x64x128xf32, #tpu.memory_space<vmem>>
      %gather3A_910 = tpu.memref_squeeze %gather3A_909 : memref<1x64x128xf32, #tpu.memory_space<vmem>> -> memref<64x128xf32, #tpu.memory_space<vmem>>
      %gather3A_911 = tpu.vector_load_idx %gather3A_910[%add3A_66, %broadcast_in_dim3A_894] : memref<64x128xf32, #tpu.memory_space<vmem>>[vector<16xi32>, vector<16xi32>], vector<16xf32>,
      %swap3A_912 = arith.constant 2 : i32
      %swap3A_913 = arith.index_cast %swap3A_912 : i32 to index
      %swap3A_914 = arith.constant 16 : index
      %swap3A_915 = tpu.vector_load %arg10[%swap3A_913, %swap3A_914] {strides = array<i32>} : memref<8x128xf32, #tpu.memory_space<vmem>>, vector<16xf32>,
      tpu.vector_store %arg10[%swap3A_913, %swap3A_914], %gather3A_911 {strides = array<i32>} : memref<8x128xf32, #tpu.memory_space<vmem>>, vector<16xf32>,
      %add3A_916 = arith.addf %add3A_853, %gather3A_911 : vector<16xf32>
      %gather3A_917 = arith.constant 2 : i32
      %gather3A_918 = arith.constant 0 : i32
      %gather3A_919 = arith.constant 0 : i32
      %gather3A_920 = tpu.memref_slice %arg8[%gather3A_917, %gather3A_918, %gather3A_919] : memref<8x64x128xf32, #tpu.memory_space<vmem>> -> memref<1x64x128xf32, #tpu.memory_space<vmem>>
      %gather3A_921 = tpu.memref_squeeze %gather3A_920 : memref<1x64x128xf32, #tpu.memory_space<vmem>> -> memref<64x128xf32, #tpu.memory_space<vmem>>
      %gather3A_922 = tpu.vector_load_idx %gather3A_921[%add3A_70, %broadcast_in_dim3A_894] : memref<64x128xf32, #tpu.memory_space<vmem>>[vector<16xi32>, vector<16xi32>], vector<16xf32>,
      %swap3A_923 = arith.constant 2 : i32
      %swap3A_924 = arith.index_cast %swap3A_923 : i32 to index
      %swap3A_925 = arith.constant 32 : index
      %swap3A_926 = tpu.vector_load %arg10[%swap3A_924, %swap3A_925] {strides = array<i32>} : memref<8x128xf32, #tpu.memory_space<vmem>>, vector<16xf32>,
      tpu.vector_store %arg10[%swap3A_924, %swap3A_925], %gather3A_922 {strides = array<i32>} : memref<8x128xf32, #tpu.memory_space<vmem>>, vector<16xf32>,
      %add3A_927 = arith.addf %add3A_864, %gather3A_922 : vector<16xf32>
      %gather3A_928 = arith.constant 2 : i32
      %gather3A_929 = arith.constant 0 : i32
      %gather3A_930 = arith.constant 0 : i32
      %gather3A_931 = tpu.memref_slice %arg8[%gather3A_928, %gather3A_929, %gather3A_930] : memref<8x64x128xf32, #tpu.memory_space<vmem>> -> memref<1x64x128xf32, #tpu.memory_space<vmem>>
      %gather3A_932 = tpu.memref_squeeze %gather3A_931 : memref<1x64x128xf32, #tpu.memory_space<vmem>> -> memref<64x128xf32, #tpu.memory_space<vmem>>
      %gather3A_933 = tpu.vector_load_idx %gather3A_932[%add3A_74, %broadcast_in_dim3A_894] : memref<64x128xf32, #tpu.memory_space<vmem>>[vector<16xi32>, vector<16xi32>], vector<16xf32>,
      %swap3A_934 = arith.constant 2 : i32
      %swap3A_935 = arith.index_cast %swap3A_934 : i32 to index
      %swap3A_936 = arith.constant 48 : index
      %swap3A_937 = tpu.vector_load %arg10[%swap3A_935, %swap3A_936] {strides = array<i32>} : memref<8x128xf32, #tpu.memory_space<vmem>>, vector<16xf32>,
      tpu.vector_store %arg10[%swap3A_935, %swap3A_936], %gather3A_933 {strides = array<i32>} : memref<8x128xf32, #tpu.memory_space<vmem>>, vector<16xf32>,
      %add3A_938 = arith.addf %add3A_875, %gather3A_933 : vector<16xf32>
      %slice3A_939 = vector.extract_strided_slice %get3A_59 {offsets = [3], sizes = [1], strides = [1]} : vector<16xi32> to vector<1xi32>
      %squeeze3A_940 = vector.extract %slice3A_939[0] : i32 from vector<1xi32>
      %jit3A_941 = arith.constant 128 : i32
      %eq3A_942 = arith.constant 0 : i32
      %eq3A_943 = arith.cmpi eq, %jit3A_941, %eq3A_942 : i32
      %jit3A_944 = arith.constant 1 : i32
      %select_n3A_945 = arith.select %eq3A_943, %jit3A_944, %jit3A_941 : i32
      %rem3A_946 = arith.remsi %squeeze3A_940, %select_n3A_945 : i32
      %ne3A_947 = arith.constant 0 : i32
      %ne3A_948 = arith.cmpi ne, %rem3A_946, %ne3A_947 : i32
      %lt3A_949 = arith.constant 0 : i32
      %lt3A_950 = arith.cmpi slt, %rem3A_946, %lt3A_949 : i32
      %lt3A_951 = arith.constant 0 : i32
      %lt3A_952 = arith.cmpi slt, %select_n3A_945, %lt3A_951 : i32
      %ne3A_953 = arith.xori %lt3A_950, %lt3A_952 : i1
      %and3A_954 = arith.andi %ne3A_953, %ne3A_948 : i1
      %add3A_955 = arith.addi %rem3A_946, %select_n3A_945 : i32
      %select_n3A_956 = arith.select %and3A_954, %add3A_955, %rem3A_946 : i32
      %broadcast_in_dim3A_957 = vector.broadcast %select_n3A_956 : i32 to vector<16xi32>
      %gather3A_958 = arith.constant 3 : i32
      %gather3A_959 = arith.constant 0 : i32
      %gather3A_960 = arith.constant 0 : i32
      %gather3A_961 = tpu.memref_slice %arg8[%gather3A_958, %gather3A_959, %gather3A_960] : memref<8x64x128xf32, #tpu.memory_space<vmem>> -> memref<1x64x128xf32, #tpu.memory_space<vmem>>
      %gather3A_962 = tpu.memref_squeeze %gather3A_961 : memref<1x64x128xf32, #tpu.memory_space<vmem>> -> memref<64x128xf32, #tpu.memory_space<vmem>>
      %gather3A_963 = tpu.vector_load_idx %gather3A_962[%add3A_62, %broadcast_in_dim3A_957] : memref<64x128xf32, #tpu.memory_space<vmem>>[vector<16xi32>, vector<16xi32>], vector<16xf32>,
      %swap3A_964 = arith.constant 3 : i32
      %swap3A_965 = arith.index_cast %swap3A_964 : i32 to index
      %swap3A_966 = arith.constant 0 : index
      %swap3A_967 = tpu.vector_load %arg10[%swap3A_965, %swap3A_966] {strides = array<i32>} : memref<8x128xf32, #tpu.memory_space<vmem>>, vector<16xf32>,
      tpu.vector_store %arg10[%swap3A_965, %swap3A_966], %gather3A_963 {strides = array<i32>} : memref<8x128xf32, #tpu.memory_space<vmem>>, vector<16xf32>,
      %add3A_968 = arith.addf %add3A_905, %gather3A_963 : vector<16xf32>
      %gather3A_969 = arith.constant 3 : i32
      %gather3A_970 = arith.constant 0 : i32
      %gather3A_971 = arith.constant 0 : i32
      %gather3A_972 = tpu.memref_slice %arg8[%gather3A_969, %gather3A_970, %gather3A_971] : memref<8x64x128xf32, #tpu.memory_space<vmem>> -> memref<1x64x128xf32, #tpu.memory_space<vmem>>
      %gather3A_973 = tpu.memref_squeeze %gather3A_972 : memref<1x64x128xf32, #tpu.memory_space<vmem>> -> memref<64x128xf32, #tpu.memory_space<vmem>>
      %gather3A_974 = tpu.vector_load_idx %gather3A_973[%add3A_66, %broadcast_in_dim3A_957] : memref<64x128xf32, #tpu.memory_space<vmem>>[vector<16xi32>, vector<16xi32>], vector<16xf32>,
      %swap3A_975 = arith.constant 3 : i32
      %swap3A_976 = arith.index_cast %swap3A_975 : i32 to index
      %swap3A_977 = arith.constant 16 : index
      %swap3A_978 = tpu.vector_load %arg10[%swap3A_976, %swap3A_977] {strides = array<i32>} : memref<8x128xf32, #tpu.memory_space<vmem>>, vector<16xf32>,
      tpu.vector_store %arg10[%swap3A_976, %swap3A_977], %gather3A_974 {strides = array<i32>} : memref<8x128xf32, #tpu.memory_space<vmem>>, vector<16xf32>,
      %add3A_979 = arith.addf %add3A_916, %gather3A_974 : vector<16xf32>
      %gather3A_980 = arith.constant 3 : i32
      %gather3A_981 = arith.constant 0 : i32
      %gather3A_982 = arith.constant 0 : i32
      %gather3A_983 = tpu.memref_slice %arg8[%gather3A_980, %gather3A_981, %gather3A_982] : memref<8x64x128xf32, #tpu.memory_space<vmem>> -> memref<1x64x128xf32, #tpu.memory_space<vmem>>
      %gather3A_984 = tpu.memref_squeeze %gather3A_983 : memref<1x64x128xf32, #tpu.memory_space<vmem>> -> memref<64x128xf32, #tpu.memory_space<vmem>>
      %gather3A_985 = tpu.vector_load_idx %gather3A_984[%add3A_70, %broadcast_in_dim3A_957] : memref<64x128xf32, #tpu.memory_space<vmem>>[vector<16xi32>, vector<16xi32>], vector<16xf32>,
      %swap3A_986 = arith.constant 3 : i32
      %swap3A_987 = arith.index_cast %swap3A_986 : i32 to index
      %swap3A_988 = arith.constant 32 : index
      %swap3A_989 = tpu.vector_load %arg10[%swap3A_987, %swap3A_988] {strides = array<i32>} : memref<8x128xf32, #tpu.memory_space<vmem>>, vector<16xf32>,
      tpu.vector_store %arg10[%swap3A_987, %swap3A_988], %gather3A_985 {strides = array<i32>} : memref<8x128xf32, #tpu.memory_space<vmem>>, vector<16xf32>,
      %add3A_990 = arith.addf %add3A_927, %gather3A_985 : vector<16xf32>
      %gather3A_991 = arith.constant 3 : i32
      %gather3A_992 = arith.constant 0 : i32
      %gather3A_993 = arith.constant 0 : i32
      %gather3A_994 = tpu.memref_slice %arg8[%gather3A_991, %gather3A_992, %gather3A_993] : memref<8x64x128xf32, #tpu.memory_space<vmem>> -> memref<1x64x128xf32, #tpu.memory_space<vmem>>
      %gather3A_995 = tpu.memref_squeeze %gather3A_994 : memref<1x64x128xf32, #tpu.memory_space<vmem>> -> memref<64x128xf32, #tpu.memory_space<vmem>>
      %gather3A_996 = tpu.vector_load_idx %gather3A_995[%add3A_74, %broadcast_in_dim3A_957] : memref<64x128xf32, #tpu.memory_space<vmem>>[vector<16xi32>, vector<16xi32>], vector<16xf32>,
      %swap3A_997 = arith.constant 3 : i32
      %swap3A_998 = arith.index_cast %swap3A_997 : i32 to index
      %swap3A_999 = arith.constant 48 : index
      %swap3A_1000 = tpu.vector_load %arg10[%swap3A_998, %swap3A_999] {strides = array<i32>} : memref<8x128xf32, #tpu.memory_space<vmem>>, vector<16xf32>,
      tpu.vector_store %arg10[%swap3A_998, %swap3A_999], %gather3A_996 {strides = array<i32>} : memref<8x128xf32, #tpu.memory_space<vmem>>, vector<16xf32>,
      %add3A_1001 = arith.addf %add3A_938, %gather3A_996 : vector<16xf32>
      %slice3A_1002 = vector.extract_strided_slice %get3A_59 {offsets = [4], sizes = [1], strides = [1]} : vector<16xi32> to vector<1xi32>
      %squeeze3A_1003 = vector.extract %slice3A_1002[0] : i32 from vector<1xi32>
      %jit3A_1004 = arith.constant 128 : i32
      %eq3A_1005 = arith.constant 0 : i32
      %eq3A_1006 = arith.cmpi eq, %jit3A_1004, %eq3A_1005 : i32
      %jit3A_1007 = arith.constant 1 : i32
      %select_n3A_1008 = arith.select %eq3A_1006, %jit3A_1007, %jit3A_1004 : i32
      %rem3A_1009 = arith.remsi %squeeze3A_1003, %select_n3A_1008 : i32
      %ne3A_1010 = arith.constant 0 : i32
      %ne3A_1011 = arith.cmpi ne, %rem3A_1009, %ne3A_1010 : i32
      %lt3A_1012 = arith.constant 0 : i32
      %lt3A_1013 = arith.cmpi slt, %rem3A_1009, %lt3A_1012 : i32
      %lt3A_1014 = arith.constant 0 : i32
      %lt3A_1015 = arith.cmpi slt, %select_n3A_1008, %lt3A_1014 : i32
      %ne3A_1016 = arith.xori %lt3A_1013, %lt3A_1015 : i1
      %and3A_1017 = arith.andi %ne3A_1016, %ne3A_1011 : i1
      %add3A_1018 = arith.addi %rem3A_1009, %select_n3A_1008 : i32
      %select_n3A_1019 = arith.select %and3A_1017, %add3A_1018, %rem3A_1009 : i32
      %broadcast_in_dim3A_1020 = vector.broadcast %select_n3A_1019 : i32 to vector<16xi32>
      %gather3A_1021 = arith.constant 4 : i32
      %gather3A_1022 = arith.constant 0 : i32
      %gather3A_1023 = arith.constant 0 : i32
      %gather3A_1024 = tpu.memref_slice %arg8[%gather3A_1021, %gather3A_1022, %gather3A_1023] : memref<8x64x128xf32, #tpu.memory_space<vmem>> -> memref<1x64x128xf32, #tpu.memory_space<vmem>>
      %gather3A_1025 = tpu.memref_squeeze %gather3A_1024 : memref<1x64x128xf32, #tpu.memory_space<vmem>> -> memref<64x128xf32, #tpu.memory_space<vmem>>
      %gather3A_1026 = tpu.vector_load_idx %gather3A_1025[%add3A_62, %broadcast_in_dim3A_1020] : memref<64x128xf32, #tpu.memory_space<vmem>>[vector<16xi32>, vector<16xi32>], vector<16xf32>,
      %swap3A_1027 = arith.constant 4 : i32
      %swap3A_1028 = arith.index_cast %swap3A_1027 : i32 to index
      %swap3A_1029 = arith.constant 0 : index
      %swap3A_1030 = tpu.vector_load %arg10[%swap3A_1028, %swap3A_1029] {strides = array<i32>} : memref<8x128xf32, #tpu.memory_space<vmem>>, vector<16xf32>,
      tpu.vector_store %arg10[%swap3A_1028, %swap3A_1029], %gather3A_1026 {strides = array<i32>} : memref<8x128xf32, #tpu.memory_space<vmem>>, vector<16xf32>,
      %add3A_1031 = arith.addf %add3A_968, %gather3A_1026 : vector<16xf32>
      %gather3A_1032 = arith.constant 4 : i32
      %gather3A_1033 = arith.constant 0 : i32
      %gather3A_1034 = arith.constant 0 : i32
      %gather3A_1035 = tpu.memref_slice %arg8[%gather3A_1032, %gather3A_1033, %gather3A_1034] : memref<8x64x128xf32, #tpu.memory_space<vmem>> -> memref<1x64x128xf32, #tpu.memory_space<vmem>>
      %gather3A_1036 = tpu.memref_squeeze %gather3A_1035 : memref<1x64x128xf32, #tpu.memory_space<vmem>> -> memref<64x128xf32, #tpu.memory_space<vmem>>
      %gather3A_1037 = tpu.vector_load_idx %gather3A_1036[%add3A_66, %broadcast_in_dim3A_1020] : memref<64x128xf32, #tpu.memory_space<vmem>>[vector<16xi32>, vector<16xi32>], vector<16xf32>,
      %swap3A_1038 = arith.constant 4 : i32
      %swap3A_1039 = arith.index_cast %swap3A_1038 : i32 to index
      %swap3A_1040 = arith.constant 16 : index
      %swap3A_1041 = tpu.vector_load %arg10[%swap3A_1039, %swap3A_1040] {strides = array<i32>} : memref<8x128xf32, #tpu.memory_space<vmem>>, vector<16xf32>,
      tpu.vector_store %arg10[%swap3A_1039, %swap3A_1040], %gather3A_1037 {strides = array<i32>} : memref<8x128xf32, #tpu.memory_space<vmem>>, vector<16xf32>,
      %add3A_1042 = arith.addf %add3A_979, %gather3A_1037 : vector<16xf32>
      %gather3A_1043 = arith.constant 4 : i32
      %gather3A_1044 = arith.constant 0 : i32
      %gather3A_1045 = arith.constant 0 : i32
      %gather3A_1046 = tpu.memref_slice %arg8[%gather3A_1043, %gather3A_1044, %gather3A_1045] : memref<8x64x128xf32, #tpu.memory_space<vmem>> -> memref<1x64x128xf32, #tpu.memory_space<vmem>>
      %gather3A_1047 = tpu.memref_squeeze %gather3A_1046 : memref<1x64x128xf32, #tpu.memory_space<vmem>> -> memref<64x128xf32, #tpu.memory_space<vmem>>
      %gather3A_1048 = tpu.vector_load_idx %gather3A_1047[%add3A_70, %broadcast_in_dim3A_1020] : memref<64x128xf32, #tpu.memory_space<vmem>>[vector<16xi32>, vector<16xi32>], vector<16xf32>,
      %swap3A_1049 = arith.constant 4 : i32
      %swap3A_1050 = arith.index_cast %swap3A_1049 : i32 to index
      %swap3A_1051 = arith.constant 32 : index
      %swap3A_1052 = tpu.vector_load %arg10[%swap3A_1050, %swap3A_1051] {strides = array<i32>} : memref<8x128xf32, #tpu.memory_space<vmem>>, vector<16xf32>,
      tpu.vector_store %arg10[%swap3A_1050, %swap3A_1051], %gather3A_1048 {strides = array<i32>} : memref<8x128xf32, #tpu.memory_space<vmem>>, vector<16xf32>,
      %add3A_1053 = arith.addf %add3A_990, %gather3A_1048 : vector<16xf32>
      %gather3A_1054 = arith.constant 4 : i32
      %gather3A_1055 = arith.constant 0 : i32
      %gather3A_1056 = arith.constant 0 : i32
      %gather3A_1057 = tpu.memref_slice %arg8[%gather3A_1054, %gather3A_1055, %gather3A_1056] : memref<8x64x128xf32, #tpu.memory_space<vmem>> -> memref<1x64x128xf32, #tpu.memory_space<vmem>>
      %gather3A_1058 = tpu.memref_squeeze %gather3A_1057 : memref<1x64x128xf32, #tpu.memory_space<vmem>> -> memref<64x128xf32, #tpu.memory_space<vmem>>
      %gather3A_1059 = tpu.vector_load_idx %gather3A_1058[%add3A_74, %broadcast_in_dim3A_1020] : memref<64x128xf32, #tpu.memory_space<vmem>>[vector<16xi32>, vector<16xi32>], vector<16xf32>,
      %swap3A_1060 = arith.constant 4 : i32
      %swap3A_1061 = arith.index_cast %swap3A_1060 : i32 to index
      %swap3A_1062 = arith.constant 48 : index
      %swap3A_1063 = tpu.vector_load %arg10[%swap3A_1061, %swap3A_1062] {strides = array<i32>} : memref<8x128xf32, #tpu.memory_space<vmem>>, vector<16xf32>,
      tpu.vector_store %arg10[%swap3A_1061, %swap3A_1062], %gather3A_1059 {strides = array<i32>} : memref<8x128xf32, #tpu.memory_space<vmem>>, vector<16xf32>,
      %add3A_1064 = arith.addf %add3A_1001, %gather3A_1059 : vector<16xf32>
      %slice3A_1065 = vector.extract_strided_slice %get3A_59 {offsets = [5], sizes = [1], strides = [1]} : vector<16xi32> to vector<1xi32>
      %squeeze3A_1066 = vector.extract %slice3A_1065[0] : i32 from vector<1xi32>
      %jit3A_1067 = arith.constant 128 : i32
      %eq3A_1068 = arith.constant 0 : i32
      %eq3A_1069 = arith.cmpi eq, %jit3A_1067, %eq3A_1068 : i32
      %jit3A_1070 = arith.constant 1 : i32
      %select_n3A_1071 = arith.select %eq3A_1069, %jit3A_1070, %jit3A_1067 : i32
      %rem3A_1072 = arith.remsi %squeeze3A_1066, %select_n3A_1071 : i32
      %ne3A_1073 = arith.constant 0 : i32
      %ne3A_1074 = arith.cmpi ne, %rem3A_1072, %ne3A_1073 : i32
      %lt3A_1075 = arith.constant 0 : i32
      %lt3A_1076 = arith.cmpi slt, %rem3A_1072, %lt3A_1075 : i32
      %lt3A_1077 = arith.constant 0 : i32
      %lt3A_1078 = arith.cmpi slt, %select_n3A_1071, %lt3A_1077 : i32
      %ne3A_1079 = arith.xori %lt3A_1076, %lt3A_1078 : i1
      %and3A_1080 = arith.andi %ne3A_1079, %ne3A_1074 : i1
      %add3A_1081 = arith.addi %rem3A_1072, %select_n3A_1071 : i32
      %select_n3A_1082 = arith.select %and3A_1080, %add3A_1081, %rem3A_1072 : i32
      %broadcast_in_dim3A_1083 = vector.broadcast %select_n3A_1082 : i32 to vector<16xi32>
      %gather3A_1084 = arith.constant 5 : i32
      %gather3A_1085 = arith.constant 0 : i32
      %gather3A_1086 = arith.constant 0 : i32
      %gather3A_1087 = tpu.memref_slice %arg8[%gather3A_1084, %gather3A_1085, %gather3A_1086] : memref<8x64x128xf32, #tpu.memory_space<vmem>> -> memref<1x64x128xf32, #tpu.memory_space<vmem>>
      %gather3A_1088 = tpu.memref_squeeze %gather3A_1087 : memref<1x64x128xf32, #tpu.memory_space<vmem>> -> memref<64x128xf32, #tpu.memory_space<vmem>>
      %gather3A_1089 = tpu.vector_load_idx %gather3A_1088[%add3A_62, %broadcast_in_dim3A_1083] : memref<64x128xf32, #tpu.memory_space<vmem>>[vector<16xi32>, vector<16xi32>], vector<16xf32>,
      %swap3A_1090 = arith.constant 5 : i32
      %swap3A_1091 = arith.index_cast %swap3A_1090 : i32 to index
      %swap3A_1092 = arith.constant 0 : index
      %swap3A_1093 = tpu.vector_load %arg10[%swap3A_1091, %swap3A_1092] {strides = array<i32>} : memref<8x128xf32, #tpu.memory_space<vmem>>, vector<16xf32>,
      tpu.vector_store %arg10[%swap3A_1091, %swap3A_1092], %gather3A_1089 {strides = array<i32>} : memref<8x128xf32, #tpu.memory_space<vmem>>, vector<16xf32>,
      %add3A_1094 = arith.addf %add3A_1031, %gather3A_1089 : vector<16xf32>
      %gather3A_1095 = arith.constant 5 : i32
      %gather3A_1096 = arith.constant 0 : i32
      %gather3A_1097 = arith.constant 0 : i32
      %gather3A_1098 = tpu.memref_slice %arg8[%gather3A_1095, %gather3A_1096, %gather3A_1097] : memref<8x64x128xf32, #tpu.memory_space<vmem>> -> memref<1x64x128xf32, #tpu.memory_space<vmem>>
      %gather3A_1099 = tpu.memref_squeeze %gather3A_1098 : memref<1x64x128xf32, #tpu.memory_space<vmem>> -> memref<64x128xf32, #tpu.memory_space<vmem>>
      %gather3A_1100 = tpu.vector_load_idx %gather3A_1099[%add3A_66, %broadcast_in_dim3A_1083] : memref<64x128xf32, #tpu.memory_space<vmem>>[vector<16xi32>, vector<16xi32>], vector<16xf32>,
      %swap3A_1101 = arith.constant 5 : i32
      %swap3A_1102 = arith.index_cast %swap3A_1101 : i32 to index
      %swap3A_1103 = arith.constant 16 : index
      %swap3A_1104 = tpu.vector_load %arg10[%swap3A_1102, %swap3A_1103] {strides = array<i32>} : memref<8x128xf32, #tpu.memory_space<vmem>>, vector<16xf32>,
      tpu.vector_store %arg10[%swap3A_1102, %swap3A_1103], %gather3A_1100 {strides = array<i32>} : memref<8x128xf32, #tpu.memory_space<vmem>>, vector<16xf32>,
      %add3A_1105 = arith.addf %add3A_1042, %gather3A_1100 : vector<16xf32>
      %gather3A_1106 = arith.constant 5 : i32
      %gather3A_1107 = arith.constant 0 : i32
      %gather3A_1108 = arith.constant 0 : i32
      %gather3A_1109 = tpu.memref_slice %arg8[%gather3A_1106, %gather3A_1107, %gather3A_1108] : memref<8x64x128xf32, #tpu.memory_space<vmem>> -> memref<1x64x128xf32, #tpu.memory_space<vmem>>
      %gather3A_1110 = tpu.memref_squeeze %gather3A_1109 : memref<1x64x128xf32, #tpu.memory_space<vmem>> -> memref<64x128xf32, #tpu.memory_space<vmem>>
      %gather3A_1111 = tpu.vector_load_idx %gather3A_1110[%add3A_70, %broadcast_in_dim3A_1083] : memref<64x128xf32, #tpu.memory_space<vmem>>[vector<16xi32>, vector<16xi32>], vector<16xf32>,
      %swap3A_1112 = arith.constant 5 : i32
      %swap3A_1113 = arith.index_cast %swap3A_1112 : i32 to index
      %swap3A_1114 = arith.constant 32 : index
      %swap3A_1115 = tpu.vector_load %arg10[%swap3A_1113, %swap3A_1114] {strides = array<i32>} : memref<8x128xf32, #tpu.memory_space<vmem>>, vector<16xf32>,
      tpu.vector_store %arg10[%swap3A_1113, %swap3A_1114], %gather3A_1111 {strides = array<i32>} : memref<8x128xf32, #tpu.memory_space<vmem>>, vector<16xf32>,
      %add3A_1116 = arith.addf %add3A_1053, %gather3A_1111 : vector<16xf32>
      %gather3A_1117 = arith.constant 5 : i32
      %gather3A_1118 = arith.constant 0 : i32
      %gather3A_1119 = arith.constant 0 : i32
      %gather3A_1120 = tpu.memref_slice %arg8[%gather3A_1117, %gather3A_1118, %gather3A_1119] : memref<8x64x128xf32, #tpu.memory_space<vmem>> -> memref<1x64x128xf32, #tpu.memory_space<vmem>>
      %gather3A_1121 = tpu.memref_squeeze %gather3A_1120 : memref<1x64x128xf32, #tpu.memory_space<vmem>> -> memref<64x128xf32, #tpu.memory_space<vmem>>
      %gather3A_1122 = tpu.vector_load_idx %gather3A_1121[%add3A_74, %broadcast_in_dim3A_1083] : memref<64x128xf32, #tpu.memory_space<vmem>>[vector<16xi32>, vector<16xi32>], vector<16xf32>,
      %swap3A_1123 = arith.constant 5 : i32
      %swap3A_1124 = arith.index_cast %swap3A_1123 : i32 to index
      %swap3A_1125 = arith.constant 48 : index
      %swap3A_1126 = tpu.vector_load %arg10[%swap3A_1124, %swap3A_1125] {strides = array<i32>} : memref<8x128xf32, #tpu.memory_space<vmem>>, vector<16xf32>,
      tpu.vector_store %arg10[%swap3A_1124, %swap3A_1125], %gather3A_1122 {strides = array<i32>} : memref<8x128xf32, #tpu.memory_space<vmem>>, vector<16xf32>,
      %add3A_1127 = arith.addf %add3A_1064, %gather3A_1122 : vector<16xf32>
      %slice3A_1128 = vector.extract_strided_slice %get3A_59 {offsets = [6], sizes = [1], strides = [1]} : vector<16xi32> to vector<1xi32>
      %squeeze3A_1129 = vector.extract %slice3A_1128[0] : i32 from vector<1xi32>
      %jit3A_1130 = arith.constant 128 : i32
      %eq3A_1131 = arith.constant 0 : i32
      %eq3A_1132 = arith.cmpi eq, %jit3A_1130, %eq3A_1131 : i32
      %jit3A_1133 = arith.constant 1 : i32
      %select_n3A_1134 = arith.select %eq3A_1132, %jit3A_1133, %jit3A_1130 : i32
      %rem3A_1135 = arith.remsi %squeeze3A_1129, %select_n3A_1134 : i32
      %ne3A_1136 = arith.constant 0 : i32
      %ne3A_1137 = arith.cmpi ne, %rem3A_1135, %ne3A_1136 : i32
      %lt3A_1138 = arith.constant 0 : i32
      %lt3A_1139 = arith.cmpi slt, %rem3A_1135, %lt3A_1138 : i32
      %lt3A_1140 = arith.constant 0 : i32
      %lt3A_1141 = arith.cmpi slt, %select_n3A_1134, %lt3A_1140 : i32
      %ne3A_1142 = arith.xori %lt3A_1139, %lt3A_1141 : i1
      %and3A_1143 = arith.andi %ne3A_1142, %ne3A_1137 : i1
      %add3A_1144 = arith.addi %rem3A_1135, %select_n3A_1134 : i32
      %select_n3A_1145 = arith.select %and3A_1143, %add3A_1144, %rem3A_1135 : i32
      %broadcast_in_dim3A_1146 = vector.broadcast %select_n3A_1145 : i32 to vector<16xi32>
      %gather3A_1147 = arith.constant 6 : i32
      %gather3A_1148 = arith.constant 0 : i32
      %gather3A_1149 = arith.constant 0 : i32
      %gather3A_1150 = tpu.memref_slice %arg8[%gather3A_1147, %gather3A_1148, %gather3A_1149] : memref<8x64x128xf32, #tpu.memory_space<vmem>> -> memref<1x64x128xf32, #tpu.memory_space<vmem>>
      %gather3A_1151 = tpu.memref_squeeze %gather3A_1150 : memref<1x64x128xf32, #tpu.memory_space<vmem>> -> memref<64x128xf32, #tpu.memory_space<vmem>>
      %gather3A_1152 = tpu.vector_load_idx %gather3A_1151[%add3A_62, %broadcast_in_dim3A_1146] : memref<64x128xf32, #tpu.memory_space<vmem>>[vector<16xi32>, vector<16xi32>], vector<16xf32>,
      %swap3A_1153 = arith.constant 6 : i32
      %swap3A_1154 = arith.index_cast %swap3A_1153 : i32 to index
      %swap3A_1155 = arith.constant 0 : index
      %swap3A_1156 = tpu.vector_load %arg10[%swap3A_1154, %swap3A_1155] {strides = array<i32>} : memref<8x128xf32, #tpu.memory_space<vmem>>, vector<16xf32>,
      tpu.vector_store %arg10[%swap3A_1154, %swap3A_1155], %gather3A_1152 {strides = array<i32>} : memref<8x128xf32, #tpu.memory_space<vmem>>, vector<16xf32>,
      %add3A_1157 = arith.addf %add3A_1094, %gather3A_1152 : vector<16xf32>
      %gather3A_1158 = arith.constant 6 : i32
      %gather3A_1159 = arith.constant 0 : i32
      %gather3A_1160 = arith.constant 0 : i32
      %gather3A_1161 = tpu.memref_slice %arg8[%gather3A_1158, %gather3A_1159, %gather3A_1160] : memref<8x64x128xf32, #tpu.memory_space<vmem>> -> memref<1x64x128xf32, #tpu.memory_space<vmem>>
      %gather3A_1162 = tpu.memref_squeeze %gather3A_1161 : memref<1x64x128xf32, #tpu.memory_space<vmem>> -> memref<64x128xf32, #tpu.memory_space<vmem>>
      %gather3A_1163 = tpu.vector_load_idx %gather3A_1162[%add3A_66, %broadcast_in_dim3A_1146] : memref<64x128xf32, #tpu.memory_space<vmem>>[vector<16xi32>, vector<16xi32>], vector<16xf32>,
      %swap3A_1164 = arith.constant 6 : i32
      %swap3A_1165 = arith.index_cast %swap3A_1164 : i32 to index
      %swap3A_1166 = arith.constant 16 : index
      %swap3A_1167 = tpu.vector_load %arg10[%swap3A_1165, %swap3A_1166] {strides = array<i32>} : memref<8x128xf32, #tpu.memory_space<vmem>>, vector<16xf32>,
      tpu.vector_store %arg10[%swap3A_1165, %swap3A_1166], %gather3A_1163 {strides = array<i32>} : memref<8x128xf32, #tpu.memory_space<vmem>>, vector<16xf32>,
      %add3A_1168 = arith.addf %add3A_1105, %gather3A_1163 : vector<16xf32>
      %gather3A_1169 = arith.constant 6 : i32
      %gather3A_1170 = arith.constant 0 : i32
      %gather3A_1171 = arith.constant 0 : i32
      %gather3A_1172 = tpu.memref_slice %arg8[%gather3A_1169, %gather3A_1170, %gather3A_1171] : memref<8x64x128xf32, #tpu.memory_space<vmem>> -> memref<1x64x128xf32, #tpu.memory_space<vmem>>
      %gather3A_1173 = tpu.memref_squeeze %gather3A_1172 : memref<1x64x128xf32, #tpu.memory_space<vmem>> -> memref<64x128xf32, #tpu.memory_space<vmem>>
      %gather3A_1174 = tpu.vector_load_idx %gather3A_1173[%add3A_70, %broadcast_in_dim3A_1146] : memref<64x128xf32, #tpu.memory_space<vmem>>[vector<16xi32>, vector<16xi32>], vector<16xf32>,
      %swap3A_1175 = arith.constant 6 : i32
      %swap3A_1176 = arith.index_cast %swap3A_1175 : i32 to index
      %swap3A_1177 = arith.constant 32 : index
      %swap3A_1178 = tpu.vector_load %arg10[%swap3A_1176, %swap3A_1177] {strides = array<i32>} : memref<8x128xf32, #tpu.memory_space<vmem>>, vector<16xf32>,
      tpu.vector_store %arg10[%swap3A_1176, %swap3A_1177], %gather3A_1174 {strides = array<i32>} : memref<8x128xf32, #tpu.memory_space<vmem>>, vector<16xf32>,
      %add3A_1179 = arith.addf %add3A_1116, %gather3A_1174 : vector<16xf32>
      %gather3A_1180 = arith.constant 6 : i32
      %gather3A_1181 = arith.constant 0 : i32
      %gather3A_1182 = arith.constant 0 : i32
      %gather3A_1183 = tpu.memref_slice %arg8[%gather3A_1180, %gather3A_1181, %gather3A_1182] : memref<8x64x128xf32, #tpu.memory_space<vmem>> -> memref<1x64x128xf32, #tpu.memory_space<vmem>>
      %gather3A_1184 = tpu.memref_squeeze %gather3A_1183 : memref<1x64x128xf32, #tpu.memory_space<vmem>> -> memref<64x128xf32, #tpu.memory_space<vmem>>
      %gather3A_1185 = tpu.vector_load_idx %gather3A_1184[%add3A_74, %broadcast_in_dim3A_1146] : memref<64x128xf32, #tpu.memory_space<vmem>>[vector<16xi32>, vector<16xi32>], vector<16xf32>,
      %swap3A_1186 = arith.constant 6 : i32
      %swap3A_1187 = arith.index_cast %swap3A_1186 : i32 to index
      %swap3A_1188 = arith.constant 48 : index
      %swap3A_1189 = tpu.vector_load %arg10[%swap3A_1187, %swap3A_1188] {strides = array<i32>} : memref<8x128xf32, #tpu.memory_space<vmem>>, vector<16xf32>,
      tpu.vector_store %arg10[%swap3A_1187, %swap3A_1188], %gather3A_1185 {strides = array<i32>} : memref<8x128xf32, #tpu.memory_space<vmem>>, vector<16xf32>,
      %add3A_1190 = arith.addf %add3A_1127, %gather3A_1185 : vector<16xf32>
      %slice3A_1191 = vector.extract_strided_slice %get3A_59 {offsets = [7], sizes = [1], strides = [1]} : vector<16xi32> to vector<1xi32>
      %squeeze3A_1192 = vector.extract %slice3A_1191[0] : i32 from vector<1xi32>
      %jit3A_1193 = arith.constant 128 : i32
      %eq3A_1194 = arith.constant 0 : i32
      %eq3A_1195 = arith.cmpi eq, %jit3A_1193, %eq3A_1194 : i32
      %jit3A_1196 = arith.constant 1 : i32
      %select_n3A_1197 = arith.select %eq3A_1195, %jit3A_1196, %jit3A_1193 : i32
      %rem3A_1198 = arith.remsi %squeeze3A_1192, %select_n3A_1197 : i32
      %ne3A_1199 = arith.constant 0 : i32
      %ne3A_1200 = arith.cmpi ne, %rem3A_1198, %ne3A_1199 : i32
      %lt3A_1201 = arith.constant 0 : i32
      %lt3A_1202 = arith.cmpi slt, %rem3A_1198, %lt3A_1201 : i32
      %lt3A_1203 = arith.constant 0 : i32
      %lt3A_1204 = arith.cmpi slt, %select_n3A_1197, %lt3A_1203 : i32
      %ne3A_1205 = arith.xori %lt3A_1202, %lt3A_1204 : i1
      %and3A_1206 = arith.andi %ne3A_1205, %ne3A_1200 : i1
      %add3A_1207 = arith.addi %rem3A_1198, %select_n3A_1197 : i32
      %select_n3A_1208 = arith.select %and3A_1206, %add3A_1207, %rem3A_1198 : i32
      %broadcast_in_dim3A_1209 = vector.broadcast %select_n3A_1208 : i32 to vector<16xi32>
      %gather3A_1210 = arith.constant 7 : i32
      %gather3A_1211 = arith.constant 0 : i32
      %gather3A_1212 = arith.constant 0 : i32
      %gather3A_1213 = tpu.memref_slice %arg8[%gather3A_1210, %gather3A_1211, %gather3A_1212] : memref<8x64x128xf32, #tpu.memory_space<vmem>> -> memref<1x64x128xf32, #tpu.memory_space<vmem>>
      %gather3A_1214 = tpu.memref_squeeze %gather3A_1213 : memref<1x64x128xf32, #tpu.memory_space<vmem>> -> memref<64x128xf32, #tpu.memory_space<vmem>>
      %gather3A_1215 = tpu.vector_load_idx %gather3A_1214[%add3A_62, %broadcast_in_dim3A_1209] : memref<64x128xf32, #tpu.memory_space<vmem>>[vector<16xi32>, vector<16xi32>], vector<16xf32>,
      %swap3A_1216 = arith.constant 7 : i32
      %swap3A_1217 = arith.index_cast %swap3A_1216 : i32 to index
      %swap3A_1218 = arith.constant 0 : index
      %swap3A_1219 = tpu.vector_load %arg10[%swap3A_1217, %swap3A_1218] {strides = array<i32>} : memref<8x128xf32, #tpu.memory_space<vmem>>, vector<16xf32>,
      tpu.vector_store %arg10[%swap3A_1217, %swap3A_1218], %gather3A_1215 {strides = array<i32>} : memref<8x128xf32, #tpu.memory_space<vmem>>, vector<16xf32>,
      %add3A_1220 = arith.addf %add3A_1157, %gather3A_1215 : vector<16xf32>
      %gather3A_1221 = arith.constant 7 : i32
      %gather3A_1222 = arith.constant 0 : i32
      %gather3A_1223 = arith.constant 0 : i32
      %gather3A_1224 = tpu.memref_slice %arg8[%gather3A_1221, %gather3A_1222, %gather3A_1223] : memref<8x64x128xf32, #tpu.memory_space<vmem>> -> memref<1x64x128xf32, #tpu.memory_space<vmem>>
      %gather3A_1225 = tpu.memref_squeeze %gather3A_1224 : memref<1x64x128xf32, #tpu.memory_space<vmem>> -> memref<64x128xf32, #tpu.memory_space<vmem>>
      %gather3A_1226 = tpu.vector_load_idx %gather3A_1225[%add3A_66, %broadcast_in_dim3A_1209] : memref<64x128xf32, #tpu.memory_space<vmem>>[vector<16xi32>, vector<16xi32>], vector<16xf32>,
      %swap3A_1227 = arith.constant 7 : i32
      %swap3A_1228 = arith.index_cast %swap3A_1227 : i32 to index
      %swap3A_1229 = arith.constant 16 : index
      %swap3A_1230 = tpu.vector_load %arg10[%swap3A_1228, %swap3A_1229] {strides = array<i32>} : memref<8x128xf32, #tpu.memory_space<vmem>>, vector<16xf32>,
      tpu.vector_store %arg10[%swap3A_1228, %swap3A_1229], %gather3A_1226 {strides = array<i32>} : memref<8x128xf32, #tpu.memory_space<vmem>>, vector<16xf32>,
      %add3A_1231 = arith.addf %add3A_1168, %gather3A_1226 : vector<16xf32>
      %gather3A_1232 = arith.constant 7 : i32
      %gather3A_1233 = arith.constant 0 : i32
      %gather3A_1234 = arith.constant 0 : i32
      %gather3A_1235 = tpu.memref_slice %arg8[%gather3A_1232, %gather3A_1233, %gather3A_1234] : memref<8x64x128xf32, #tpu.memory_space<vmem>> -> memref<1x64x128xf32, #tpu.memory_space<vmem>>
      %gather3A_1236 = tpu.memref_squeeze %gather3A_1235 : memref<1x64x128xf32, #tpu.memory_space<vmem>> -> memref<64x128xf32, #tpu.memory_space<vmem>>
      %gather3A_1237 = tpu.vector_load_idx %gather3A_1236[%add3A_70, %broadcast_in_dim3A_1209] : memref<64x128xf32, #tpu.memory_space<vmem>>[vector<16xi32>, vector<16xi32>], vector<16xf32>,
      %swap3A_1238 = arith.constant 7 : i32
      %swap3A_1239 = arith.index_cast %swap3A_1238 : i32 to index
      %swap3A_1240 = arith.constant 32 : index
      %swap3A_1241 = tpu.vector_load %arg10[%swap3A_1239, %swap3A_1240] {strides = array<i32>} : memref<8x128xf32, #tpu.memory_space<vmem>>, vector<16xf32>,
      tpu.vector_store %arg10[%swap3A_1239, %swap3A_1240], %gather3A_1237 {strides = array<i32>} : memref<8x128xf32, #tpu.memory_space<vmem>>, vector<16xf32>,
      %add3A_1242 = arith.addf %add3A_1179, %gather3A_1237 : vector<16xf32>
      %gather3A_1243 = arith.constant 7 : i32
      %gather3A_1244 = arith.constant 0 : i32
      %gather3A_1245 = arith.constant 0 : i32
      %gather3A_1246 = tpu.memref_slice %arg8[%gather3A_1243, %gather3A_1244, %gather3A_1245] : memref<8x64x128xf32, #tpu.memory_space<vmem>> -> memref<1x64x128xf32, #tpu.memory_space<vmem>>
      %gather3A_1247 = tpu.memref_squeeze %gather3A_1246 : memref<1x64x128xf32, #tpu.memory_space<vmem>> -> memref<64x128xf32, #tpu.memory_space<vmem>>
      %gather3A_1248 = tpu.vector_load_idx %gather3A_1247[%add3A_74, %broadcast_in_dim3A_1209] : memref<64x128xf32, #tpu.memory_space<vmem>>[vector<16xi32>, vector<16xi32>], vector<16xf32>,
      %swap3A_1249 = arith.constant 7 : i32
      %swap3A_1250 = arith.index_cast %swap3A_1249 : i32 to index
      %swap3A_1251 = arith.constant 48 : index
      %swap3A_1252 = tpu.vector_load %arg10[%swap3A_1250, %swap3A_1251] {strides = array<i32>} : memref<8x128xf32, #tpu.memory_space<vmem>>, vector<16xf32>,
      tpu.vector_store %arg10[%swap3A_1250, %swap3A_1251], %gather3A_1248 {strides = array<i32>} : memref<8x128xf32, #tpu.memory_space<vmem>>, vector<16xf32>,
      %add3A_1253 = arith.addf %add3A_1190, %gather3A_1248 : vector<16xf32>
      %dma_start3A_1254 = arith.constant 0 : i32
      %dma_start3A_1255 = tpu.memref_slice %arg5[%multiple_of3A, %dma_start3A_1254] : memref<200x128xf32, #tpu.memory_space<hbm>> -> memref<8x128xf32, #tpu.memory_space<hbm>>
      %dma_start3A_1256 = arith.constant 0 : i32
      %dma_start3A_1257 = tpu.memref_slice %arg5[%multiple_of3A, %dma_start3A_1256] : memref<200x128xf32, #tpu.memory_space<hbm>> -> memref<8x128xf32, #tpu.memory_space<hbm>>
      tpu.enqueue_dma source(%arg10 : memref<8x128xf32, #tpu.memory_space<vmem>>) target(%dma_start3A_1257 : memref<8x128xf32, #tpu.memory_space<hbm>>) target_semaphore(%arg14 : memref<!tpu.dma_semaphore, #tpu.memory_space<semaphore_mem>>)
      %swap3A_1258 = arith.constant 0 : i32
      %swap3A_1259 = arith.index_cast %swap3A_1258 : i32 to index
      %swap3A_1260 = arith.constant 0 : index
      %swap3A_1261 = tpu.vector_load %arg11[%swap3A_1259, %swap3A_1260] {strides = array<i32>} : memref<1x128xf32, #tpu.memory_space<vmem>>, vector<16xf32>,
      tpu.vector_store %arg11[%swap3A_1259, %swap3A_1260], %add3A_1220 {strides = array<i32>} : memref<1x128xf32, #tpu.memory_space<vmem>>, vector<16xf32>,
      %swap3A_1262 = arith.constant 0 : i32
      %swap3A_1263 = arith.index_cast %swap3A_1262 : i32 to index
      %swap3A_1264 = arith.constant 64 : index
      %swap3A_1265 = tpu.vector_load %arg11[%swap3A_1263, %swap3A_1264] {strides = array<i32>} : memref<1x128xf32, #tpu.memory_space<vmem>>, vector<16xf32>,
      tpu.vector_store %arg11[%swap3A_1263, %swap3A_1264], %add3A_619 {strides = array<i32>} : memref<1x128xf32, #tpu.memory_space<vmem>>, vector<16xf32>,
      %swap3A_1266 = arith.constant 0 : i32
      %swap3A_1267 = arith.index_cast %swap3A_1266 : i32 to index
      %swap3A_1268 = arith.constant 16 : index
      %swap3A_1269 = tpu.vector_load %arg11[%swap3A_1267, %swap3A_1268] {strides = array<i32>} : memref<1x128xf32, #tpu.memory_space<vmem>>, vector<16xf32>,
      tpu.vector_store %arg11[%swap3A_1267, %swap3A_1268], %add3A_1231 {strides = array<i32>} : memref<1x128xf32, #tpu.memory_space<vmem>>, vector<16xf32>,
      %swap3A_1270 = arith.constant 0 : i32
      %swap3A_1271 = arith.index_cast %swap3A_1270 : i32 to index
      %swap3A_1272 = arith.constant 80 : index
      %swap3A_1273 = tpu.vector_load %arg11[%swap3A_1271, %swap3A_1272] {strides = array<i32>} : memref<1x128xf32, #tpu.memory_space<vmem>>, vector<16xf32>,
      tpu.vector_store %arg11[%swap3A_1271, %swap3A_1272], %add3A_625 {strides = array<i32>} : memref<1x128xf32, #tpu.memory_space<vmem>>, vector<16xf32>,
      %swap3A_1274 = arith.constant 0 : i32
      %swap3A_1275 = arith.index_cast %swap3A_1274 : i32 to index
      %swap3A_1276 = arith.constant 32 : index
      %swap3A_1277 = tpu.vector_load %arg11[%swap3A_1275, %swap3A_1276] {strides = array<i32>} : memref<1x128xf32, #tpu.memory_space<vmem>>, vector<16xf32>,
      tpu.vector_store %arg11[%swap3A_1275, %swap3A_1276], %add3A_1242 {strides = array<i32>} : memref<1x128xf32, #tpu.memory_space<vmem>>, vector<16xf32>,
      %swap3A_1278 = arith.constant 0 : i32
      %swap3A_1279 = arith.index_cast %swap3A_1278 : i32 to index
      %swap3A_1280 = arith.constant 96 : index
      %swap3A_1281 = tpu.vector_load %arg11[%swap3A_1279, %swap3A_1280] {strides = array<i32>} : memref<1x128xf32, #tpu.memory_space<vmem>>, vector<16xf32>,
      tpu.vector_store %arg11[%swap3A_1279, %swap3A_1280], %add3A_631 {strides = array<i32>} : memref<1x128xf32, #tpu.memory_space<vmem>>, vector<16xf32>,
      %swap3A_1282 = arith.constant 0 : i32
      %swap3A_1283 = arith.index_cast %swap3A_1282 : i32 to index
      %swap3A_1284 = arith.constant 48 : index
      %swap3A_1285 = tpu.vector_load %arg11[%swap3A_1283, %swap3A_1284] {strides = array<i32>} : memref<1x128xf32, #tpu.memory_space<vmem>>, vector<16xf32>,
      tpu.vector_store %arg11[%swap3A_1283, %swap3A_1284], %add3A_1253 {strides = array<i32>} : memref<1x128xf32, #tpu.memory_space<vmem>>, vector<16xf32>,
      %swap3A_1286 = arith.constant 0 : i32
      %swap3A_1287 = arith.index_cast %swap3A_1286 : i32 to index
      %swap3A_1288 = arith.constant 112 : index
      %swap3A_1289 = tpu.vector_load %arg11[%swap3A_1287, %swap3A_1288] {strides = array<i32>} : memref<1x128xf32, #tpu.memory_space<vmem>>, vector<16xf32>,
      tpu.vector_store %arg11[%swap3A_1287, %swap3A_1288], %add3A_637 {strides = array<i32>} : memref<1x128xf32, #tpu.memory_space<vmem>>, vector<16xf32>,
      %dma_wait3A_1290 = arith.constant 0 : i32
      %dma_wait3A_1291 = tpu.memref_slice %arg5[%multiple_of3A, %dma_wait3A_1290] : memref<200x128xf32, #tpu.memory_space<hbm>> -> memref<8x128xf32, #tpu.memory_space<hbm>>
      %dma_wait3A_1292 = arith.constant 0 : i32
      %dma_wait3A_1293 = tpu.memref_slice %arg5[%multiple_of3A, %dma_wait3A_1292] : memref<200x128xf32, #tpu.memory_space<hbm>> -> memref<8x128xf32, #tpu.memory_space<hbm>>
      tpu.wait_dma2 semaphore(%arg14 : memref<!tpu.dma_semaphore, #tpu.memory_space<semaphore_mem>>) src(%arg10 : memref<8x128xf32, #tpu.memory_space<vmem>>) dst(%dma_wait3A_1293 : memref<8x128xf32, #tpu.memory_space<hbm>>)
    } else {
    }
    "tpu.region"() ({
      %run_scoped3A = tpu.sem_alloc : memref<!tpu.dma_semaphore, #tpu.memory_space<semaphore_mem>>
      %dma_start3A = arith.constant 0 : i32
      %dma_start3A_39 = tpu.memref_slice %arg13[%arg1, %dma_start3A] : memref<16x128xf32, #tpu.memory_space<vmem_shared>> -> memref<1x128xf32, #tpu.memory_space<vmem_shared>>
      %dma_start3A_40 = arith.constant 0 : i32
      %dma_start3A_41 = tpu.memref_slice %arg13[%arg1, %dma_start3A_40] : memref<16x128xf32, #tpu.memory_space<vmem_shared>> -> memref<1x128xf32, #tpu.memory_space<vmem_shared>>
      tpu.enqueue_dma source(%arg11 : memref<1x128xf32, #tpu.memory_space<vmem>>) target(%dma_start3A_41 : memref<1x128xf32, #tpu.memory_space<vmem_shared>>) target_semaphore(%run_scoped3A : memref<!tpu.dma_semaphore, #tpu.memory_space<semaphore_mem>>)
      %dma_wait3A = arith.constant 0 : i32
      %dma_wait3A_42 = tpu.memref_slice %arg13[%arg1, %dma_wait3A] : memref<16x128xf32, #tpu.memory_space<vmem_shared>> -> memref<1x128xf32, #tpu.memory_space<vmem_shared>>
      %dma_wait3A_43 = arith.constant 0 : i32
      %dma_wait3A_44 = tpu.memref_slice %arg13[%arg1, %dma_wait3A_43] : memref<16x128xf32, #tpu.memory_space<vmem_shared>> -> memref<1x128xf32, #tpu.memory_space<vmem_shared>>
      tpu.wait_dma2 semaphore(%run_scoped3A : memref<!tpu.dma_semaphore, #tpu.memory_space<semaphore_mem>>) src(%arg11 : memref<1x128xf32, #tpu.memory_space<vmem>>) dst(%dma_wait3A_44 : memref<1x128xf32, #tpu.memory_space<vmem_shared>>)
      tpu.yield
    }) : () -> ()
    %barrier3A = arith.constant 0 : index
    tpu.barrier barrier_id(%barrier3A)
    %eq3A = arith.constant 0 : i32
    %eq3A_35 = arith.cmpi eq, %arg1, %eq3A : i32
    %convert_element_type3A_36 = arith.extui %eq3A_35 : i1 to i32
    %cond3A_37 = arith.constant 0 : i32
    %cond3A_38 = arith.cmpi ne, %convert_element_type3A_36, %cond3A_37 : i32
    scf.if %cond3A_38 {
      "tpu.region"() ({
        %run_scoped3A = tpu.sem_alloc : memref<!tpu.dma_semaphore, #tpu.memory_space<semaphore_mem>>
        tpu.enqueue_dma source(%arg13 : memref<16x128xf32, #tpu.memory_space<vmem_shared>>) target(%arg12 : memref<16x128xf32, #tpu.memory_space<vmem>>) target_semaphore(%run_scoped3A : memref<!tpu.dma_semaphore, #tpu.memory_space<semaphore_mem>>)
        tpu.wait_dma2 semaphore(%run_scoped3A : memref<!tpu.dma_semaphore, #tpu.memory_space<semaphore_mem>>) src(%arg13 : memref<16x128xf32, #tpu.memory_space<vmem_shared>>) dst(%arg12 : memref<16x128xf32, #tpu.memory_space<vmem>>)
        tpu.yield
      }) : () -> ()
      %get3A = arith.constant 0 : i32
      %get3A_39 = arith.index_cast %get3A : i32 to index
      %get3A_40 = arith.constant 0 : index
      %get3A_41 = tpu.vector_load %arg12[%get3A_39, %get3A_40] {strides = array<i32>} : memref<16x128xf32, #tpu.memory_space<vmem>>, vector<16xf32>,
      %get3A_42 = arith.constant 1 : i32
      %get3A_43 = arith.index_cast %get3A_42 : i32 to index
      %get3A_44 = arith.constant 0 : index
      %get3A_45 = tpu.vector_load %arg12[%get3A_43, %get3A_44] {strides = array<i32>} : memref<16x128xf32, #tpu.memory_space<vmem>>, vector<16xf32>,
      %add3A_46 = arith.addf %get3A_41, %get3A_45 : vector<16xf32>
      %get3A_47 = arith.constant 2 : i32
      %get3A_48 = arith.index_cast %get3A_47 : i32 to index
      %get3A_49 = arith.constant 0 : index
      %get3A_50 = tpu.vector_load %arg12[%get3A_48, %get3A_49] {strides = array<i32>} : memref<16x128xf32, #tpu.memory_space<vmem>>, vector<16xf32>,
      %add3A_51 = arith.addf %add3A_46, %get3A_50 : vector<16xf32>
      %get3A_52 = arith.constant 3 : i32
      %get3A_53 = arith.index_cast %get3A_52 : i32 to index
      %get3A_54 = arith.constant 0 : index
      %get3A_55 = tpu.vector_load %arg12[%get3A_53, %get3A_54] {strides = array<i32>} : memref<16x128xf32, #tpu.memory_space<vmem>>, vector<16xf32>,
      %add3A_56 = arith.addf %add3A_51, %get3A_55 : vector<16xf32>
      %get3A_57 = arith.constant 4 : i32
      %get3A_58 = arith.index_cast %get3A_57 : i32 to index
      %get3A_59 = arith.constant 0 : index
      %get3A_60 = tpu.vector_load %arg12[%get3A_58, %get3A_59] {strides = array<i32>} : memref<16x128xf32, #tpu.memory_space<vmem>>, vector<16xf32>,
      %add3A_61 = arith.addf %add3A_56, %get3A_60 : vector<16xf32>
      %get3A_62 = arith.constant 5 : i32
      %get3A_63 = arith.index_cast %get3A_62 : i32 to index
      %get3A_64 = arith.constant 0 : index
      %get3A_65 = tpu.vector_load %arg12[%get3A_63, %get3A_64] {strides = array<i32>} : memref<16x128xf32, #tpu.memory_space<vmem>>, vector<16xf32>,
      %add3A_66 = arith.addf %add3A_61, %get3A_65 : vector<16xf32>
      %get3A_67 = arith.constant 6 : i32
      %get3A_68 = arith.index_cast %get3A_67 : i32 to index
      %get3A_69 = arith.constant 0 : index
      %get3A_70 = tpu.vector_load %arg12[%get3A_68, %get3A_69] {strides = array<i32>} : memref<16x128xf32, #tpu.memory_space<vmem>>, vector<16xf32>,
      %add3A_71 = arith.addf %add3A_66, %get3A_70 : vector<16xf32>
      %get3A_72 = arith.constant 7 : i32
      %get3A_73 = arith.index_cast %get3A_72 : i32 to index
      %get3A_74 = arith.constant 0 : index
      %get3A_75 = tpu.vector_load %arg12[%get3A_73, %get3A_74] {strides = array<i32>} : memref<16x128xf32, #tpu.memory_space<vmem>>, vector<16xf32>,
      %add3A_76 = arith.addf %add3A_71, %get3A_75 : vector<16xf32>
      %get3A_77 = arith.constant 8 : i32
      %get3A_78 = arith.index_cast %get3A_77 : i32 to index
      %get3A_79 = arith.constant 0 : index
      %get3A_80 = tpu.vector_load %arg12[%get3A_78, %get3A_79] {strides = array<i32>} : memref<16x128xf32, #tpu.memory_space<vmem>>, vector<16xf32>,
      %add3A_81 = arith.addf %add3A_76, %get3A_80 : vector<16xf32>
      %get3A_82 = arith.constant 9 : i32
      %get3A_83 = arith.index_cast %get3A_82 : i32 to index
      %get3A_84 = arith.constant 0 : index
      %get3A_85 = tpu.vector_load %arg12[%get3A_83, %get3A_84] {strides = array<i32>} : memref<16x128xf32, #tpu.memory_space<vmem>>, vector<16xf32>,
      %add3A_86 = arith.addf %add3A_81, %get3A_85 : vector<16xf32>
      %get3A_87 = arith.constant 10 : i32
      %get3A_88 = arith.index_cast %get3A_87 : i32 to index
      %get3A_89 = arith.constant 0 : index
      %get3A_90 = tpu.vector_load %arg12[%get3A_88, %get3A_89] {strides = array<i32>} : memref<16x128xf32, #tpu.memory_space<vmem>>, vector<16xf32>,
      %add3A_91 = arith.addf %add3A_86, %get3A_90 : vector<16xf32>
      %get3A_92 = arith.constant 11 : i32
      %get3A_93 = arith.index_cast %get3A_92 : i32 to index
      %get3A_94 = arith.constant 0 : index
      %get3A_95 = tpu.vector_load %arg12[%get3A_93, %get3A_94] {strides = array<i32>} : memref<16x128xf32, #tpu.memory_space<vmem>>, vector<16xf32>,
      %add3A_96 = arith.addf %add3A_91, %get3A_95 : vector<16xf32>
      %get3A_97 = arith.constant 12 : i32
      %get3A_98 = arith.index_cast %get3A_97 : i32 to index
      %get3A_99 = arith.constant 0 : index
      %get3A_100 = tpu.vector_load %arg12[%get3A_98, %get3A_99] {strides = array<i32>} : memref<16x128xf32, #tpu.memory_space<vmem>>, vector<16xf32>,
      %add3A_101 = arith.addf %add3A_96, %get3A_100 : vector<16xf32>
      %get3A_102 = arith.constant 13 : i32
      %get3A_103 = arith.index_cast %get3A_102 : i32 to index
      %get3A_104 = arith.constant 0 : index
      %get3A_105 = tpu.vector_load %arg12[%get3A_103, %get3A_104] {strides = array<i32>} : memref<16x128xf32, #tpu.memory_space<vmem>>, vector<16xf32>,
      %add3A_106 = arith.addf %add3A_101, %get3A_105 : vector<16xf32>
      %get3A_107 = arith.constant 14 : i32
      %get3A_108 = arith.index_cast %get3A_107 : i32 to index
      %get3A_109 = arith.constant 0 : index
      %get3A_110 = tpu.vector_load %arg12[%get3A_108, %get3A_109] {strides = array<i32>} : memref<16x128xf32, #tpu.memory_space<vmem>>, vector<16xf32>,
      %add3A_111 = arith.addf %add3A_106, %get3A_110 : vector<16xf32>
      %get3A_112 = arith.constant 15 : i32
      %get3A_113 = arith.index_cast %get3A_112 : i32 to index
      %get3A_114 = arith.constant 0 : index
      %get3A_115 = tpu.vector_load %arg12[%get3A_113, %get3A_114] {strides = array<i32>} : memref<16x128xf32, #tpu.memory_space<vmem>>, vector<16xf32>,
      %add3A_116 = arith.addf %add3A_111, %get3A_115 : vector<16xf32>
      %mul3A_117 = arith.constant 5.000000e-03 : f32
      %mul3A_118 = vector.broadcast %mul3A_117 : f32 to vector<16xf32>
      %mul3A_119 = arith.mulf %add3A_116, %mul3A_118 : vector<16xf32>
      %swap3A_120 = arith.constant 0 : i32
      %swap3A_121 = arith.index_cast %swap3A_120 : i32 to index
      %swap3A_122 = arith.constant 0 : index
      %swap3A_123 = tpu.vector_load %arg11[%swap3A_121, %swap3A_122] {strides = array<i32>} : memref<1x128xf32, #tpu.memory_space<vmem>>, vector<16xf32>,
      tpu.vector_store %arg11[%swap3A_121, %swap3A_122], %mul3A_119 {strides = array<i32>} : memref<1x128xf32, #tpu.memory_space<vmem>>, vector<16xf32>,
      %get3A_124 = arith.constant 0 : i32
      %get3A_125 = arith.index_cast %get3A_124 : i32 to index
      %get3A_126 = arith.constant 16 : index
      %get3A_127 = tpu.vector_load %arg12[%get3A_125, %get3A_126] {strides = array<i32>} : memref<16x128xf32, #tpu.memory_space<vmem>>, vector<16xf32>,
      %get3A_128 = arith.constant 1 : i32
      %get3A_129 = arith.index_cast %get3A_128 : i32 to index
      %get3A_130 = arith.constant 16 : index
      %get3A_131 = tpu.vector_load %arg12[%get3A_129, %get3A_130] {strides = array<i32>} : memref<16x128xf32, #tpu.memory_space<vmem>>, vector<16xf32>,
      %add3A_132 = arith.addf %get3A_127, %get3A_131 : vector<16xf32>
      %get3A_133 = arith.constant 2 : i32
      %get3A_134 = arith.index_cast %get3A_133 : i32 to index
      %get3A_135 = arith.constant 16 : index
      %get3A_136 = tpu.vector_load %arg12[%get3A_134, %get3A_135] {strides = array<i32>} : memref<16x128xf32, #tpu.memory_space<vmem>>, vector<16xf32>,
      %add3A_137 = arith.addf %add3A_132, %get3A_136 : vector<16xf32>
      %get3A_138 = arith.constant 3 : i32
      %get3A_139 = arith.index_cast %get3A_138 : i32 to index
      %get3A_140 = arith.constant 16 : index
      %get3A_141 = tpu.vector_load %arg12[%get3A_139, %get3A_140] {strides = array<i32>} : memref<16x128xf32, #tpu.memory_space<vmem>>, vector<16xf32>,
      %add3A_142 = arith.addf %add3A_137, %get3A_141 : vector<16xf32>
      %get3A_143 = arith.constant 4 : i32
      %get3A_144 = arith.index_cast %get3A_143 : i32 to index
      %get3A_145 = arith.constant 16 : index
      %get3A_146 = tpu.vector_load %arg12[%get3A_144, %get3A_145] {strides = array<i32>} : memref<16x128xf32, #tpu.memory_space<vmem>>, vector<16xf32>,
      %add3A_147 = arith.addf %add3A_142, %get3A_146 : vector<16xf32>
      %get3A_148 = arith.constant 5 : i32
      %get3A_149 = arith.index_cast %get3A_148 : i32 to index
      %get3A_150 = arith.constant 16 : index
      %get3A_151 = tpu.vector_load %arg12[%get3A_149, %get3A_150] {strides = array<i32>} : memref<16x128xf32, #tpu.memory_space<vmem>>, vector<16xf32>,
      %add3A_152 = arith.addf %add3A_147, %get3A_151 : vector<16xf32>
      %get3A_153 = arith.constant 6 : i32
      %get3A_154 = arith.index_cast %get3A_153 : i32 to index
      %get3A_155 = arith.constant 16 : index
      %get3A_156 = tpu.vector_load %arg12[%get3A_154, %get3A_155] {strides = array<i32>} : memref<16x128xf32, #tpu.memory_space<vmem>>, vector<16xf32>,
      %add3A_157 = arith.addf %add3A_152, %get3A_156 : vector<16xf32>
      %get3A_158 = arith.constant 7 : i32
      %get3A_159 = arith.index_cast %get3A_158 : i32 to index
      %get3A_160 = arith.constant 16 : index
      %get3A_161 = tpu.vector_load %arg12[%get3A_159, %get3A_160] {strides = array<i32>} : memref<16x128xf32, #tpu.memory_space<vmem>>, vector<16xf32>,
      %add3A_162 = arith.addf %add3A_157, %get3A_161 : vector<16xf32>
      %get3A_163 = arith.constant 8 : i32
      %get3A_164 = arith.index_cast %get3A_163 : i32 to index
      %get3A_165 = arith.constant 16 : index
      %get3A_166 = tpu.vector_load %arg12[%get3A_164, %get3A_165] {strides = array<i32>} : memref<16x128xf32, #tpu.memory_space<vmem>>, vector<16xf32>,
      %add3A_167 = arith.addf %add3A_162, %get3A_166 : vector<16xf32>
      %get3A_168 = arith.constant 9 : i32
      %get3A_169 = arith.index_cast %get3A_168 : i32 to index
      %get3A_170 = arith.constant 16 : index
      %get3A_171 = tpu.vector_load %arg12[%get3A_169, %get3A_170] {strides = array<i32>} : memref<16x128xf32, #tpu.memory_space<vmem>>, vector<16xf32>,
      %add3A_172 = arith.addf %add3A_167, %get3A_171 : vector<16xf32>
      %get3A_173 = arith.constant 10 : i32
      %get3A_174 = arith.index_cast %get3A_173 : i32 to index
      %get3A_175 = arith.constant 16 : index
      %get3A_176 = tpu.vector_load %arg12[%get3A_174, %get3A_175] {strides = array<i32>} : memref<16x128xf32, #tpu.memory_space<vmem>>, vector<16xf32>,
      %add3A_177 = arith.addf %add3A_172, %get3A_176 : vector<16xf32>
      %get3A_178 = arith.constant 11 : i32
      %get3A_179 = arith.index_cast %get3A_178 : i32 to index
      %get3A_180 = arith.constant 16 : index
      %get3A_181 = tpu.vector_load %arg12[%get3A_179, %get3A_180] {strides = array<i32>} : memref<16x128xf32, #tpu.memory_space<vmem>>, vector<16xf32>,
      %add3A_182 = arith.addf %add3A_177, %get3A_181 : vector<16xf32>
      %get3A_183 = arith.constant 12 : i32
      %get3A_184 = arith.index_cast %get3A_183 : i32 to index
      %get3A_185 = arith.constant 16 : index
      %get3A_186 = tpu.vector_load %arg12[%get3A_184, %get3A_185] {strides = array<i32>} : memref<16x128xf32, #tpu.memory_space<vmem>>, vector<16xf32>,
      %add3A_187 = arith.addf %add3A_182, %get3A_186 : vector<16xf32>
      %get3A_188 = arith.constant 13 : i32
      %get3A_189 = arith.index_cast %get3A_188 : i32 to index
      %get3A_190 = arith.constant 16 : index
      %get3A_191 = tpu.vector_load %arg12[%get3A_189, %get3A_190] {strides = array<i32>} : memref<16x128xf32, #tpu.memory_space<vmem>>, vector<16xf32>,
      %add3A_192 = arith.addf %add3A_187, %get3A_191 : vector<16xf32>
      %get3A_193 = arith.constant 14 : i32
      %get3A_194 = arith.index_cast %get3A_193 : i32 to index
      %get3A_195 = arith.constant 16 : index
      %get3A_196 = tpu.vector_load %arg12[%get3A_194, %get3A_195] {strides = array<i32>} : memref<16x128xf32, #tpu.memory_space<vmem>>, vector<16xf32>,
      %add3A_197 = arith.addf %add3A_192, %get3A_196 : vector<16xf32>
      %get3A_198 = arith.constant 15 : i32
      %get3A_199 = arith.index_cast %get3A_198 : i32 to index
      %get3A_200 = arith.constant 16 : index
      %get3A_201 = tpu.vector_load %arg12[%get3A_199, %get3A_200] {strides = array<i32>} : memref<16x128xf32, #tpu.memory_space<vmem>>, vector<16xf32>,
      %add3A_202 = arith.addf %add3A_197, %get3A_201 : vector<16xf32>
      %mul3A_203 = arith.constant 5.000000e-03 : f32
      %mul3A_204 = vector.broadcast %mul3A_203 : f32 to vector<16xf32>
      %mul3A_205 = arith.mulf %add3A_202, %mul3A_204 : vector<16xf32>
      %swap3A_206 = arith.constant 0 : i32
      %swap3A_207 = arith.index_cast %swap3A_206 : i32 to index
      %swap3A_208 = arith.constant 16 : index
      %swap3A_209 = tpu.vector_load %arg11[%swap3A_207, %swap3A_208] {strides = array<i32>} : memref<1x128xf32, #tpu.memory_space<vmem>>, vector<16xf32>,
      tpu.vector_store %arg11[%swap3A_207, %swap3A_208], %mul3A_205 {strides = array<i32>} : memref<1x128xf32, #tpu.memory_space<vmem>>, vector<16xf32>,
      %get3A_210 = arith.constant 0 : i32
      %get3A_211 = arith.index_cast %get3A_210 : i32 to index
      %get3A_212 = arith.constant 32 : index
      %get3A_213 = tpu.vector_load %arg12[%get3A_211, %get3A_212] {strides = array<i32>} : memref<16x128xf32, #tpu.memory_space<vmem>>, vector<16xf32>,
      %get3A_214 = arith.constant 1 : i32
      %get3A_215 = arith.index_cast %get3A_214 : i32 to index
      %get3A_216 = arith.constant 32 : index
      %get3A_217 = tpu.vector_load %arg12[%get3A_215, %get3A_216] {strides = array<i32>} : memref<16x128xf32, #tpu.memory_space<vmem>>, vector<16xf32>,
      %add3A_218 = arith.addf %get3A_213, %get3A_217 : vector<16xf32>
      %get3A_219 = arith.constant 2 : i32
      %get3A_220 = arith.index_cast %get3A_219 : i32 to index
      %get3A_221 = arith.constant 32 : index
      %get3A_222 = tpu.vector_load %arg12[%get3A_220, %get3A_221] {strides = array<i32>} : memref<16x128xf32, #tpu.memory_space<vmem>>, vector<16xf32>,
      %add3A_223 = arith.addf %add3A_218, %get3A_222 : vector<16xf32>
      %get3A_224 = arith.constant 3 : i32
      %get3A_225 = arith.index_cast %get3A_224 : i32 to index
      %get3A_226 = arith.constant 32 : index
      %get3A_227 = tpu.vector_load %arg12[%get3A_225, %get3A_226] {strides = array<i32>} : memref<16x128xf32, #tpu.memory_space<vmem>>, vector<16xf32>,
      %add3A_228 = arith.addf %add3A_223, %get3A_227 : vector<16xf32>
      %get3A_229 = arith.constant 4 : i32
      %get3A_230 = arith.index_cast %get3A_229 : i32 to index
      %get3A_231 = arith.constant 32 : index
      %get3A_232 = tpu.vector_load %arg12[%get3A_230, %get3A_231] {strides = array<i32>} : memref<16x128xf32, #tpu.memory_space<vmem>>, vector<16xf32>,
      %add3A_233 = arith.addf %add3A_228, %get3A_232 : vector<16xf32>
      %get3A_234 = arith.constant 5 : i32
      %get3A_235 = arith.index_cast %get3A_234 : i32 to index
      %get3A_236 = arith.constant 32 : index
      %get3A_237 = tpu.vector_load %arg12[%get3A_235, %get3A_236] {strides = array<i32>} : memref<16x128xf32, #tpu.memory_space<vmem>>, vector<16xf32>,
      %add3A_238 = arith.addf %add3A_233, %get3A_237 : vector<16xf32>
      %get3A_239 = arith.constant 6 : i32
      %get3A_240 = arith.index_cast %get3A_239 : i32 to index
      %get3A_241 = arith.constant 32 : index
      %get3A_242 = tpu.vector_load %arg12[%get3A_240, %get3A_241] {strides = array<i32>} : memref<16x128xf32, #tpu.memory_space<vmem>>, vector<16xf32>,
      %add3A_243 = arith.addf %add3A_238, %get3A_242 : vector<16xf32>
      %get3A_244 = arith.constant 7 : i32
      %get3A_245 = arith.index_cast %get3A_244 : i32 to index
      %get3A_246 = arith.constant 32 : index
      %get3A_247 = tpu.vector_load %arg12[%get3A_245, %get3A_246] {strides = array<i32>} : memref<16x128xf32, #tpu.memory_space<vmem>>, vector<16xf32>,
      %add3A_248 = arith.addf %add3A_243, %get3A_247 : vector<16xf32>
      %get3A_249 = arith.constant 8 : i32
      %get3A_250 = arith.index_cast %get3A_249 : i32 to index
      %get3A_251 = arith.constant 32 : index
      %get3A_252 = tpu.vector_load %arg12[%get3A_250, %get3A_251] {strides = array<i32>} : memref<16x128xf32, #tpu.memory_space<vmem>>, vector<16xf32>,
      %add3A_253 = arith.addf %add3A_248, %get3A_252 : vector<16xf32>
      %get3A_254 = arith.constant 9 : i32
      %get3A_255 = arith.index_cast %get3A_254 : i32 to index
      %get3A_256 = arith.constant 32 : index
      %get3A_257 = tpu.vector_load %arg12[%get3A_255, %get3A_256] {strides = array<i32>} : memref<16x128xf32, #tpu.memory_space<vmem>>, vector<16xf32>,
      %add3A_258 = arith.addf %add3A_253, %get3A_257 : vector<16xf32>
      %get3A_259 = arith.constant 10 : i32
      %get3A_260 = arith.index_cast %get3A_259 : i32 to index
      %get3A_261 = arith.constant 32 : index
      %get3A_262 = tpu.vector_load %arg12[%get3A_260, %get3A_261] {strides = array<i32>} : memref<16x128xf32, #tpu.memory_space<vmem>>, vector<16xf32>,
      %add3A_263 = arith.addf %add3A_258, %get3A_262 : vector<16xf32>
      %get3A_264 = arith.constant 11 : i32
      %get3A_265 = arith.index_cast %get3A_264 : i32 to index
      %get3A_266 = arith.constant 32 : index
      %get3A_267 = tpu.vector_load %arg12[%get3A_265, %get3A_266] {strides = array<i32>} : memref<16x128xf32, #tpu.memory_space<vmem>>, vector<16xf32>,
      %add3A_268 = arith.addf %add3A_263, %get3A_267 : vector<16xf32>
      %get3A_269 = arith.constant 12 : i32
      %get3A_270 = arith.index_cast %get3A_269 : i32 to index
      %get3A_271 = arith.constant 32 : index
      %get3A_272 = tpu.vector_load %arg12[%get3A_270, %get3A_271] {strides = array<i32>} : memref<16x128xf32, #tpu.memory_space<vmem>>, vector<16xf32>,
      %add3A_273 = arith.addf %add3A_268, %get3A_272 : vector<16xf32>
      %get3A_274 = arith.constant 13 : i32
      %get3A_275 = arith.index_cast %get3A_274 : i32 to index
      %get3A_276 = arith.constant 32 : index
      %get3A_277 = tpu.vector_load %arg12[%get3A_275, %get3A_276] {strides = array<i32>} : memref<16x128xf32, #tpu.memory_space<vmem>>, vector<16xf32>,
      %add3A_278 = arith.addf %add3A_273, %get3A_277 : vector<16xf32>
      %get3A_279 = arith.constant 14 : i32
      %get3A_280 = arith.index_cast %get3A_279 : i32 to index
      %get3A_281 = arith.constant 32 : index
      %get3A_282 = tpu.vector_load %arg12[%get3A_280, %get3A_281] {strides = array<i32>} : memref<16x128xf32, #tpu.memory_space<vmem>>, vector<16xf32>,
      %add3A_283 = arith.addf %add3A_278, %get3A_282 : vector<16xf32>
      %get3A_284 = arith.constant 15 : i32
      %get3A_285 = arith.index_cast %get3A_284 : i32 to index
      %get3A_286 = arith.constant 32 : index
      %get3A_287 = tpu.vector_load %arg12[%get3A_285, %get3A_286] {strides = array<i32>} : memref<16x128xf32, #tpu.memory_space<vmem>>, vector<16xf32>,
      %add3A_288 = arith.addf %add3A_283, %get3A_287 : vector<16xf32>
      %mul3A_289 = arith.constant 5.000000e-03 : f32
      %mul3A_290 = vector.broadcast %mul3A_289 : f32 to vector<16xf32>
      %mul3A_291 = arith.mulf %add3A_288, %mul3A_290 : vector<16xf32>
      %swap3A_292 = arith.constant 0 : i32
      %swap3A_293 = arith.index_cast %swap3A_292 : i32 to index
      %swap3A_294 = arith.constant 32 : index
      %swap3A_295 = tpu.vector_load %arg11[%swap3A_293, %swap3A_294] {strides = array<i32>} : memref<1x128xf32, #tpu.memory_space<vmem>>, vector<16xf32>,
      tpu.vector_store %arg11[%swap3A_293, %swap3A_294], %mul3A_291 {strides = array<i32>} : memref<1x128xf32, #tpu.memory_space<vmem>>, vector<16xf32>,
      %get3A_296 = arith.constant 0 : i32
      %get3A_297 = arith.index_cast %get3A_296 : i32 to index
      %get3A_298 = arith.constant 48 : index
      %get3A_299 = tpu.vector_load %arg12[%get3A_297, %get3A_298] {strides = array<i32>} : memref<16x128xf32, #tpu.memory_space<vmem>>, vector<16xf32>,
      %get3A_300 = arith.constant 1 : i32
      %get3A_301 = arith.index_cast %get3A_300 : i32 to index
      %get3A_302 = arith.constant 48 : index
      %get3A_303 = tpu.vector_load %arg12[%get3A_301, %get3A_302] {strides = array<i32>} : memref<16x128xf32, #tpu.memory_space<vmem>>, vector<16xf32>,
      %add3A_304 = arith.addf %get3A_299, %get3A_303 : vector<16xf32>
      %get3A_305 = arith.constant 2 : i32
      %get3A_306 = arith.index_cast %get3A_305 : i32 to index
      %get3A_307 = arith.constant 48 : index
      %get3A_308 = tpu.vector_load %arg12[%get3A_306, %get3A_307] {strides = array<i32>} : memref<16x128xf32, #tpu.memory_space<vmem>>, vector<16xf32>,
      %add3A_309 = arith.addf %add3A_304, %get3A_308 : vector<16xf32>
      %get3A_310 = arith.constant 3 : i32
      %get3A_311 = arith.index_cast %get3A_310 : i32 to index
      %get3A_312 = arith.constant 48 : index
      %get3A_313 = tpu.vector_load %arg12[%get3A_311, %get3A_312] {strides = array<i32>} : memref<16x128xf32, #tpu.memory_space<vmem>>, vector<16xf32>,
      %add3A_314 = arith.addf %add3A_309, %get3A_313 : vector<16xf32>
      %get3A_315 = arith.constant 4 : i32
      %get3A_316 = arith.index_cast %get3A_315 : i32 to index
      %get3A_317 = arith.constant 48 : index
      %get3A_318 = tpu.vector_load %arg12[%get3A_316, %get3A_317] {strides = array<i32>} : memref<16x128xf32, #tpu.memory_space<vmem>>, vector<16xf32>,
      %add3A_319 = arith.addf %add3A_314, %get3A_318 : vector<16xf32>
      %get3A_320 = arith.constant 5 : i32
      %get3A_321 = arith.index_cast %get3A_320 : i32 to index
      %get3A_322 = arith.constant 48 : index
      %get3A_323 = tpu.vector_load %arg12[%get3A_321, %get3A_322] {strides = array<i32>} : memref<16x128xf32, #tpu.memory_space<vmem>>, vector<16xf32>,
      %add3A_324 = arith.addf %add3A_319, %get3A_323 : vector<16xf32>
      %get3A_325 = arith.constant 6 : i32
      %get3A_326 = arith.index_cast %get3A_325 : i32 to index
      %get3A_327 = arith.constant 48 : index
      %get3A_328 = tpu.vector_load %arg12[%get3A_326, %get3A_327] {strides = array<i32>} : memref<16x128xf32, #tpu.memory_space<vmem>>, vector<16xf32>,
      %add3A_329 = arith.addf %add3A_324, %get3A_328 : vector<16xf32>
      %get3A_330 = arith.constant 7 : i32
      %get3A_331 = arith.index_cast %get3A_330 : i32 to index
      %get3A_332 = arith.constant 48 : index
      %get3A_333 = tpu.vector_load %arg12[%get3A_331, %get3A_332] {strides = array<i32>} : memref<16x128xf32, #tpu.memory_space<vmem>>, vector<16xf32>,
      %add3A_334 = arith.addf %add3A_329, %get3A_333 : vector<16xf32>
      %get3A_335 = arith.constant 8 : i32
      %get3A_336 = arith.index_cast %get3A_335 : i32 to index
      %get3A_337 = arith.constant 48 : index
      %get3A_338 = tpu.vector_load %arg12[%get3A_336, %get3A_337] {strides = array<i32>} : memref<16x128xf32, #tpu.memory_space<vmem>>, vector<16xf32>,
      %add3A_339 = arith.addf %add3A_334, %get3A_338 : vector<16xf32>
      %get3A_340 = arith.constant 9 : i32
      %get3A_341 = arith.index_cast %get3A_340 : i32 to index
      %get3A_342 = arith.constant 48 : index
      %get3A_343 = tpu.vector_load %arg12[%get3A_341, %get3A_342] {strides = array<i32>} : memref<16x128xf32, #tpu.memory_space<vmem>>, vector<16xf32>,
      %add3A_344 = arith.addf %add3A_339, %get3A_343 : vector<16xf32>
      %get3A_345 = arith.constant 10 : i32
      %get3A_346 = arith.index_cast %get3A_345 : i32 to index
      %get3A_347 = arith.constant 48 : index
      %get3A_348 = tpu.vector_load %arg12[%get3A_346, %get3A_347] {strides = array<i32>} : memref<16x128xf32, #tpu.memory_space<vmem>>, vector<16xf32>,
      %add3A_349 = arith.addf %add3A_344, %get3A_348 : vector<16xf32>
      %get3A_350 = arith.constant 11 : i32
      %get3A_351 = arith.index_cast %get3A_350 : i32 to index
      %get3A_352 = arith.constant 48 : index
      %get3A_353 = tpu.vector_load %arg12[%get3A_351, %get3A_352] {strides = array<i32>} : memref<16x128xf32, #tpu.memory_space<vmem>>, vector<16xf32>,
      %add3A_354 = arith.addf %add3A_349, %get3A_353 : vector<16xf32>
      %get3A_355 = arith.constant 12 : i32
      %get3A_356 = arith.index_cast %get3A_355 : i32 to index
      %get3A_357 = arith.constant 48 : index
      %get3A_358 = tpu.vector_load %arg12[%get3A_356, %get3A_357] {strides = array<i32>} : memref<16x128xf32, #tpu.memory_space<vmem>>, vector<16xf32>,
      %add3A_359 = arith.addf %add3A_354, %get3A_358 : vector<16xf32>
      %get3A_360 = arith.constant 13 : i32
      %get3A_361 = arith.index_cast %get3A_360 : i32 to index
      %get3A_362 = arith.constant 48 : index
      %get3A_363 = tpu.vector_load %arg12[%get3A_361, %get3A_362] {strides = array<i32>} : memref<16x128xf32, #tpu.memory_space<vmem>>, vector<16xf32>,
      %add3A_364 = arith.addf %add3A_359, %get3A_363 : vector<16xf32>
      %get3A_365 = arith.constant 14 : i32
      %get3A_366 = arith.index_cast %get3A_365 : i32 to index
      %get3A_367 = arith.constant 48 : index
      %get3A_368 = tpu.vector_load %arg12[%get3A_366, %get3A_367] {strides = array<i32>} : memref<16x128xf32, #tpu.memory_space<vmem>>, vector<16xf32>,
      %add3A_369 = arith.addf %add3A_364, %get3A_368 : vector<16xf32>
      %get3A_370 = arith.constant 15 : i32
      %get3A_371 = arith.index_cast %get3A_370 : i32 to index
      %get3A_372 = arith.constant 48 : index
      %get3A_373 = tpu.vector_load %arg12[%get3A_371, %get3A_372] {strides = array<i32>} : memref<16x128xf32, #tpu.memory_space<vmem>>, vector<16xf32>,
      %add3A_374 = arith.addf %add3A_369, %get3A_373 : vector<16xf32>
      %mul3A_375 = arith.constant 5.000000e-03 : f32
      %mul3A_376 = vector.broadcast %mul3A_375 : f32 to vector<16xf32>
      %mul3A_377 = arith.mulf %add3A_374, %mul3A_376 : vector<16xf32>
      %swap3A_378 = arith.constant 0 : i32
      %swap3A_379 = arith.index_cast %swap3A_378 : i32 to index
      %swap3A_380 = arith.constant 48 : index
      %swap3A_381 = tpu.vector_load %arg11[%swap3A_379, %swap3A_380] {strides = array<i32>} : memref<1x128xf32, #tpu.memory_space<vmem>>, vector<16xf32>,
      tpu.vector_store %arg11[%swap3A_379, %swap3A_380], %mul3A_377 {strides = array<i32>} : memref<1x128xf32, #tpu.memory_space<vmem>>, vector<16xf32>,
      %get3A_382 = arith.constant 0 : i32
      %get3A_383 = arith.index_cast %get3A_382 : i32 to index
      %get3A_384 = arith.constant 64 : index
      %get3A_385 = tpu.vector_load %arg12[%get3A_383, %get3A_384] {strides = array<i32>} : memref<16x128xf32, #tpu.memory_space<vmem>>, vector<16xf32>,
      %get3A_386 = arith.constant 1 : i32
      %get3A_387 = arith.index_cast %get3A_386 : i32 to index
      %get3A_388 = arith.constant 64 : index
      %get3A_389 = tpu.vector_load %arg12[%get3A_387, %get3A_388] {strides = array<i32>} : memref<16x128xf32, #tpu.memory_space<vmem>>, vector<16xf32>,
      %add3A_390 = arith.addf %get3A_385, %get3A_389 : vector<16xf32>
      %get3A_391 = arith.constant 2 : i32
      %get3A_392 = arith.index_cast %get3A_391 : i32 to index
      %get3A_393 = arith.constant 64 : index
      %get3A_394 = tpu.vector_load %arg12[%get3A_392, %get3A_393] {strides = array<i32>} : memref<16x128xf32, #tpu.memory_space<vmem>>, vector<16xf32>,
      %add3A_395 = arith.addf %add3A_390, %get3A_394 : vector<16xf32>
      %get3A_396 = arith.constant 3 : i32
      %get3A_397 = arith.index_cast %get3A_396 : i32 to index
      %get3A_398 = arith.constant 64 : index
      %get3A_399 = tpu.vector_load %arg12[%get3A_397, %get3A_398] {strides = array<i32>} : memref<16x128xf32, #tpu.memory_space<vmem>>, vector<16xf32>,
      %add3A_400 = arith.addf %add3A_395, %get3A_399 : vector<16xf32>
      %get3A_401 = arith.constant 4 : i32
      %get3A_402 = arith.index_cast %get3A_401 : i32 to index
      %get3A_403 = arith.constant 64 : index
      %get3A_404 = tpu.vector_load %arg12[%get3A_402, %get3A_403] {strides = array<i32>} : memref<16x128xf32, #tpu.memory_space<vmem>>, vector<16xf32>,
      %add3A_405 = arith.addf %add3A_400, %get3A_404 : vector<16xf32>
      %get3A_406 = arith.constant 5 : i32
      %get3A_407 = arith.index_cast %get3A_406 : i32 to index
      %get3A_408 = arith.constant 64 : index
      %get3A_409 = tpu.vector_load %arg12[%get3A_407, %get3A_408] {strides = array<i32>} : memref<16x128xf32, #tpu.memory_space<vmem>>, vector<16xf32>,
      %add3A_410 = arith.addf %add3A_405, %get3A_409 : vector<16xf32>
      %get3A_411 = arith.constant 6 : i32
      %get3A_412 = arith.index_cast %get3A_411 : i32 to index
      %get3A_413 = arith.constant 64 : index
      %get3A_414 = tpu.vector_load %arg12[%get3A_412, %get3A_413] {strides = array<i32>} : memref<16x128xf32, #tpu.memory_space<vmem>>, vector<16xf32>,
      %add3A_415 = arith.addf %add3A_410, %get3A_414 : vector<16xf32>
      %get3A_416 = arith.constant 7 : i32
      %get3A_417 = arith.index_cast %get3A_416 : i32 to index
      %get3A_418 = arith.constant 64 : index
      %get3A_419 = tpu.vector_load %arg12[%get3A_417, %get3A_418] {strides = array<i32>} : memref<16x128xf32, #tpu.memory_space<vmem>>, vector<16xf32>,
      %add3A_420 = arith.addf %add3A_415, %get3A_419 : vector<16xf32>
      %get3A_421 = arith.constant 8 : i32
      %get3A_422 = arith.index_cast %get3A_421 : i32 to index
      %get3A_423 = arith.constant 64 : index
      %get3A_424 = tpu.vector_load %arg12[%get3A_422, %get3A_423] {strides = array<i32>} : memref<16x128xf32, #tpu.memory_space<vmem>>, vector<16xf32>,
      %add3A_425 = arith.addf %add3A_420, %get3A_424 : vector<16xf32>
      %get3A_426 = arith.constant 9 : i32
      %get3A_427 = arith.index_cast %get3A_426 : i32 to index
      %get3A_428 = arith.constant 64 : index
      %get3A_429 = tpu.vector_load %arg12[%get3A_427, %get3A_428] {strides = array<i32>} : memref<16x128xf32, #tpu.memory_space<vmem>>, vector<16xf32>,
      %add3A_430 = arith.addf %add3A_425, %get3A_429 : vector<16xf32>
      %get3A_431 = arith.constant 10 : i32
      %get3A_432 = arith.index_cast %get3A_431 : i32 to index
      %get3A_433 = arith.constant 64 : index
      %get3A_434 = tpu.vector_load %arg12[%get3A_432, %get3A_433] {strides = array<i32>} : memref<16x128xf32, #tpu.memory_space<vmem>>, vector<16xf32>,
      %add3A_435 = arith.addf %add3A_430, %get3A_434 : vector<16xf32>
      %get3A_436 = arith.constant 11 : i32
      %get3A_437 = arith.index_cast %get3A_436 : i32 to index
      %get3A_438 = arith.constant 64 : index
      %get3A_439 = tpu.vector_load %arg12[%get3A_437, %get3A_438] {strides = array<i32>} : memref<16x128xf32, #tpu.memory_space<vmem>>, vector<16xf32>,
      %add3A_440 = arith.addf %add3A_435, %get3A_439 : vector<16xf32>
      %get3A_441 = arith.constant 12 : i32
      %get3A_442 = arith.index_cast %get3A_441 : i32 to index
      %get3A_443 = arith.constant 64 : index
      %get3A_444 = tpu.vector_load %arg12[%get3A_442, %get3A_443] {strides = array<i32>} : memref<16x128xf32, #tpu.memory_space<vmem>>, vector<16xf32>,
      %add3A_445 = arith.addf %add3A_440, %get3A_444 : vector<16xf32>
      %get3A_446 = arith.constant 13 : i32
      %get3A_447 = arith.index_cast %get3A_446 : i32 to index
      %get3A_448 = arith.constant 64 : index
      %get3A_449 = tpu.vector_load %arg12[%get3A_447, %get3A_448] {strides = array<i32>} : memref<16x128xf32, #tpu.memory_space<vmem>>, vector<16xf32>,
      %add3A_450 = arith.addf %add3A_445, %get3A_449 : vector<16xf32>
      %get3A_451 = arith.constant 14 : i32
      %get3A_452 = arith.index_cast %get3A_451 : i32 to index
      %get3A_453 = arith.constant 64 : index
      %get3A_454 = tpu.vector_load %arg12[%get3A_452, %get3A_453] {strides = array<i32>} : memref<16x128xf32, #tpu.memory_space<vmem>>, vector<16xf32>,
      %add3A_455 = arith.addf %add3A_450, %get3A_454 : vector<16xf32>
      %get3A_456 = arith.constant 15 : i32
      %get3A_457 = arith.index_cast %get3A_456 : i32 to index
      %get3A_458 = arith.constant 64 : index
      %get3A_459 = tpu.vector_load %arg12[%get3A_457, %get3A_458] {strides = array<i32>} : memref<16x128xf32, #tpu.memory_space<vmem>>, vector<16xf32>,
      %add3A_460 = arith.addf %add3A_455, %get3A_459 : vector<16xf32>
      %mul3A_461 = arith.constant 5.000000e-03 : f32
      %mul3A_462 = vector.broadcast %mul3A_461 : f32 to vector<16xf32>
      %mul3A_463 = arith.mulf %add3A_460, %mul3A_462 : vector<16xf32>
      %swap3A_464 = arith.constant 0 : i32
      %swap3A_465 = arith.index_cast %swap3A_464 : i32 to index
      %swap3A_466 = arith.constant 64 : index
      %swap3A_467 = tpu.vector_load %arg11[%swap3A_465, %swap3A_466] {strides = array<i32>} : memref<1x128xf32, #tpu.memory_space<vmem>>, vector<16xf32>,
      tpu.vector_store %arg11[%swap3A_465, %swap3A_466], %mul3A_463 {strides = array<i32>} : memref<1x128xf32, #tpu.memory_space<vmem>>, vector<16xf32>,
      %get3A_468 = arith.constant 0 : i32
      %get3A_469 = arith.index_cast %get3A_468 : i32 to index
      %get3A_470 = arith.constant 80 : index
      %get3A_471 = tpu.vector_load %arg12[%get3A_469, %get3A_470] {strides = array<i32>} : memref<16x128xf32, #tpu.memory_space<vmem>>, vector<16xf32>,
      %get3A_472 = arith.constant 1 : i32
      %get3A_473 = arith.index_cast %get3A_472 : i32 to index
      %get3A_474 = arith.constant 80 : index
      %get3A_475 = tpu.vector_load %arg12[%get3A_473, %get3A_474] {strides = array<i32>} : memref<16x128xf32, #tpu.memory_space<vmem>>, vector<16xf32>,
      %add3A_476 = arith.addf %get3A_471, %get3A_475 : vector<16xf32>
      %get3A_477 = arith.constant 2 : i32
      %get3A_478 = arith.index_cast %get3A_477 : i32 to index
      %get3A_479 = arith.constant 80 : index
      %get3A_480 = tpu.vector_load %arg12[%get3A_478, %get3A_479] {strides = array<i32>} : memref<16x128xf32, #tpu.memory_space<vmem>>, vector<16xf32>,
      %add3A_481 = arith.addf %add3A_476, %get3A_480 : vector<16xf32>
      %get3A_482 = arith.constant 3 : i32
      %get3A_483 = arith.index_cast %get3A_482 : i32 to index
      %get3A_484 = arith.constant 80 : index
      %get3A_485 = tpu.vector_load %arg12[%get3A_483, %get3A_484] {strides = array<i32>} : memref<16x128xf32, #tpu.memory_space<vmem>>, vector<16xf32>,
      %add3A_486 = arith.addf %add3A_481, %get3A_485 : vector<16xf32>
      %get3A_487 = arith.constant 4 : i32
      %get3A_488 = arith.index_cast %get3A_487 : i32 to index
      %get3A_489 = arith.constant 80 : index
      %get3A_490 = tpu.vector_load %arg12[%get3A_488, %get3A_489] {strides = array<i32>} : memref<16x128xf32, #tpu.memory_space<vmem>>, vector<16xf32>,
      %add3A_491 = arith.addf %add3A_486, %get3A_490 : vector<16xf32>
      %get3A_492 = arith.constant 5 : i32
      %get3A_493 = arith.index_cast %get3A_492 : i32 to index
      %get3A_494 = arith.constant 80 : index
      %get3A_495 = tpu.vector_load %arg12[%get3A_493, %get3A_494] {strides = array<i32>} : memref<16x128xf32, #tpu.memory_space<vmem>>, vector<16xf32>,
      %add3A_496 = arith.addf %add3A_491, %get3A_495 : vector<16xf32>
      %get3A_497 = arith.constant 6 : i32
      %get3A_498 = arith.index_cast %get3A_497 : i32 to index
      %get3A_499 = arith.constant 80 : index
      %get3A_500 = tpu.vector_load %arg12[%get3A_498, %get3A_499] {strides = array<i32>} : memref<16x128xf32, #tpu.memory_space<vmem>>, vector<16xf32>,
      %add3A_501 = arith.addf %add3A_496, %get3A_500 : vector<16xf32>
      %get3A_502 = arith.constant 7 : i32
      %get3A_503 = arith.index_cast %get3A_502 : i32 to index
      %get3A_504 = arith.constant 80 : index
      %get3A_505 = tpu.vector_load %arg12[%get3A_503, %get3A_504] {strides = array<i32>} : memref<16x128xf32, #tpu.memory_space<vmem>>, vector<16xf32>,
      %add3A_506 = arith.addf %add3A_501, %get3A_505 : vector<16xf32>
      %get3A_507 = arith.constant 8 : i32
      %get3A_508 = arith.index_cast %get3A_507 : i32 to index
      %get3A_509 = arith.constant 80 : index
      %get3A_510 = tpu.vector_load %arg12[%get3A_508, %get3A_509] {strides = array<i32>} : memref<16x128xf32, #tpu.memory_space<vmem>>, vector<16xf32>,
      %add3A_511 = arith.addf %add3A_506, %get3A_510 : vector<16xf32>
      %get3A_512 = arith.constant 9 : i32
      %get3A_513 = arith.index_cast %get3A_512 : i32 to index
      %get3A_514 = arith.constant 80 : index
      %get3A_515 = tpu.vector_load %arg12[%get3A_513, %get3A_514] {strides = array<i32>} : memref<16x128xf32, #tpu.memory_space<vmem>>, vector<16xf32>,
      %add3A_516 = arith.addf %add3A_511, %get3A_515 : vector<16xf32>
      %get3A_517 = arith.constant 10 : i32
      %get3A_518 = arith.index_cast %get3A_517 : i32 to index
      %get3A_519 = arith.constant 80 : index
      %get3A_520 = tpu.vector_load %arg12[%get3A_518, %get3A_519] {strides = array<i32>} : memref<16x128xf32, #tpu.memory_space<vmem>>, vector<16xf32>,
      %add3A_521 = arith.addf %add3A_516, %get3A_520 : vector<16xf32>
      %get3A_522 = arith.constant 11 : i32
      %get3A_523 = arith.index_cast %get3A_522 : i32 to index
      %get3A_524 = arith.constant 80 : index
      %get3A_525 = tpu.vector_load %arg12[%get3A_523, %get3A_524] {strides = array<i32>} : memref<16x128xf32, #tpu.memory_space<vmem>>, vector<16xf32>,
      %add3A_526 = arith.addf %add3A_521, %get3A_525 : vector<16xf32>
      %get3A_527 = arith.constant 12 : i32
      %get3A_528 = arith.index_cast %get3A_527 : i32 to index
      %get3A_529 = arith.constant 80 : index
      %get3A_530 = tpu.vector_load %arg12[%get3A_528, %get3A_529] {strides = array<i32>} : memref<16x128xf32, #tpu.memory_space<vmem>>, vector<16xf32>,
      %add3A_531 = arith.addf %add3A_526, %get3A_530 : vector<16xf32>
      %get3A_532 = arith.constant 13 : i32
      %get3A_533 = arith.index_cast %get3A_532 : i32 to index
      %get3A_534 = arith.constant 80 : index
      %get3A_535 = tpu.vector_load %arg12[%get3A_533, %get3A_534] {strides = array<i32>} : memref<16x128xf32, #tpu.memory_space<vmem>>, vector<16xf32>,
      %add3A_536 = arith.addf %add3A_531, %get3A_535 : vector<16xf32>
      %get3A_537 = arith.constant 14 : i32
      %get3A_538 = arith.index_cast %get3A_537 : i32 to index
      %get3A_539 = arith.constant 80 : index
      %get3A_540 = tpu.vector_load %arg12[%get3A_538, %get3A_539] {strides = array<i32>} : memref<16x128xf32, #tpu.memory_space<vmem>>, vector<16xf32>,
      %add3A_541 = arith.addf %add3A_536, %get3A_540 : vector<16xf32>
      %get3A_542 = arith.constant 15 : i32
      %get3A_543 = arith.index_cast %get3A_542 : i32 to index
      %get3A_544 = arith.constant 80 : index
      %get3A_545 = tpu.vector_load %arg12[%get3A_543, %get3A_544] {strides = array<i32>} : memref<16x128xf32, #tpu.memory_space<vmem>>, vector<16xf32>,
      %add3A_546 = arith.addf %add3A_541, %get3A_545 : vector<16xf32>
      %mul3A_547 = arith.constant 5.000000e-03 : f32
      %mul3A_548 = vector.broadcast %mul3A_547 : f32 to vector<16xf32>
      %mul3A_549 = arith.mulf %add3A_546, %mul3A_548 : vector<16xf32>
      %swap3A_550 = arith.constant 0 : i32
      %swap3A_551 = arith.index_cast %swap3A_550 : i32 to index
      %swap3A_552 = arith.constant 80 : index
      %swap3A_553 = tpu.vector_load %arg11[%swap3A_551, %swap3A_552] {strides = array<i32>} : memref<1x128xf32, #tpu.memory_space<vmem>>, vector<16xf32>,
      tpu.vector_store %arg11[%swap3A_551, %swap3A_552], %mul3A_549 {strides = array<i32>} : memref<1x128xf32, #tpu.memory_space<vmem>>, vector<16xf32>,
      %get3A_554 = arith.constant 0 : i32
      %get3A_555 = arith.index_cast %get3A_554 : i32 to index
      %get3A_556 = arith.constant 96 : index
      %get3A_557 = tpu.vector_load %arg12[%get3A_555, %get3A_556] {strides = array<i32>} : memref<16x128xf32, #tpu.memory_space<vmem>>, vector<16xf32>,
      %get3A_558 = arith.constant 1 : i32
      %get3A_559 = arith.index_cast %get3A_558 : i32 to index
      %get3A_560 = arith.constant 96 : index
      %get3A_561 = tpu.vector_load %arg12[%get3A_559, %get3A_560] {strides = array<i32>} : memref<16x128xf32, #tpu.memory_space<vmem>>, vector<16xf32>,
      %add3A_562 = arith.addf %get3A_557, %get3A_561 : vector<16xf32>
      %get3A_563 = arith.constant 2 : i32
      %get3A_564 = arith.index_cast %get3A_563 : i32 to index
      %get3A_565 = arith.constant 96 : index
      %get3A_566 = tpu.vector_load %arg12[%get3A_564, %get3A_565] {strides = array<i32>} : memref<16x128xf32, #tpu.memory_space<vmem>>, vector<16xf32>,
      %add3A_567 = arith.addf %add3A_562, %get3A_566 : vector<16xf32>
      %get3A_568 = arith.constant 3 : i32
      %get3A_569 = arith.index_cast %get3A_568 : i32 to index
      %get3A_570 = arith.constant 96 : index
      %get3A_571 = tpu.vector_load %arg12[%get3A_569, %get3A_570] {strides = array<i32>} : memref<16x128xf32, #tpu.memory_space<vmem>>, vector<16xf32>,
      %add3A_572 = arith.addf %add3A_567, %get3A_571 : vector<16xf32>
      %get3A_573 = arith.constant 4 : i32
      %get3A_574 = arith.index_cast %get3A_573 : i32 to index
      %get3A_575 = arith.constant 96 : index
      %get3A_576 = tpu.vector_load %arg12[%get3A_574, %get3A_575] {strides = array<i32>} : memref<16x128xf32, #tpu.memory_space<vmem>>, vector<16xf32>,
      %add3A_577 = arith.addf %add3A_572, %get3A_576 : vector<16xf32>
      %get3A_578 = arith.constant 5 : i32
      %get3A_579 = arith.index_cast %get3A_578 : i32 to index
      %get3A_580 = arith.constant 96 : index
      %get3A_581 = tpu.vector_load %arg12[%get3A_579, %get3A_580] {strides = array<i32>} : memref<16x128xf32, #tpu.memory_space<vmem>>, vector<16xf32>,
      %add3A_582 = arith.addf %add3A_577, %get3A_581 : vector<16xf32>
      %get3A_583 = arith.constant 6 : i32
      %get3A_584 = arith.index_cast %get3A_583 : i32 to index
      %get3A_585 = arith.constant 96 : index
      %get3A_586 = tpu.vector_load %arg12[%get3A_584, %get3A_585] {strides = array<i32>} : memref<16x128xf32, #tpu.memory_space<vmem>>, vector<16xf32>,
      %add3A_587 = arith.addf %add3A_582, %get3A_586 : vector<16xf32>
      %get3A_588 = arith.constant 7 : i32
      %get3A_589 = arith.index_cast %get3A_588 : i32 to index
      %get3A_590 = arith.constant 96 : index
      %get3A_591 = tpu.vector_load %arg12[%get3A_589, %get3A_590] {strides = array<i32>} : memref<16x128xf32, #tpu.memory_space<vmem>>, vector<16xf32>,
      %add3A_592 = arith.addf %add3A_587, %get3A_591 : vector<16xf32>
      %get3A_593 = arith.constant 8 : i32
      %get3A_594 = arith.index_cast %get3A_593 : i32 to index
      %get3A_595 = arith.constant 96 : index
      %get3A_596 = tpu.vector_load %arg12[%get3A_594, %get3A_595] {strides = array<i32>} : memref<16x128xf32, #tpu.memory_space<vmem>>, vector<16xf32>,
      %add3A_597 = arith.addf %add3A_592, %get3A_596 : vector<16xf32>
      %get3A_598 = arith.constant 9 : i32
      %get3A_599 = arith.index_cast %get3A_598 : i32 to index
      %get3A_600 = arith.constant 96 : index
      %get3A_601 = tpu.vector_load %arg12[%get3A_599, %get3A_600] {strides = array<i32>} : memref<16x128xf32, #tpu.memory_space<vmem>>, vector<16xf32>,
      %add3A_602 = arith.addf %add3A_597, %get3A_601 : vector<16xf32>
      %get3A_603 = arith.constant 10 : i32
      %get3A_604 = arith.index_cast %get3A_603 : i32 to index
      %get3A_605 = arith.constant 96 : index
      %get3A_606 = tpu.vector_load %arg12[%get3A_604, %get3A_605] {strides = array<i32>} : memref<16x128xf32, #tpu.memory_space<vmem>>, vector<16xf32>,
      %add3A_607 = arith.addf %add3A_602, %get3A_606 : vector<16xf32>
      %get3A_608 = arith.constant 11 : i32
      %get3A_609 = arith.index_cast %get3A_608 : i32 to index
      %get3A_610 = arith.constant 96 : index
      %get3A_611 = tpu.vector_load %arg12[%get3A_609, %get3A_610] {strides = array<i32>} : memref<16x128xf32, #tpu.memory_space<vmem>>, vector<16xf32>,
      %add3A_612 = arith.addf %add3A_607, %get3A_611 : vector<16xf32>
      %get3A_613 = arith.constant 12 : i32
      %get3A_614 = arith.index_cast %get3A_613 : i32 to index
      %get3A_615 = arith.constant 96 : index
      %get3A_616 = tpu.vector_load %arg12[%get3A_614, %get3A_615] {strides = array<i32>} : memref<16x128xf32, #tpu.memory_space<vmem>>, vector<16xf32>,
      %add3A_617 = arith.addf %add3A_612, %get3A_616 : vector<16xf32>
      %get3A_618 = arith.constant 13 : i32
      %get3A_619 = arith.index_cast %get3A_618 : i32 to index
      %get3A_620 = arith.constant 96 : index
      %get3A_621 = tpu.vector_load %arg12[%get3A_619, %get3A_620] {strides = array<i32>} : memref<16x128xf32, #tpu.memory_space<vmem>>, vector<16xf32>,
      %add3A_622 = arith.addf %add3A_617, %get3A_621 : vector<16xf32>
      %get3A_623 = arith.constant 14 : i32
      %get3A_624 = arith.index_cast %get3A_623 : i32 to index
      %get3A_625 = arith.constant 96 : index
      %get3A_626 = tpu.vector_load %arg12[%get3A_624, %get3A_625] {strides = array<i32>} : memref<16x128xf32, #tpu.memory_space<vmem>>, vector<16xf32>,
      %add3A_627 = arith.addf %add3A_622, %get3A_626 : vector<16xf32>
      %get3A_628 = arith.constant 15 : i32
      %get3A_629 = arith.index_cast %get3A_628 : i32 to index
      %get3A_630 = arith.constant 96 : index
      %get3A_631 = tpu.vector_load %arg12[%get3A_629, %get3A_630] {strides = array<i32>} : memref<16x128xf32, #tpu.memory_space<vmem>>, vector<16xf32>,
      %add3A_632 = arith.addf %add3A_627, %get3A_631 : vector<16xf32>
      %mul3A_633 = arith.constant 5.000000e-03 : f32
      %mul3A_634 = vector.broadcast %mul3A_633 : f32 to vector<16xf32>
      %mul3A_635 = arith.mulf %add3A_632, %mul3A_634 : vector<16xf32>
      %swap3A_636 = arith.constant 0 : i32
      %swap3A_637 = arith.index_cast %swap3A_636 : i32 to index
      %swap3A_638 = arith.constant 96 : index
      %swap3A_639 = tpu.vector_load %arg11[%swap3A_637, %swap3A_638] {strides = array<i32>} : memref<1x128xf32, #tpu.memory_space<vmem>>, vector<16xf32>,
      tpu.vector_store %arg11[%swap3A_637, %swap3A_638], %mul3A_635 {strides = array<i32>} : memref<1x128xf32, #tpu.memory_space<vmem>>, vector<16xf32>,
      %get3A_640 = arith.constant 0 : i32
      %get3A_641 = arith.index_cast %get3A_640 : i32 to index
      %get3A_642 = arith.constant 112 : index
      %get3A_643 = tpu.vector_load %arg12[%get3A_641, %get3A_642] {strides = array<i32>} : memref<16x128xf32, #tpu.memory_space<vmem>>, vector<16xf32>,
      %get3A_644 = arith.constant 1 : i32
      %get3A_645 = arith.index_cast %get3A_644 : i32 to index
      %get3A_646 = arith.constant 112 : index
      %get3A_647 = tpu.vector_load %arg12[%get3A_645, %get3A_646] {strides = array<i32>} : memref<16x128xf32, #tpu.memory_space<vmem>>, vector<16xf32>,
      %add3A_648 = arith.addf %get3A_643, %get3A_647 : vector<16xf32>
      %get3A_649 = arith.constant 2 : i32
      %get3A_650 = arith.index_cast %get3A_649 : i32 to index
      %get3A_651 = arith.constant 112 : index
      %get3A_652 = tpu.vector_load %arg12[%get3A_650, %get3A_651] {strides = array<i32>} : memref<16x128xf32, #tpu.memory_space<vmem>>, vector<16xf32>,
      %add3A_653 = arith.addf %add3A_648, %get3A_652 : vector<16xf32>
      %get3A_654 = arith.constant 3 : i32
      %get3A_655 = arith.index_cast %get3A_654 : i32 to index
      %get3A_656 = arith.constant 112 : index
      %get3A_657 = tpu.vector_load %arg12[%get3A_655, %get3A_656] {strides = array<i32>} : memref<16x128xf32, #tpu.memory_space<vmem>>, vector<16xf32>,
      %add3A_658 = arith.addf %add3A_653, %get3A_657 : vector<16xf32>
      %get3A_659 = arith.constant 4 : i32
      %get3A_660 = arith.index_cast %get3A_659 : i32 to index
      %get3A_661 = arith.constant 112 : index
      %get3A_662 = tpu.vector_load %arg12[%get3A_660, %get3A_661] {strides = array<i32>} : memref<16x128xf32, #tpu.memory_space<vmem>>, vector<16xf32>,
      %add3A_663 = arith.addf %add3A_658, %get3A_662 : vector<16xf32>
      %get3A_664 = arith.constant 5 : i32
      %get3A_665 = arith.index_cast %get3A_664 : i32 to index
      %get3A_666 = arith.constant 112 : index
      %get3A_667 = tpu.vector_load %arg12[%get3A_665, %get3A_666] {strides = array<i32>} : memref<16x128xf32, #tpu.memory_space<vmem>>, vector<16xf32>,
      %add3A_668 = arith.addf %add3A_663, %get3A_667 : vector<16xf32>
      %get3A_669 = arith.constant 6 : i32
      %get3A_670 = arith.index_cast %get3A_669 : i32 to index
      %get3A_671 = arith.constant 112 : index
      %get3A_672 = tpu.vector_load %arg12[%get3A_670, %get3A_671] {strides = array<i32>} : memref<16x128xf32, #tpu.memory_space<vmem>>, vector<16xf32>,
      %add3A_673 = arith.addf %add3A_668, %get3A_672 : vector<16xf32>
      %get3A_674 = arith.constant 7 : i32
      %get3A_675 = arith.index_cast %get3A_674 : i32 to index
      %get3A_676 = arith.constant 112 : index
      %get3A_677 = tpu.vector_load %arg12[%get3A_675, %get3A_676] {strides = array<i32>} : memref<16x128xf32, #tpu.memory_space<vmem>>, vector<16xf32>,
      %add3A_678 = arith.addf %add3A_673, %get3A_677 : vector<16xf32>
      %get3A_679 = arith.constant 8 : i32
      %get3A_680 = arith.index_cast %get3A_679 : i32 to index
      %get3A_681 = arith.constant 112 : index
      %get3A_682 = tpu.vector_load %arg12[%get3A_680, %get3A_681] {strides = array<i32>} : memref<16x128xf32, #tpu.memory_space<vmem>>, vector<16xf32>,
      %add3A_683 = arith.addf %add3A_678, %get3A_682 : vector<16xf32>
      %get3A_684 = arith.constant 9 : i32
      %get3A_685 = arith.index_cast %get3A_684 : i32 to index
      %get3A_686 = arith.constant 112 : index
      %get3A_687 = tpu.vector_load %arg12[%get3A_685, %get3A_686] {strides = array<i32>} : memref<16x128xf32, #tpu.memory_space<vmem>>, vector<16xf32>,
      %add3A_688 = arith.addf %add3A_683, %get3A_687 : vector<16xf32>
      %get3A_689 = arith.constant 10 : i32
      %get3A_690 = arith.index_cast %get3A_689 : i32 to index
      %get3A_691 = arith.constant 112 : index
      %get3A_692 = tpu.vector_load %arg12[%get3A_690, %get3A_691] {strides = array<i32>} : memref<16x128xf32, #tpu.memory_space<vmem>>, vector<16xf32>,
      %add3A_693 = arith.addf %add3A_688, %get3A_692 : vector<16xf32>
      %get3A_694 = arith.constant 11 : i32
      %get3A_695 = arith.index_cast %get3A_694 : i32 to index
      %get3A_696 = arith.constant 112 : index
      %get3A_697 = tpu.vector_load %arg12[%get3A_695, %get3A_696] {strides = array<i32>} : memref<16x128xf32, #tpu.memory_space<vmem>>, vector<16xf32>,
      %add3A_698 = arith.addf %add3A_693, %get3A_697 : vector<16xf32>
      %get3A_699 = arith.constant 12 : i32
      %get3A_700 = arith.index_cast %get3A_699 : i32 to index
      %get3A_701 = arith.constant 112 : index
      %get3A_702 = tpu.vector_load %arg12[%get3A_700, %get3A_701] {strides = array<i32>} : memref<16x128xf32, #tpu.memory_space<vmem>>, vector<16xf32>,
      %add3A_703 = arith.addf %add3A_698, %get3A_702 : vector<16xf32>
      %get3A_704 = arith.constant 13 : i32
      %get3A_705 = arith.index_cast %get3A_704 : i32 to index
      %get3A_706 = arith.constant 112 : index
      %get3A_707 = tpu.vector_load %arg12[%get3A_705, %get3A_706] {strides = array<i32>} : memref<16x128xf32, #tpu.memory_space<vmem>>, vector<16xf32>,
      %add3A_708 = arith.addf %add3A_703, %get3A_707 : vector<16xf32>
      %get3A_709 = arith.constant 14 : i32
      %get3A_710 = arith.index_cast %get3A_709 : i32 to index
      %get3A_711 = arith.constant 112 : index
      %get3A_712 = tpu.vector_load %arg12[%get3A_710, %get3A_711] {strides = array<i32>} : memref<16x128xf32, #tpu.memory_space<vmem>>, vector<16xf32>,
      %add3A_713 = arith.addf %add3A_708, %get3A_712 : vector<16xf32>
      %get3A_714 = arith.constant 15 : i32
      %get3A_715 = arith.index_cast %get3A_714 : i32 to index
      %get3A_716 = arith.constant 112 : index
      %get3A_717 = tpu.vector_load %arg12[%get3A_715, %get3A_716] {strides = array<i32>} : memref<16x128xf32, #tpu.memory_space<vmem>>, vector<16xf32>,
      %add3A_718 = arith.addf %add3A_713, %get3A_717 : vector<16xf32>
      %mul3A_719 = arith.constant 5.000000e-03 : f32
      %mul3A_720 = vector.broadcast %mul3A_719 : f32 to vector<16xf32>
      %mul3A_721 = arith.mulf %add3A_718, %mul3A_720 : vector<16xf32>
      %swap3A_722 = arith.constant 0 : i32
      %swap3A_723 = arith.index_cast %swap3A_722 : i32 to index
      %swap3A_724 = arith.constant 112 : index
      %swap3A_725 = tpu.vector_load %arg11[%swap3A_723, %swap3A_724] {strides = array<i32>} : memref<1x128xf32, #tpu.memory_space<vmem>>, vector<16xf32>,
      tpu.vector_store %arg11[%swap3A_723, %swap3A_724], %mul3A_721 {strides = array<i32>} : memref<1x128xf32, #tpu.memory_space<vmem>>, vector<16xf32>,
      "tpu.region"() ({
        %run_scoped3A = tpu.sem_alloc : memref<!tpu.dma_semaphore, #tpu.memory_space<semaphore_mem>>
        %dma_start3A = arith.constant 0 : i32
        %dma_start3A_726 = tpu.memref_slice %arg6[%arg0, %dma_start3A] : memref<2x128xf32, #tpu.memory_space<hbm>> -> memref<1x128xf32, #tpu.memory_space<hbm>>
        %dma_start3A_727 = arith.constant 0 : i32
        %dma_start3A_728 = tpu.memref_slice %arg6[%arg0, %dma_start3A_727] : memref<2x128xf32, #tpu.memory_space<hbm>> -> memref<1x128xf32, #tpu.memory_space<hbm>>
        tpu.enqueue_dma source(%arg11 : memref<1x128xf32, #tpu.memory_space<vmem>>) target(%dma_start3A_728 : memref<1x128xf32, #tpu.memory_space<hbm>>) target_semaphore(%run_scoped3A : memref<!tpu.dma_semaphore, #tpu.memory_space<semaphore_mem>>)
        %dma_wait3A = arith.constant 0 : i32
        %dma_wait3A_729 = tpu.memref_slice %arg6[%arg0, %dma_wait3A] : memref<2x128xf32, #tpu.memory_space<hbm>> -> memref<1x128xf32, #tpu.memory_space<hbm>>
        %dma_wait3A_730 = arith.constant 0 : i32
        %dma_wait3A_731 = tpu.memref_slice %arg6[%arg0, %dma_wait3A_730] : memref<2x128xf32, #tpu.memory_space<hbm>> -> memref<1x128xf32, #tpu.memory_space<hbm>>
        tpu.wait_dma2 semaphore(%run_scoped3A : memref<!tpu.dma_semaphore, #tpu.memory_space<semaphore_mem>>) src(%arg11 : memref<1x128xf32, #tpu.memory_space<vmem>>) dst(%dma_wait3A_731 : memref<1x128xf32, #tpu.memory_space<hbm>>)
        tpu.yield
      }) : () -> ()
    } else {
    }
    return
  }
}

</mosaic_0001>

<sc_bundles>
// kernel: kernel.3.cloned.1.call-start
scs
__scs_entry_jumppad:
0x0: {  	(pc) =	sbr.rel $0x88, $3  }
0x1: {  	(tag) =	ssettag $0x0;
	lr =	simm.s32 $0x1  }
0x2: {  	[smem:$0x3F9E] =	sst lr;
	_ =	strace $0xD0000000  }
0x3: {  	_ = 	snop  }
0x4: {  	_ = 	snop  }
0x5: {  	_ = 	snop  }
0x6: {  	_ = 	snop  }
0x7: {  	_ = 	snop  }
__scs_overlays_trampoline_lowered:
0x8: {  	[smem:$0x3FAD] =	sst s0  }
0x9: {  	[smem:$0x3FAE] =	sst s1  }
0xa: {  	[smem:$0x3FAF] =	sst s2  }
0xb: {  	[smem:$0x3FB0] =	sst s3  }
0xc: {  	[smem:$0x3FB1] =	sst s4  }
0xd: {  	[smem:$0x3FB2] =	sst s5  }
0xe: {  	[smem:$0x3FB3] =	sst s6  }
0xf: {  	[smem:$0x3FB4] =	sst s7  }
0x10: {  	[smem:$0x3FB5] =	sst s8  }
0x11: {  	[smem:$0x3FB6] =	sst s9;
	s0 =	simm.s32 @!p0 $0x0  }
0x12: {  	s1 =	sld [smem:$0x3F9C];
	s0 =	simm.s32 @p0 $0x1  }
0x13: {  	[smem:$0x3FB7] =	sst s0;
	s0 =	simm.s32 @!p1 $0x0  }
0x14: {  	s2 =	sld [smem:$0x3F9B];
	s0 =	simm.s32 @p1 $0x1  }
0x15: {  	[smem:$0x3FB8] =	sst s0;
	s0 =	simm.s32 @!p2 $0x0  }
0x16: {  	s3 =	sld [smem:$0x3FDB];
	s0 =	simm.s32 @p2 $0x1  }
0x17: {  	s4 =	simm.s32 $0x1BF5;
	[smem:$0x3FBA] =	sst s0  }
0x18: {  	s0 =	sld [smem:$0x3F9D];
	_ =	swait.ge [sflag:s4], $0x0  }
0x19: {  	s7 =	sld [smem:$0x3F9E]  }
0x1a: {  	s8 =	sadd.s32 $0xFFFFE003, lr  }
0x1b: {  	s9 =	sadd.s32 $0xFFFFFEF7, lr;
	s5 =	simm.s32 $0xFFFFFFFF;
	p2 =	slt.u32 s8, $0xFFFFF086  }
0x1c: {  	p1 =	slt.u32 s9, $0xF7A;
	s5 =	simm.s32 @!p2 $0x0  }
0x1d: {  	s5 =	simm.s32 @p1 $0x1;
	p0 =	seq.s32 s7, s2  }
0x1e: {  	s7 =	smul.u32 @!p0 $0xF7A, s2;
	p2 =	seq.s32 @!p0 s5, $0x0  }
0x1f: {  	s9 =	smul.u32 $0xF7A, s1;
	s8 =	simm.s32 @!p0 $0x1BF5;
	p2 =	por !p2, p0  }
0x20: {  	[sflag:s8] =	ssyncset.s32 @!p0 $0xFFFFF086;
	s6 =	sadd.s32 @!p0 s3, s7;
	s7 =	simm.s32 @!p0 $0x108  }
0x21: {  	s3 =	sadd.s32 s3, s9;
	s6 =	sadd.s32 @!p0 $0x88, s6;
	s7 =	simm.s32 @p2 $0x1082  }
0x22: {  	[simem:s7], [sflag:s8] =	dma.local @!p0 [hbm:s6], $0xF7A  }
0x23: {  	s9 =	sor.u32 $0xD0000000, s2;
	s6 =	simm.s32 $0x108;
	_ =	swait.ge @!p0 [sflag:s8], $0x0  }
0x24: {  	s3 =	sadd.s32 $0x88, s3;
	s6 =	simm.s32 @!p1 $0x1082;
	[sflag:s4] =	ssyncset.s32 $0xFFFFF086  }
0x25: {  	[simem:s6], [sflag:s4] =	dma.local [hbm:s3], $0xF7A  }
0x26: {  	[smem:$0x3F9E] =	sst s1;
	(tag) =	ssettag s2;
	_ =	strace s9  }
0x27: {  	s1 =	sld [smem:$0x3FAE]  }
0x28: {  	s2 =	sld [smem:$0x3FAF]  }
0x29: {  	s4 =	sld [smem:$0x3FB1]  }
0x2a: {  	p0 =	seq.s32 s5, $0x0;
	s5 =	sld [smem:$0x3FB2]  }
0x2b: {  	s6 =	sld [smem:$0x3FB3]  }
0x2c: {  	s7 =	sld [smem:$0x3FB4]  }
0x2d: {  	s3 =	simm.s32 $0x108;
	s8 =	sld [smem:$0x3FB5]  }
0x2e: {  	s3 =	simm.s32 @!p0 $0x1082;
	s9 =	sld [smem:$0x3FB6]  }
0x2f: {  	lr =	sadd.s32 s0, s3;
	s0 =	sld [smem:$0x3FAD]  }
0x30: {  	s3 =	sld [smem:$0x3FB0]  }
0x31: {  	[smem:$0x3FB9] =	sst s10  }
0x32: {  	s10 =	sld [smem:$0x3FB7];
	_ =	sdelay $0x3  }
0x33: {  	p0 =	seq.s32 s10, $0x1;
	s10 =	sld [smem:$0x3FB9];
	_ =	sdelay $0x3  }
0x34: {  	[smem:$0x3FB9] =	sst s10  }
0x35: {  	s10 =	sld [smem:$0x3FB8];
	_ =	sdelay $0x3  }
0x36: {  	p1 =	seq.s32 s10, $0x1;
	s10 =	sld [smem:$0x3FB9];
	_ =	sdelay $0x3  }
0x37: {  	[smem:$0x3FB9] =	sst s10  }
0x38: {  	s10 =	sld [smem:$0x3FBA]  }
0x39: {  	_ = 	snop;
	(pc) =	sbr.ind lr, $3  }
0x3a: {  	_ = 	snop  }
0x3b: {  	_ = 	snop  }
0x3c: {  	p2 =	seq.s32 s10, $0x1;
	s10 =	sld [smem:$0x3FB9]  }
0x3d: {  	_ =	shalt  }
0x3e: {  	_ =	shalt  }
0x3f: {  	_ =	shalt  }
0x40: {  	_ =	shalt  }
0x41: {  	_ =	shalt  }
0x42: {  	_ =	shalt  }
0x43: {  	_ =	shalt  }
0x44: {  	_ =	shalt  }
0x45: {  	_ =	shalt  }
0x46: {  	_ =	shalt  }
0x47: {  	_ =	shalt  }
0x48: {  	_ =	shalt  }
0x49: {  	_ =	shalt  }
0x4a: {  	_ =	shalt  }
0x4b: {  	_ =	shalt  }
0x4c: {  	_ =	shalt  }
0x4d: {  	_ =	shalt  }
0x4e: {  	_ =	shalt  }
0x4f: {  	_ =	shalt  }
0x50: {  	_ =	shalt  }
0x51: {  	_ =	shalt  }
0x52: {  	_ =	shalt  }
0x53: {  	_ =	shalt  }
0x54: {  	_ =	shalt  }
0x55: {  	_ =	shalt  }
0x56: {  	_ =	shalt  }
0x57: {  	_ =	shalt  }
0x58: {  	_ =	shalt  }
0x59: {  	_ =	shalt  }
0x5a: {  	_ =	shalt  }
0x5b: {  	_ =	shalt  }
0x5c: {  	_ =	shalt  }
0x5d: {  	_ =	shalt  }
0x5e: {  	_ =	shalt  }
0x5f: {  	_ =	shalt  }
0x60: {  	_ =	shalt  }
0x61: {  	_ =	shalt  }
0x62: {  	_ =	shalt  }
0x63: {  	_ =	shalt  }
0x64: {  	_ =	shalt  }
0x65: {  	_ =	shalt  }
0x66: {  	_ =	shalt  }
0x67: {  	_ =	shalt  }
0x68: {  	_ =	shalt  }
0x69: {  	_ =	shalt  }
0x6a: {  	_ =	shalt  }
0x6b: {  	_ =	shalt  }
0x6c: {  	_ =	shalt  }
0x6d: {  	_ =	shalt  }
0x6e: {  	_ =	shalt  }
0x6f: {  	_ =	shalt  }
0x70: {  	_ =	shalt  }
0x71: {  	_ =	shalt  }
0x72: {  	_ =	shalt  }
0x73: {  	_ =	shalt  }
0x74: {  	_ =	shalt  }
0x75: {  	_ =	shalt  }
0x76: {  	_ =	shalt  }
0x77: {  	_ =	shalt  }
0x78: {  	_ =	shalt  }
0x79: {  	_ =	shalt  }
0x7a: {  	_ =	shalt  }
0x7b: {  	_ =	shalt  }
0x7c: {  	_ =	shalt  }
0x7d: {  	_ =	shalt  }
0x7e: {  	_ =	shalt  }
0x7f: {  	_ =	shalt  }
0x80: {  	_ =	shalt  }
0x81: {  	_ =	shalt  }
0x82: {  	_ =	shalt  }
0x83: {  	_ =	shalt  }
0x84: {  	_ =	shalt  }
0x85: {  	_ =	shalt  }
0x86: {  	_ =	shalt  }
0x87: {  	_ =	shalt  }
.Lfunc_end0:
.L_simem_size_0:
called_computation_lowered:
.L_overlay_start_0:
0x88: {  	s2 =	sld [smem:$0x3FD9]  }
0x89: {  	s3 =	sld [smem:$0x3FFE];
	_ =	sdelay $0x1  }
0x8a: {  	s1 =	srdreg.scid  }
0x8b: {  	s0 =	sand.u32 $0x1, s1  }
0x8c: {  	s14 =	sshll.u32 s0, $0xA;
	s2 =	sadd.s32 s3, s2  }
0x8d: {  	s2 =	sadd.s32 s2, s14  }
0x8e: {  	[smem:$0x3FC5] =	sst s2  }
0x8f: {  	_ = 	snop  }
0x90: {  	s2 =	sld [smem:$0x3FD0]  }
0x91: {  	s15 =	sld [smem:$0x3FC9]  }
0x92: {  	s4 =	sld [smem:$0x3FC8]  }
0x93: {  	s6 =	simm.s32 $0xA;
	s7 =	simm.s32 $0x10;
	s5 =	sld [smem:$0x3FC7]  }
0x94: {  	[smem:s7], [sflag:s6] =	dma.local [hbm:s2], $0x1  }
0x95: {  	_ =	swait.eq [sflag:s6], $0x1  }
0x96: {  	[sflag:s6] =	ssyncset.done $0x0  }
0x97: {  	[sflag:s6] =	ssyncadd.s32 $0xFFFFFFFF  }
0x98: {  	s16 =	sld [smem:$0x10];
	(tm) =	ssettm $0x1  }
0x99: {  	s17 =	sld [smem:$0x3FFB];
	_ =	sdelay $0x3  }
0x9a: {  	_ =	strace s17  }
0x9b: {  	s6 =	sld [smem:$0x3FFC];
	_ =	sdelay $0x3  }
0x9c: {  	_ =	strace s6  }
0x9d: {  	s6 =	sld [smem:$0x3FFD];
	_ =	sdelay $0x3  }
0x9e: {  	_ =	strace s6  }
0x9f: {  	_ =	strace $0x8FFFFFFF  }
0xa0: {  	s18 =	sld [smem:$0x3FDB];
	_ =	sdelay $0x1  }
0xa1: {  	s19 =	simm.s32 $_scs_section_size  }
0xa2: {  	s8 =	simm.s32 $_size__tile_overlayer_lowered;
	s9 =	simm.s32 $_tile_overlayer_lowered  }
0xa3: {  	s22 =	simm.s32 $0x1BFF;
	s21 =	sshll.u32 s9, $0x1;
	s6 =	sadd.s32 s19, s18  }
0xa4: {  	s10 =	simm.s32 $0x0;
	s20 =	sshll.u32 s8, $0x1;
	s8 =	sadd.s32 s21, s6  }
0xa5: {  	[timem:s10], [sflag:s22] =	dma.local [hbm:s8], s20  }
0xa6: {  	_ =	swait.ge [sflag:s22], s20  }
0xa7: {  	s7 =	ssub.s32 $0x0, s20;
	[sflag:s22] =	ssyncset.done $0x0  }
0xa8: {  	[sflag:s22] =	ssyncadd.s32 s7;
	_ =	sdelay $0x1  }
0xa9: {  	s23 =	simm.s32 $0x1B8B  }
0xaa: {  	_ =	swait.ge [sflag:s23], $0x1  }
0xab: {  	[sflag:s23] =	ssyncset.done $0x0  }
0xac: {  	s25 =	simm.s32 $0x1B8E;
	s24 =	sld [smem:$0x3FFE];
	[sflag:s23] =	ssyncadd.s32 $0xFFFFFFFF  }
0xad: {  	s26 =	simm.s32 $execute0_lowered;
	[smem:$0x3FD2] =	sst s25  }
0xae: {  	s8 =	sshll.u32 s26, $0x1;
	_ =	strace $0x80000046;
	[dreg:$0x1] =	wrdreg $0xFFFFFFFF  }
0xaf: {  	s28 =	simm.s32 $_size_execute0_lowered;
	s6 =	sadd.s32 s6, s8;
	[dreg:$0x0] =	wrdreg $0x0  }
0xb0: {  	s8 =	sshll.u32 s28, $0x1;
	[dreg:$0x2] =	wrdreg s6  }
0xb1: {  	[dreg:$0x3] =	wrdreg s8  }
0xb2: {  	[dreg:$0x4] =	wrdreg $0xC0  }
0xb3: {  	_ =	task [dreg:s10], $0x5FFFF  }
0xb4: {  	[dreg:$0x1] =	wrdreg $0xFFFFFFFF  }
0xb5: {  	[dreg:$0x0] =	wrdreg $0x60  }
0xb6: {  	[dreg:$0x2] =	wrdreg s15  }
0xb7: {  	[dreg:$0x3] =	wrdreg s4  }
0xb8: {  	[dreg:$0x4] =	wrdreg s5  }
0xb9: {  	[dreg:$0x5] =	wrdreg s16  }
0xba: {  	[dreg:$0x6] =	wrdreg s24  }
0xbb: {  	[dreg:$0x7] =	wrdreg $0x12D000  }
0xbc: {  	[dreg:$0x8] =	wrdreg $0x9  }
0xbd: {  	_ =	task.clear_ibuf [dreg:s10], $0x9FFFF;
	_ =	strace $0x90000046  }
0xbe: {  	s29 =	simm.s32 $0x9;
	_ =	strace $0x80000048  }
0xbf: {  	_ =	swait.ge [sflag:s29], $0x1  }
0xc0: {  	[sflag:s29] =	ssyncadd.s32 $0xFFFFFFFF  }
0xc1: {  	_ =	strace $0x90000048  }
0xc2: {  	_ =	sfence  }
0xc3: {  	s30 =	sld [smem:$0x0];
	_ =	sdelay $0x2  }
0xc4: {  	s31 =	sshll.u32 s1, $0xD;
	s1 =	sshrl.u32 s1, $0x2  }
0xc5: {  	s3 =	sand.u32 $0x4000, s31;
	s1 =	sadd.s32 s1, s30  }
0xc6: {  	s0 =	sor.u32 s3, s0;
	s1 =	sshll.u32 s1, $0x11  }
0xc7: {  	s0 =	sor.u32 s1, s0  }
0xc8: {  	s0 =	sadd.s32 $0x8F2B, s0  }
0xc9: {  	[sflag:s0] =	ssyncadd.remote.s32 $0x1  }
0xca: {  	_ =	sfence.sel $0xFFFF  }
0xcb: {  	[dreg:$0x0] =	wrdreg $0xFFFFFFFF;
	(pc) =	sbr.abs _section_cstart, $3  }
0xcc: {  	[dreg:$0x1] =	wrdreg $0xFFFFFFFF  }
0xcd: {  	_ =	task.clear_ibuf [dreg:s10], $0x2FFFF;
	_ =	strace $0x9FFFFFFF  }
0xce: {  	(tm) =	ssettm $0x7FFFFFFF  }
0xcf: {  	_ =	shalt  }
tec
execute0_lowered:
.L_overlay_start_1:
0x0: {  	(tag) =	ssettag $0x1  }
0x1: {  	s2 =	rddreg [dreg:$0x0]  }
0x2: {  	s1 =	rddreg [dreg:$0x1]  }
0x3: {  	s5 =	rddreg [dreg:$0x2]  }
0x4: {  	s6 =	rddreg [dreg:$0x3]  }
0x5: {  	s4 =	rddreg [dreg:$0x4];
	s3 =	simm.s32 $0x0;
	s0 =	srdreg.scid;
	v0 =	vlaneseq.u32  }
0x6: {  	[smem:$0x7FF] =	sst s3;
	s7 =	sand.u32 $0x1, s0;
	s0 =	stileid.u32;
	v0 =	vmul.u32 $0x80, v0  }
0x7: {  	s14 =	rddreg [dreg:$0x5];
	_ =	strace $0x80000047;
	s9 =	sshll.u32 s0, $0x1  }
0x8: {  	s8 =	sshll.u32 s7, $0x4;
	s21 =	sshll.u32 s0, $0x4;
	s11 =	sor.u32 s7, s9;
	v34 =	vor.u32 $0x800, v0;
	[tilespmem:$0x1FF80] =	vst v0  }
0x9: {  	s10 =	ssub.s32 $0x2, s7;
	s7 =	sand.u32 $0x80, s21;
	v2 =	vor.u32 $0x1000, v0;
	s12 =	sshll.u32 s11, $0x3;
	[tilespmem:$0x1FFA0] =	vst v34  }
0xa: {  	v36 =	vor.u32 $0x1800, v0;
	[tilespmem:$0x1FFC0] =	vst v2;
	s23 =	ssub.s32 s12, s7  }
0xb: {  	[tilespmem:$0x1FFE0] =	vst v36;
	v1 =	vadd.s32 s23, v0  }
0xc: {  	v3 =	vadd.s32 s23, v34;
	[tilespmem:$0x1FDC0] =	vst v1  }
0xd: {  	v35 =	vadd.s32 s23, v2;
	[tilespmem:$0x1FDD0] =	vst v3  }
0xe: {  	s26 =	sor.u32 $0x1, s23;
	v4 =	vadd.s32 s23, v36;
	[tilespmem:$0x1FDE0] =	vst v35  }
0xf: {  	[tilespmem:$0x1FDF0] =	vst v4;
	v37 =	vadd.s32 s26, v0  }
0x10: {  	v38 =	vadd.s32 s26, v34;
	[tilespmem:$0x1FE00] =	vst v37  }
0x11: {  	v39 =	vadd.s32 s26, v2;
	[tilespmem:$0x1FE10] =	vst v38  }
0x12: {  	s29 =	sor.u32 $0x2, s23;
	v40 =	vadd.s32 s26, v36;
	[tilespmem:$0x1FE20] =	vst v39  }
0x13: {  	v41 =	vadd.s32 s29, v0;
	[tilespmem:$0x1FE30] =	vst v40  }
0x14: {  	v42 =	vadd.s32 s29, v34;
	[tilespmem:$0x1FE40] =	vst v41  }
0x15: {  	v43 =	vadd.s32 s29, v2;
	[tilespmem:$0x1FE50] =	vst v42  }
0x16: {  	s12 =	sor.u32 $0x3, s23;
	v44 =	vadd.s32 s29, v36;
	[tilespmem:$0x1FE60] =	vst v43  }
0x17: {  	v45 =	vadd.s32 s12, v0;
	[tilespmem:$0x1FE70] =	vst v44  }
0x18: {  	v46 =	vadd.s32 s12, v34;
	[tilespmem:$0x1FE80] =	vst v45  }
0x19: {  	v47 =	vadd.s32 s12, v2;
	[tilespmem:$0x1FE90] =	vst v46  }
0x1a: {  	s15 =	sor.u32 $0x4, s23;
	v48 =	vadd.s32 s12, v36;
	[tilespmem:$0x1FEA0] =	vst v47  }
0x1b: {  	v49 =	vadd.s32 s15, v0;
	[tilespmem:$0x1FEB0] =	vst v48  }
0x1c: {  	v50 =	vadd.s32 s15, v34;
	[tilespmem:$0x1FEC0] =	vst v49  }
0x1d: {  	v51 =	vadd.s32 s15, v2;
	[tilespmem:$0x1FED0] =	vst v50  }
0x1e: {  	s18 =	sor.u32 $0x5, s23;
	v52 =	vadd.s32 s15, v36;
	[tilespmem:$0x1FEE0] =	vst v51  }
0x1f: {  	v53 =	vadd.s32 s18, v0;
	[tilespmem:$0x1FEF0] =	vst v52  }
0x20: {  	s16 =	simm.s32 $0x80;
	s17 =	simm.s32 $0x2080;
	v54 =	vadd.s32 s18, v34;
	[tilespmem:$0x1FF00] =	vst v53  }
0x21: {  	s19 =	simm.s32 $0x6080;
	s20 =	simm.s32 $0x8080;
	s28 =	simm.s32 $0x4;
	v55 =	vadd.s32 s18, v2;
	[tilespmem:$0x1FF10] =	vst v54  }
0x22: {  	s31 =	sshll.u32 s0, $0x7;
	p1 =	sne.s32 s0, $0x0;
	s24 =	sor.u32 $0x6, s23;
	v56 =	vadd.s32 s18, v36;
	[tilespmem:$0x1FF20] =	vst v55  }
0x23: {  	s22 =	sshrl.u32 s10, $0x1;
	s8 =	sadd.s32 s8, s4;
	s21 =	simm.s32 $0xA080;
	v57 =	vadd.s32 s24, v0;
	[tilespmem:$0x1FF30] =	vst v56  }
0x24: {  	s9 =	ssub.s32 s10, s22;
	s2 =	sadd.s32 s2, s11;
	s25 =	sadd.s32 s5, s7;
	v58 =	vadd.s32 s24, v34;
	[tilespmem:$0x1FF40] =	vst v57  }
0x25: {  	s13 =	sshll.u32 s11, $0x7;
	s4 =	sadd.s32 $0x800, s8;
	p0 =	sgt.u32 s11, $0x18;
	v59 =	vadd.s32 s24, v2;
	[tilespmem:$0x1FF50] =	vst v58  }
0x26: {  	s10 =	simm.s32 $0x400;
	[dreg:$0x7] =	wrdreg s2;
	s30 =	sor.u32 $0x7, s23;
	v60 =	vadd.s32 s24, v36;
	[tilespmem:$0x1FF60] =	vst v59  }
.Ltmp0:
0x27: {  	s22 =	simm.s32 $0xC080;
	[dreg:$0x8] =	wrdreg s25;
	v0 =	vadd.s32 s30, v0;
	[tilespmem:$0x1FF70] =	vst v60;
	(pc) =	sbr.rel .LBB2_1-.Ltmp0, $4  }
0x28: {  	s6 =	sadd.s32 s6, s13;
	s7 =	sadd.s32 s31, s14;
	[dreg:$0x9] =	wrdreg s4;
	v61 =	vadd.s32 s30, v34;
	[tilespmem:$0x1FF90] =	vst v0  }
0x29: {  	s9 =	smax.u32 s9, $0x1;
	s13 =	simm.s32 $0x2;
	s14 =	simm.s32 $0x1;
	v62 =	vadd.s32 s30, v2;
	[tilespmem:$0x1FFB0] =	vst v61  }
0x2a: {  	s23 =	simm.s32 $0xE080;
	s12 =	simm.s32 $0x10080;
	s15 =	simm.s32 $0x7A1400;
	v63 =	vadd.s32 s30, v36;
	[tilespmem:$0x1FFD0] =	vst v62  }
0x2b: {  	s18 =	simm.s32 $0x4080;
	s24 =	simm.s32 $0x3;
	s26 =	simm.s32 $0x12480;
	[tilespmem:$0x1FFF0] =	vst v63  }
.LBB2_3:
0x2c: {  	[spmem:s7] =	stream.linear.scatter [tilespmem:s26], [sflag:$0x4], $0x80, $0x38;
	[tilespmem:$0x12D80] =	vst v63  }
.Ltmp1:
0x2d: {  	_ =	swait.ge [sflag:s28], $0x80;
	(pc) =	sbr.rel @!p1 .LBB2_4-.Ltmp1, $3  }
0x2e: {  	[sflag:s28] =	ssyncset.done $0x0  }
0x2f: {  	[sflag:s28] =	ssyncadd.s32 $0xFFFFFF80  }
0x30: {  	[bflag:$0x0] =	sbarrier.arrive $0xFFFF;
	_ =	sdelay $0x1  }
.LBB2_5:
0x31: {  	s9 =	sadd.s32 $0xFFFFFFFF, s9  }
0x32: {  	p2 =	sne.s32 s9, $0x0  }
.Ltmp2:
0x33: {  	_ = 	snop;
	(pc) =	sbr.rel @!p2 .LBB2_6-.Ltmp2, $1  }
0x34: {  	_ =	sdelay $0x3  }
.LBB2_1:
0x35: {  	v0 =	vimm.f32 $0.0e+00  }
0x36: {  	[tilespmem:$0x12480] =	vst v0  }
0x37: {  	[tilespmem:$0x12490] =	vst v0  }
0x38: {  	[tilespmem:$0x124A0] =	vst v0  }
.Ltmp3:
0x39: {  	[tilespmem:$0x124B0] =	vst v0;
	(pc) =	sbr.rel @p0 .LBB2_3-.Ltmp3, $4  }
0x3a: {  	[tilespmem:$0x124C0] =	vst v0  }
0x3b: {  	[tilespmem:$0x124D0] =	vst v0  }
0x3c: {  	[tilespmem:$0x124E0] =	vst v0  }
0x3d: {  	[tilespmem:$0x124F0] =	vst v0  }
0x3e: {  	s0 =	rddreg [dreg:$0x7]  }
0x3f: {  	[tilespmem:s3], [sflag:$0x2] =	stream.linear.gather [hbm4b:s0+s3], $0x8, $0x38;
	[tilespmem:$0x12D80] =	vst v63  }
0x40: {  	s31 =	rddreg [dreg:$0x8];
	s2 =	simm.s32 $0x800  }
0x41: {  	[tilespmem:s12], [sflag:$0x3] =	stream.strided.gather [hbm4b:s31+s10], $0x2000, s2, s10, $0x38;
	[tilespmem:$0x12D80] =	vst v63  }
0x42: {  	_ =	swait.ge [sflag:s13], $0x8  }
0x43: {  	[sflag:s13] =	ssyncset.done $0x0  }
0x44: {  	[sflag:s13] =	ssyncadd.s32 $0xFFFFFFF8  }
0x45: {  	v1 =	vld [tilespmem:$0x0];
	_ =	sdelay $0x4  }
0x46: {  	(v2sf) =	vpush v1, $0x0;
	_ =	sdelay $0xa  }
0x47: {  	(v2sf) =	vpush v1, $0x1;
	_ =	sdelay $0x3  }
0x48: {  	s30 =	spop (v2sf)  }
0x49: {  	s4 =	sshra.s32 s30, $0x1F  }
0x4a: {  	s0 =	sshrl.u32 s4, $0x19  }
0x4b: {  	s0 =	sadd.s32 s0, s30  }
0x4c: {  	s5 =	sand.u32 $0xFFFFFF80, s0  }
0x4d: {  	p2 =	slt.s32 s30, $0x1;
	p3 =	sne.s32 s30, s5  }
0x4e: {  	p2 =	por !p2, !p3  }
0x4f: {  	s2 =	simm.s32 $0x1;
	p2 =	por !p2, !p2  }
0x50: {  	s0 =	sshrl.u32 s0, $0x7;
	s2 =	simm.s32 @!p2 $0x0  }
0x51: {  	s0 =	ssub.s32 s0, s2  }
0x52: {  	s0 =	sshll.u32 s0, $0x7  }
0x53: {  	(v2sf) =	vpush v1, $0x2;
	s31 =	spop (v2sf);
	s0 =	sand.u32 $0x1FFFFF80, s0  }
0x54: {  	s8 =	sshra.s32 s31, $0x1F;
	s0 =	sadd.s32 s1, s0  }
0x55: {  	[tilespmem:s16], [sflag:$0x1] =	stream.strided.gather [hbm4b:s0+s10], $0x2000, s15, s10, $0x38;
	[tilespmem:$0x12D80] =	vst v63  }
0x56: {  	s0 =	sshrl.u32 s8, $0x19  }
0x57: {  	s0 =	sadd.s32 s0, s31  }
0x58: {  	s11 =	sand.u32 $0xFFFFFF80, s0  }
0x59: {  	p5 =	slt.s32 s31, $0x1;
	p6 =	sne.s32 s31, s11  }
0x5a: {  	p2 =	por !p5, !p6  }
0x5b: {  	s2 =	simm.s32 $0x1;
	p2 =	por !p2, !p2  }
0x5c: {  	s0 =	sshrl.u32 s0, $0x7;
	s2 =	simm.s32 @!p2 $0x0  }
0x5d: {  	s0 =	ssub.s32 s0, s2  }
0x5e: {  	s0 =	sshll.u32 s0, $0x7  }
0x5f: {  	s0 =	sand.u32 $0x1FFFFF80, s0  }
0x60: {  	s0 =	sadd.s32 s1, s0  }
0x61: {  	(v2sf) =	vpush v1, $0x3;
	[tilespmem:s17], [sflag:$0x1] =	stream.strided.gather [hbm4b:s0+s10], $0x2000, s15, s10, $0x38;
	[tilespmem:$0x12D80] =	vst v63  }
0x62: {  	s0 =	spop (v2sf)  }
0x63: {  	s25 =	sshra.s32 s0, $0x1F  }
0x64: {  	s2 =	sshrl.u32 s25, $0x19  }
0x65: {  	s2 =	sadd.s32 s2, s0  }
0x66: {  	s8 =	sand.u32 $0xFFFFFF80, s2  }
0x67: {  	p3 =	slt.s32 s0, $0x1;
	p4 =	sne.s32 s0, s8  }
0x68: {  	p2 =	por !p3, !p4  }
0x69: {  	s8 =	simm.s32 $0x1;
	p2 =	por !p2, !p2  }
0x6a: {  	s2 =	sshrl.u32 s2, $0x7;
	s8 =	simm.s32 @!p2 $0x0  }
0x6b: {  	s2 =	ssub.s32 s2, s8  }
0x6c: {  	(v2sf) =	vpush v1, $0x4;
	s2 =	sshll.u32 s2, $0x7  }
0x6d: {  	s2 =	sand.u32 $0x1FFFFF80, s2  }
0x6e: {  	s2 =	sadd.s32 s1, s2  }
0x6f: {  	[tilespmem:s18], [sflag:$0x1] =	stream.strided.gather [hbm4b:s2+s10], $0x2000, s15, s10, $0x38;
	[tilespmem:$0x12D80] =	vst v63  }
0x70: {  	s2 =	spop (v2sf)  }
0x71: {  	s29 =	sshra.s32 s2, $0x1F  }
0x72: {  	s8 =	sshrl.u32 s29, $0x19  }
0x73: {  	s8 =	sadd.s32 s8, s2  }
0x74: {  	s11 =	sand.u32 $0xFFFFFF80, s8  }
0x75: {  	p5 =	slt.s32 s2, $0x1;
	p6 =	sne.s32 s2, s11  }
0x76: {  	p2 =	por !p5, !p6  }
0x77: {  	s11 =	simm.s32 $0x1;
	p2 =	por !p2, !p2  }
0x78: {  	(v2sf) =	vpush v1, $0x5;
	s8 =	sshrl.u32 s8, $0x7;
	s11 =	simm.s32 @!p2 $0x0  }
0x79: {  	s8 =	ssub.s32 s8, s11  }
0x7a: {  	s8 =	sshll.u32 s8, $0x7  }
0x7b: {  	s29 =	spop (v2sf);
	s8 =	sand.u32 $0x1FFFFF80, s8  }
0x7c: {  	s4 =	sshra.s32 s29, $0x1F;
	s8 =	sadd.s32 s1, s8  }
0x7d: {  	[tilespmem:s19], [sflag:$0x1] =	stream.strided.gather [hbm4b:s8+s10], $0x2000, s15, s10, $0x38;
	[tilespmem:$0x12D80] =	vst v63  }
0x7e: {  	s8 =	sshrl.u32 s4, $0x19  }
0x7f: {  	s8 =	sadd.s32 s8, s29  }
0x80: {  	s5 =	sand.u32 $0xFFFFFF80, s8  }
0x81: {  	p3 =	slt.s32 s29, $0x1;
	p4 =	sne.s32 s29, s5  }
0x82: {  	p2 =	por !p3, !p4  }
0x83: {  	s11 =	simm.s32 $0x1;
	p2 =	por !p2, !p2  }
0x84: {  	(v2sf) =	vpush v1, $0x6;
	s8 =	sshrl.u32 s8, $0x7;
	s11 =	simm.s32 @!p2 $0x0  }
0x85: {  	s8 =	ssub.s32 s8, s11  }
0x86: {  	s8 =	sshll.u32 s8, $0x7  }
0x87: {  	s11 =	spop (v2sf);
	s8 =	sand.u32 $0x1FFFFF80, s8  }
0x88: {  	s25 =	sshra.s32 s11, $0x1F;
	s8 =	sadd.s32 s1, s8  }
0x89: {  	[tilespmem:s20], [sflag:$0x1] =	stream.strided.gather [hbm4b:s8+s10], $0x2000, s15, s10, $0x38;
	[tilespmem:$0x12D80] =	vst v63  }
0x8a: {  	s8 =	sshrl.u32 s25, $0x19  }
0x8b: {  	s8 =	sadd.s32 s8, s11  }
0x8c: {  	s25 =	sand.u32 $0xFFFFFF80, s8  }
0x8d: {  	p5 =	slt.s32 s11, $0x1;
	p6 =	sne.s32 s11, s25  }
0x8e: {  	p2 =	por !p5, !p6  }
0x8f: {  	s25 =	simm.s32 $0x1;
	p2 =	por !p2, !p2  }
0x90: {  	s8 =	sshrl.u32 s8, $0x7;
	s25 =	simm.s32 @!p2 $0x0  }
0x91: {  	s8 =	ssub.s32 s8, s25  }
0x92: {  	s8 =	sshll.u32 s8, $0x7  }
0x93: {  	s25 =	spop (v2sf);
	(v2sf) =	vpush v1, $0x7;
	s8 =	sand.u32 $0x1FFFFF80, s8  }
0x94: {  	s4 =	sshra.s32 s25, $0x1F;
	s8 =	sadd.s32 s1, s8  }
0x95: {  	[tilespmem:s21], [sflag:$0x1] =	stream.strided.gather [hbm4b:s8+s10], $0x2000, s15, s10, $0x38;
	[tilespmem:$0x12D80] =	vst v63  }
0x96: {  	s8 =	sshrl.u32 s4, $0x19  }
0x97: {  	s8 =	sadd.s32 s8, s25  }
0x98: {  	s4 =	sand.u32 $0xFFFFFF80, s8  }
0x99: {  	p3 =	slt.s32 s25, $0x1;
	p4 =	sne.s32 s25, s4  }
0x9a: {  	p2 =	por !p3, !p4  }
0x9b: {  	s4 =	simm.s32 $0x1;
	p2 =	por !p2, !p2  }
0x9c: {  	s8 =	sshrl.u32 s8, $0x7;
	s4 =	simm.s32 @!p2 $0x0  }
0x9d: {  	s4 =	ssub.s32 s8, s4  }
0x9e: {  	s4 =	sshll.u32 s4, $0x7  }
0x9f: {  	s4 =	sand.u32 $0x1FFFFF80, s4  }
0xa0: {  	s4 =	sadd.s32 s1, s4  }
0xa1: {  	[tilespmem:s22], [sflag:$0x1] =	stream.strided.gather [hbm4b:s4+s10], $0x2000, s15, s10, $0x38;
	[tilespmem:$0x12D80] =	vst v63  }
0xa2: {  	s8 =	spop (v2sf)  }
0xa3: {  	s5 =	sshra.s32 s8, $0x1F  }
0xa4: {  	s4 =	sshrl.u32 s5, $0x19  }
0xa5: {  	s4 =	sadd.s32 s4, s8  }
0xa6: {  	s5 =	sand.u32 $0xFFFFFF80, s4  }
0xa7: {  	p5 =	slt.s32 s8, $0x1;
	p6 =	sne.s32 s8, s5  }
0xa8: {  	p2 =	por !p5, !p6  }
0xa9: {  	s5 =	simm.s32 $0x1;
	p2 =	por !p2, !p2  }
0xaa: {  	s4 =	sshrl.u32 s4, $0x7;
	s5 =	simm.s32 @!p2 $0x0  }
0xab: {  	s4 =	ssub.s32 s4, s5  }
0xac: {  	s4 =	sshll.u32 s4, $0x7  }
0xad: {  	s4 =	sand.u32 $0x1FFFFF80, s4  }
0xae: {  	s4 =	sadd.s32 s1, s4  }
0xaf: {  	[tilespmem:s23], [sflag:$0x1] =	stream.strided.gather [hbm4b:s4+s10], $0x2000, s15, s10, $0x38;
	[tilespmem:$0x12D80] =	vst v63  }
0xb0: {  	_ =	swait.ge [sflag:s24], $0x2000  }
0xb1: {  	v0 =	vld [tilespmem:$0x1FDC0];
	_ =	sdelay $0x5  }
0xb2: {  	[sflag:s24] =	ssyncset.done $0x0;
	v45 =	vld [tilespmem:$0x1FDD0]  }
0xb3: {  	[sflag:s24] =	ssyncadd.s32 $0xFFFFE000  }
0xb4: {  	v41 =	vld.idx.msk [tilespmem:v0+s12+$0x0], $0xffff;
	_ =	sdelay $0x3  }
0xb5: {  	v46 =	vld [tilespmem:$0x1FDE0]  }
0xb6: {  	[tilespmem:$0x120C0] =	vst v41  }
0xb7: {  	v39 =	vld.idx.msk [tilespmem:v45+s12+$0x0], $0xffff;
	_ =	sdelay $0x3  }
0xb8: {  	v47 =	vld [tilespmem:$0x1FDF0]  }
0xb9: {  	[tilespmem:$0x120D0] =	vst v39  }
0xba: {  	v38 =	vld.idx.msk [tilespmem:v46+s12+$0x0], $0xffff;
	_ =	sdelay $0x3  }
0xbb: {  	v48 =	vld [tilespmem:$0x1FE00]  }
0xbc: {  	[tilespmem:$0x120E0] =	vst v38  }
0xbd: {  	v0 =	vld.idx.msk [tilespmem:v47+s12+$0x0], $0xffff;
	_ =	sdelay $0x3  }
0xbe: {  	v49 =	vld [tilespmem:$0x1FE10]  }
0xbf: {  	[tilespmem:$0x120F0] =	vst v0  }
0xc0: {  	v45 =	vld.idx.msk [tilespmem:v48+s12+$0x0], $0xffff;
	_ =	sdelay $0x3  }
0xc1: {  	v50 =	vld [tilespmem:$0x1FE20]  }
0xc2: {  	[tilespmem:$0x12140] =	vst v45  }
0xc3: {  	v42 =	vld.idx.msk [tilespmem:v49+s12+$0x0], $0xffff;
	_ =	sdelay $0x3  }
0xc4: {  	v51 =	vld [tilespmem:$0x1FE30]  }
0xc5: {  	[tilespmem:$0x12150] =	vst v42  }
0xc6: {  	v43 =	vld.idx.msk [tilespmem:v50+s12+$0x0], $0xffff;
	_ =	sdelay $0x3  }
0xc7: {  	v52 =	vld [tilespmem:$0x1FE40]  }
0xc8: {  	[tilespmem:$0x12160] =	vst v43  }
0xc9: {  	v40 =	vld.idx.msk [tilespmem:v51+s12+$0x0], $0xffff;
	_ =	sdelay $0x3  }
0xca: {  	v53 =	vld [tilespmem:$0x1FE50]  }
0xcb: {  	[tilespmem:$0x12170] =	vst v40  }
0xcc: {  	v49 =	vld.idx.msk [tilespmem:v52+s12+$0x0], $0xffff;
	_ =	sdelay $0x3  }
0xcd: {  	v54 =	vld [tilespmem:$0x1FE60]  }
0xce: {  	[tilespmem:$0x121C0] =	vst v49  }
0xcf: {  	v47 =	vld.idx.msk [tilespmem:v53+s12+$0x0], $0xffff;
	_ =	sdelay $0x3  }
0xd0: {  	v55 =	vld [tilespmem:$0x1FE70]  }
0xd1: {  	[tilespmem:$0x121D0] =	vst v47  }
0xd2: {  	v46 =	vld.idx.msk [tilespmem:v54+s12+$0x0], $0xffff;
	_ =	sdelay $0x3  }
0xd3: {  	v56 =	vld [tilespmem:$0x1FE80]  }
0xd4: {  	[tilespmem:$0x121E0] =	vst v46  }
0xd5: {  	v44 =	vld.idx.msk [tilespmem:v55+s12+$0x0], $0xffff;
	_ =	sdelay $0x3  }
0xd6: {  	v57 =	vld [tilespmem:$0x1FE90]  }
0xd7: {  	[tilespmem:$0x121F0] =	vst v44  }
0xd8: {  	v53 =	vld.idx.msk [tilespmem:v56+s12+$0x0], $0xffff;
	_ =	sdelay $0x3  }
0xd9: {  	v58 =	vld [tilespmem:$0x1FEA0]  }
0xda: {  	[tilespmem:$0x12240] =	vst v53  }
0xdb: {  	v51 =	vld.idx.msk [tilespmem:v57+s12+$0x0], $0xffff;
	_ =	sdelay $0x3  }
0xdc: {  	v59 =	vld [tilespmem:$0x1FEB0]  }
0xdd: {  	[tilespmem:$0x12250] =	vst v51  }
0xde: {  	v50 =	vld.idx.msk [tilespmem:v58+s12+$0x0], $0xffff;
	_ =	sdelay $0x3  }
0xdf: {  	v60 =	vld [tilespmem:$0x1FEC0]  }
0xe0: {  	[tilespmem:$0x12260] =	vst v50  }
0xe1: {  	v48 =	vld.idx.msk [tilespmem:v59+s12+$0x0], $0xffff;
	_ =	sdelay $0x3  }
0xe2: {  	v61 =	vld [tilespmem:$0x1FED0]  }
0xe3: {  	[tilespmem:$0x12270] =	vst v48  }
0xe4: {  	v58 =	vld.idx.msk [tilespmem:v60+s12+$0x0], $0xffff;
	_ =	sdelay $0x3  }
0xe5: {  	v62 =	vld [tilespmem:$0x1FEE0]  }
0xe6: {  	[tilespmem:$0x122C0] =	vst v58  }
0xe7: {  	v57 =	vld.idx.msk [tilespmem:v61+s12+$0x0], $0xffff;
	_ =	sdelay $0x3  }
0xe8: {  	v63 =	vld [tilespmem:$0x1FEF0]  }
0xe9: {  	[tilespmem:$0x122D0] =	vst v57  }
0xea: {  	v54 =	vld.idx.msk [tilespmem:v62+s12+$0x0], $0xffff;
	_ =	sdelay $0x3  }
0xeb: {  	v4 =	vld [tilespmem:$0x1FF00]  }
0xec: {  	[tilespmem:$0x122E0] =	vst v54  }
0xed: {  	v52 =	vld.idx.msk [tilespmem:v63+s12+$0x0], $0xffff;
	_ =	sdelay $0x3  }
0xee: {  	v5 =	vld [tilespmem:$0x1FF10]  }
0xef: {  	[tilespmem:$0x122F0] =	vst v52  }
0xf0: {  	v37 =	vld.idx.msk [tilespmem:v4+s12+$0x0], $0xffff;
	_ =	sdelay $0x3  }
0xf1: {  	v6 =	vld [tilespmem:$0x1FF20]  }
0xf2: {  	[tilespmem:$0x12340] =	vst v37  }
0xf3: {  	v62 =	vld.idx.msk [tilespmem:v5+s12+$0x0], $0xffff;
	_ =	sdelay $0x3  }
0xf4: {  	v7 =	vld [tilespmem:$0x1FF30]  }
0xf5: {  	[tilespmem:$0x12350] =	vst v62  }
0xf6: {  	v60 =	vld.idx.msk [tilespmem:v6+s12+$0x0], $0xffff;
	_ =	sdelay $0x3  }
0xf7: {  	v8 =	vld [tilespmem:$0x1FF40]  }
0xf8: {  	[tilespmem:$0x12360] =	vst v60  }
0xf9: {  	v55 =	vld.idx.msk [tilespmem:v7+s12+$0x0], $0xffff;
	_ =	sdelay $0x3  }
0xfa: {  	v9 =	vld [tilespmem:$0x1FF50]  }
0xfb: {  	[tilespmem:$0x12370] =	vst v55  }
0xfc: {  	v7 =	vld.idx.msk [tilespmem:v8+s12+$0x0], $0xffff;
	_ =	sdelay $0x3  }
0xfd: {  	v10 =	vld [tilespmem:$0x1FF60]  }
0xfe: {  	[tilespmem:$0x123C0] =	vst v7  }
0xff: {  	v4 =	vld.idx.msk [tilespmem:v9+s12+$0x0], $0xffff;
	_ =	sdelay $0x3  }
0x100: {  	v11 =	vld [tilespmem:$0x1FF70]  }
0x101: {  	[tilespmem:$0x123D0] =	vst v4  }
0x102: {  	v61 =	vld.idx.msk [tilespmem:v10+s12+$0x0], $0xffff;
	_ =	sdelay $0x3  }
0x103: {  	v12 =	vld [tilespmem:$0x1FF90]  }
0x104: {  	[tilespmem:$0x123E0] =	vst v61  }
0x105: {  	v56 =	vld.idx.msk [tilespmem:v11+s12+$0x0], $0xffff;
	_ =	sdelay $0x3  }
0x106: {  	v13 =	vld [tilespmem:$0x1FFB0]  }
0x107: {  	[tilespmem:$0x123F0] =	vst v56  }
0x108: {  	v8 =	vld.idx.msk [tilespmem:v12+s12+$0x0], $0xffff;
	_ =	sdelay $0x3  }
0x109: {  	v14 =	vld [tilespmem:$0x1FFD0]  }
0x10a: {  	[tilespmem:$0x12440] =	vst v8  }
0x10b: {  	v5 =	vld.idx.msk [tilespmem:v13+s12+$0x0], $0xffff;
	_ =	sdelay $0x3  }
0x10c: {  	v15 =	vld [tilespmem:$0x1FFF0]  }
0x10d: {  	[tilespmem:$0x12450] =	vst v5  }
0x10e: {  	v63 =	vld.idx.msk [tilespmem:v14+s12+$0x0], $0xffff;
	_ =	sdelay $0x4  }
0x10f: {  	[tilespmem:$0x12460] =	vst v63  }
0x110: {  	v59 =	vld.idx.msk [tilespmem:v15+s12+$0x0], $0xffff;
	_ =	sdelay $0x3  }
0x111: {  	[tilespmem:$0x1FDB0] =	vst v0  }
0x112: {  	[tilespmem:$0x12470] =	vst v59  }
0x113: {  	_ =	swait.ge [sflag:s14], $0x2000  }
0x114: {  	[sflag:s14] =	ssyncset.done $0x0  }
0x115: {  	[sflag:s14] =	ssyncadd.s32 $0xFFFFE000  }
0x116: {  	_ =	swait.ge [sflag:s14], $0x2000  }
0x117: {  	[sflag:s14] =	ssyncset.done $0x0  }
0x118: {  	[sflag:s14] =	ssyncadd.s32 $0xFFFFE000  }
0x119: {  	_ =	swait.ge [sflag:s14], $0x2000  }
0x11a: {  	[sflag:s14] =	ssyncset.done $0x0  }
0x11b: {  	[sflag:s14] =	ssyncadd.s32 $0xFFFFE000  }
0x11c: {  	_ =	swait.ge [sflag:s14], $0x2000  }
0x11d: {  	[sflag:s14] =	ssyncset.done $0x0  }
0x11e: {  	[sflag:s14] =	ssyncadd.s32 $0xFFFFE000  }
0x11f: {  	_ =	swait.ge [sflag:s14], $0x2000  }
0x120: {  	[sflag:s14] =	ssyncset.done $0x0  }
0x121: {  	[sflag:s14] =	ssyncadd.s32 $0xFFFFE000  }
0x122: {  	_ =	swait.ge [sflag:s14], $0x2000  }
0x123: {  	[sflag:s14] =	ssyncset.done $0x0  }
0x124: {  	[sflag:s14] =	ssyncadd.s32 $0xFFFFE000  }
0x125: {  	_ =	swait.ge [sflag:s14], $0x2000  }
0x126: {  	v0 =	vld [tilespmem:$0x1FF80];
	_ =	sdelay $0x2  }
0x127: {  	[sflag:s14] =	ssyncset.done $0x0  }
0x128: {  	s30 =	sand.u32 $0x7F, s30;
	[sflag:s14] =	ssyncadd.s32 $0xFFFFE000  }
0x129: {  	_ =	swait.ge [sflag:s14], $0x2000;
	v9 =	vor.u32 s30, v0  }
0x12a: {  	v6 =	vld [tilespmem:$0x1FFA0];
	_ =	sdelay $0x1  }
0x12b: {  	[sflag:s14] =	ssyncset.done $0x0  }
0x12c: {  	[sflag:s14] =	ssyncadd.s32 $0xFFFFE000  }
0x12d: {  	v9 =	vld.idx.msk [tilespmem:v9+s16+$0x0], $0xffff  }
0x12e: {  	v10 =	vor.u32 s30, v6  }
0x12f: {  	v36 =	vld [tilespmem:$0x1FFC0];
	_ =	sdelay $0x2  }
0x130: {  	[tilespmem:$0x12080] =	vst v9  }
0x131: {  	v10 =	vld.idx.msk [tilespmem:v10+s16+$0x0], $0xffff  }
0x132: {  	v11 =	vor.u32 s30, v36  }
0x133: {  	v1 =	vld [tilespmem:$0x1FFE0];
	_ =	sdelay $0x2  }
0x134: {  	[tilespmem:$0x12090] =	vst v10  }
0x135: {  	v11 =	vld.idx.msk [tilespmem:v11+s16+$0x0], $0xffff  }
0x136: {  	v12 =	vor.u32 s30, v1;
	_ =	sdelay $0x3  }
0x137: {  	[tilespmem:$0x120A0] =	vst v11  }
0x138: {  	s31 =	sand.u32 $0x7F, s31;
	v12 =	vld.idx.msk [tilespmem:v12+s16+$0x0], $0xffff  }
0x139: {  	v13 =	vor.u32 s31, v0;
	_ =	sdelay $0x3  }
0x13a: {  	[tilespmem:$0x120B0] =	vst v12  }
0x13b: {  	v13 =	vld.idx.msk [tilespmem:v13+s17+$0x0], $0xffff  }
0x13c: {  	v14 =	vor.u32 s31, v6;
	_ =	sdelay $0x3  }
0x13d: {  	[tilespmem:$0x12100] =	vst v13  }
0x13e: {  	v14 =	vld.idx.msk [tilespmem:v14+s17+$0x0], $0xffff  }
0x13f: {  	v15 =	vor.u32 s31, v36;
	_ =	sdelay $0x3  }
0x140: {  	[tilespmem:$0x12110] =	vst v14  }
0x141: {  	v15 =	vld.idx.msk [tilespmem:v15+s17+$0x0], $0xffff  }
0x142: {  	v16 =	vor.u32 s31, v1;
	_ =	sdelay $0x3  }
0x143: {  	[tilespmem:$0x12120] =	vst v15  }
0x144: {  	s0 =	sand.u32 $0x7F, s0;
	v16 =	vld.idx.msk [tilespmem:v16+s17+$0x0], $0xffff  }
0x145: {  	v17 =	vor.u32 s0, v0;
	_ =	sdelay $0x3  }
0x146: {  	[tilespmem:$0x12130] =	vst v16  }
0x147: {  	v17 =	vld.idx.msk [tilespmem:v17+s18+$0x0], $0xffff  }
0x148: {  	v18 =	vor.u32 s0, v6;
	_ =	sdelay $0x3  }
0x149: {  	[tilespmem:$0x12180] =	vst v17  }
0x14a: {  	v18 =	vld.idx.msk [tilespmem:v18+s18+$0x0], $0xffff  }
0x14b: {  	v19 =	vor.u32 s0, v36;
	_ =	sdelay $0x3  }
0x14c: {  	[tilespmem:$0x12190] =	vst v18  }
0x14d: {  	v19 =	vld.idx.msk [tilespmem:v19+s18+$0x0], $0xffff  }
0x14e: {  	v20 =	vor.u32 s0, v1;
	_ =	sdelay $0x3  }
0x14f: {  	[tilespmem:$0x121A0] =	vst v19  }
0x150: {  	s4 =	sand.u32 $0x7F, s2;
	v20 =	vld.idx.msk [tilespmem:v20+s18+$0x0], $0xffff  }
0x151: {  	v21 =	vor.u32 s4, v0;
	_ =	sdelay $0x3  }
0x152: {  	[tilespmem:$0x121B0] =	vst v20  }
0x153: {  	v21 =	vld.idx.msk [tilespmem:v21+s19+$0x0], $0xffff  }
0x154: {  	v22 =	vor.u32 s4, v6;
	_ =	sdelay $0x3  }
0x155: {  	[tilespmem:$0x12200] =	vst v21  }
0x156: {  	v22 =	vld.idx.msk [tilespmem:v22+s19+$0x0], $0xffff  }
0x157: {  	v23 =	vor.u32 s4, v36;
	_ =	sdelay $0x3  }
0x158: {  	[tilespmem:$0x12210] =	vst v22  }
0x159: {  	v23 =	vld.idx.msk [tilespmem:v23+s19+$0x0], $0xffff  }
0x15a: {  	v24 =	vor.u32 s4, v1;
	_ =	sdelay $0x3  }
0x15b: {  	[tilespmem:$0x12220] =	vst v23  }
0x15c: {  	s5 =	sand.u32 $0x7F, s29;
	v24 =	vld.idx.msk [tilespmem:v24+s19+$0x0], $0xffff  }
0x15d: {  	v25 =	vor.u32 s5, v0;
	_ =	sdelay $0x3  }
0x15e: {  	[tilespmem:$0x12230] =	vst v24  }
0x15f: {  	v25 =	vld.idx.msk [tilespmem:v25+s20+$0x0], $0xffff  }
0x160: {  	v26 =	vor.u32 s5, v6;
	_ =	sdelay $0x3  }
0x161: {  	[tilespmem:$0x12280] =	vst v25  }
0x162: {  	v26 =	vld.idx.msk [tilespmem:v26+s20+$0x0], $0xffff  }
0x163: {  	v27 =	vor.u32 s5, v36;
	_ =	sdelay $0x3  }
0x164: {  	[tilespmem:$0x12290] =	vst v26  }
0x165: {  	v27 =	vld.idx.msk [tilespmem:v27+s20+$0x0], $0xffff  }
0x166: {  	v28 =	vor.u32 s5, v1;
	_ =	sdelay $0x3  }
0x167: {  	[tilespmem:$0x122A0] =	vst v27  }
0x168: {  	s11 =	sand.u32 $0x7F, s11;
	v28 =	vld.idx.msk [tilespmem:v28+s20+$0x0], $0xffff  }
0x169: {  	v29 =	vor.u32 s11, v0;
	_ =	sdelay $0x3  }
0x16a: {  	[tilespmem:$0x122B0] =	vst v28  }
0x16b: {  	v29 =	vld.idx.msk [tilespmem:v29+s21+$0x0], $0xffff  }
0x16c: {  	v30 =	vor.u32 s11, v6;
	_ =	sdelay $0x3  }
0x16d: {  	[tilespmem:$0x12300] =	vst v29  }
0x16e: {  	v30 =	vld.idx.msk [tilespmem:v30+s21+$0x0], $0xffff  }
0x16f: {  	v31 =	vor.u32 s11, v36;
	_ =	sdelay $0x3  }
0x170: {  	[tilespmem:$0x12310] =	vst v30  }
0x171: {  	v31 =	vld.idx.msk [tilespmem:v31+s21+$0x0], $0xffff  }
0x172: {  	v32 =	vor.u32 s11, v1;
	_ =	sdelay $0x3  }
0x173: {  	[tilespmem:$0x12320] =	vst v31  }
0x174: {  	s29 =	sand.u32 $0x7F, s25;
	v32 =	vld.idx.msk [tilespmem:v32+s21+$0x0], $0xffff  }
0x175: {  	v33 =	vor.u32 s29, v0;
	_ =	sdelay $0x3  }
0x176: {  	[tilespmem:$0x12330] =	vst v32  }
0x177: {  	v33 =	vld.idx.msk [tilespmem:v33+s22+$0x0], $0xffff  }
0x178: {  	v34 =	vor.u32 s29, v6;
	_ =	sdelay $0x3  }
0x179: {  	[tilespmem:$0x12380] =	vst v33  }
0x17a: {  	v34 =	vld.idx.msk [tilespmem:v34+s22+$0x0], $0xffff  }
0x17b: {  	v35 =	vor.u32 s29, v36;
	_ =	sdelay $0x3  }
0x17c: {  	[tilespmem:$0x12390] =	vst v34  }
0x17d: {  	v35 =	vld.idx.msk [tilespmem:v35+s22+$0x0], $0xffff  }
0x17e: {  	v2 =	vor.u32 s29, v1;
	_ =	sdelay $0x3  }
0x17f: {  	[tilespmem:$0x123A0] =	vst v35  }
0x180: {  	s30 =	sand.u32 $0x7F, s8;
	v2 =	vld.idx.msk [tilespmem:v2+s22+$0x0], $0xffff  }
0x181: {  	v3 =	vor.u32 s30, v0;
	v11 =	vadd.f32 $0.0e+00, v11;
	_ =	sdelay $0x1  }
0x182: {  	v11 =	vadd.f32 v15, v11  }
0x183: {  	v12 =	vadd.f32 $0.0e+00, v12  }
0x184: {  	v9 =	vadd.f32 $0.0e+00, v9;
	v11 =	vadd.f32 v19, v11;
	[tilespmem:$0x123B0] =	vst v2  }
0x185: {  	v10 =	vadd.f32 $0.0e+00, v10;
	v12 =	vadd.f32 v16, v12;
	v3 =	vld.idx.msk [tilespmem:v3+s23+$0x0], $0xffff  }
0x186: {  	v9 =	vadd.f32 v13, v9;
	v16 =	vor.u32 s30, v6;
	v11 =	vadd.f32 v23, v11  }
0x187: {  	v10 =	vadd.f32 v14, v10;
	v12 =	vadd.f32 v20, v12  }
0x188: {  	v9 =	vadd.f32 v17, v9;
	v11 =	vadd.f32 v27, v11  }
0x189: {  	v10 =	vadd.f32 v18, v10;
	v12 =	vadd.f32 v24, v12  }
0x18a: {  	v9 =	vadd.f32 v21, v9;
	v11 =	vadd.f32 v31, v11;
	[tilespmem:$0x12400] =	vst v3  }
0x18b: {  	v10 =	vadd.f32 v22, v10;
	v12 =	vadd.f32 v28, v12;
	v13 =	vld.idx.msk [tilespmem:v16+s23+$0x0], $0xffff  }
0x18c: {  	v28 =	vor.u32 s30, v36;
	v11 =	vadd.f32 v35, v11;
	v35 =	vadd.f32 $0.0e+00, v41  }
0x18d: {  	v9 =	vadd.f32 v25, v9;
	v10 =	vadd.f32 v26, v10  }
0x18e: {  	v15 =	vadd.f32 v45, v35;
	v45 =	vld [tilespmem:$0x1FDB0]  }
0x18f: {  	v9 =	vadd.f32 v29, v9;
	v10 =	vadd.f32 v30, v10  }
0x190: {  	v36 =	vadd.f32 $0.0e+00, v39;
	v12 =	vadd.f32 v32, v12;
	[tilespmem:$0x12410] =	vst v13  }
0x191: {  	v9 =	vadd.f32 v33, v9;
	v10 =	vadd.f32 v34, v10;
	v14 =	vld.idx.msk [tilespmem:v28+s23+$0x0], $0xffff  }
0x192: {  	v39 =	vor.u32 s30, v1;
	v41 =	vadd.f32 $0.0e+00, v38;
	v15 =	vadd.f32 v49, v15  }
0x193: {  	v49 =	vadd.f32 $0.0e+00, v45;
	v16 =	vadd.f32 v42, v36  }
0x194: {  	v3 =	vadd.f32 v3, v9;
	v9 =	vadd.f32 v43, v41  }
0x195: {  	v15 =	vadd.f32 v53, v15;
	v16 =	vadd.f32 v47, v16  }
0x196: {  	v18 =	vadd.f32 v40, v49;
	v9 =	vadd.f32 v46, v9;
	[tilespmem:$0x12420] =	vst v14  }
0x197: {  	v15 =	vadd.f32 v58, v15;
	v16 =	vadd.f32 v51, v16;
	v17 =	vld.idx.msk [tilespmem:v39+s23+$0x0], $0xffff  }
0x198: {  	v18 =	vadd.f32 v44, v18;
	v9 =	vadd.f32 v50, v9  }
0x199: {  	v51 =	vadd.f32 v37, v15;
	v16 =	vadd.f32 v57, v16  }
0x19a: {  	v53 =	vadd.f32 v48, v18;
	v9 =	vadd.f32 v54, v9  }
0x19b: {  	v1 =	vadd.f32 v7, v51;
	v16 =	vadd.f32 v62, v16  }
0x19c: {  	s31 =	simm.s32 $0x12080;
	v54 =	vadd.f32 v52, v53;
	v9 =	vadd.f32 v60, v9;
	[tilespmem:$0x12430] =	vst v17  }
0x19d: {  	v1 =	vadd.f32 v8, v1;
	v4 =	vadd.f32 v4, v16;
	[hbm4b:s6+s3] =	stream.linear.scatter [tilespmem:s31], [sflag:$0x1], $0x400, $0x38;
	[tilespmem:$0x12D80] =	vst v63  }
0x19e: {  	v57 =	vadd.f32 v13, v10;
	v7 =	vadd.f32 v55, v54;
	[tilespmem:$0x12480] =	vst v3  }
0x19f: {  	v58 =	vadd.f32 v61, v9;
	v4 =	vadd.f32 v5, v4;
	[tilespmem:$0x124C0] =	vst v1  }
0x1a0: {  	v60 =	vadd.f32 v2, v12;
	v61 =	vadd.f32 v14, v11;
	[tilespmem:$0x12490] =	vst v57  }
0x1a1: {  	v62 =	vadd.f32 v56, v7;
	v3 =	vadd.f32 v63, v58;
	[tilespmem:$0x124D0] =	vst v4  }
0x1a2: {  	v1 =	vadd.f32 v17, v60;
	[tilespmem:$0x124A0] =	vst v61  }
0x1a3: {  	v63 =	vadd.f32 v59, v62;
	[tilespmem:$0x124E0] =	vst v3  }
.Ltmp4:
0x1a4: {  	[tilespmem:$0x124B0] =	vst v1;
	(pc) =	sbr.rel .LBB2_3-.Ltmp4, $4  }
0x1a5: {  	[tilespmem:$0x124F0] =	vst v63  }
0x1a6: {  	_ =	swait.ge [sflag:s14], $0x400  }
0x1a7: {  	[sflag:s14] =	ssyncset.done $0x0  }
0x1a8: {  	[sflag:s14] =	ssyncadd.s32 $0xFFFFFC00  }
.LBB2_4:
0x1a9: {  	s0 =	rddreg [dreg:$0x5];
	s2 =	simm.s32 $0x12500  }
0x1aa: {  	[tilespmem:s2], [sflag:$0x4] =	stream.linear.gather [spmem:s0], $0x800, $0x38;
	[tilespmem:$0x12D80] =	vst v63  }
0x1ab: {  	_ =	swait.ge [sflag:s28], $0x800  }
0x1ac: {  	[sflag:s28] =	ssyncset.done $0x0  }
0x1ad: {  	[sflag:s28] =	ssyncadd.s32 $0xFFFFF800  }
0x1ae: {  	v1 =	vld [tilespmem:$0x12500]  }
0x1af: {  	v2 =	vld [tilespmem:$0x12580]  }
0x1b0: {  	v3 =	vld [tilespmem:$0x12600]  }
0x1b1: {  	v4 =	vld [tilespmem:$0x12680]  }
0x1b2: {  	v5 =	vld [tilespmem:$0x12700]  }
0x1b3: {  	v9 =	vld [tilespmem:$0x12780]  }
0x1b4: {  	v10 =	vld [tilespmem:$0x12800]  }
0x1b5: {  	v11 =	vld [tilespmem:$0x12880]  }
0x1b6: {  	v14 =	vld [tilespmem:$0x12900]  }
0x1b7: {  	v16 =	vld [tilespmem:$0x12980]  }
0x1b8: {  	v30 =	vld [tilespmem:$0x12A00]  }
0x1b9: {  	v0 =	vld [tilespmem:$0x12A80]  }
0x1ba: {  	v26 =	vld [tilespmem:$0x12B00]  }
0x1bb: {  	v27 =	vld [tilespmem:$0x12B80]  }
0x1bc: {  	v28 =	vld [tilespmem:$0x12C00]  }
0x1bd: {  	v29 =	vld [tilespmem:$0x12C80]  }
0x1be: {  	v7 =	vld [tilespmem:$0x12510]  }
0x1bf: {  	v18 =	vld [tilespmem:$0x12590]  }
0x1c0: {  	v19 =	vld [tilespmem:$0x12610]  }
0x1c1: {  	v20 =	vld [tilespmem:$0x12690]  }
0x1c2: {  	v21 =	vld [tilespmem:$0x12710]  }
0x1c3: {  	v22 =	vld [tilespmem:$0x12790]  }
0x1c4: {  	v23 =	vld [tilespmem:$0x12810]  }
0x1c5: {  	v24 =	vld [tilespmem:$0x12890]  }
0x1c6: {  	v25 =	vld [tilespmem:$0x12910]  }
0x1c7: {  	v32 =	vld [tilespmem:$0x12B90]  }
0x1c8: {  	v31 =	vld [tilespmem:$0x12C10]  }
0x1c9: {  	v33 =	vld [tilespmem:$0x12C90]  }
0x1ca: {  	v34 =	vld [tilespmem:$0x125A0]  }
0x1cb: {  	v35 =	vld [tilespmem:$0x12620]  }
0x1cc: {  	v41 =	vld [tilespmem:$0x126A0]  }
0x1cd: {  	v42 =	vld [tilespmem:$0x12720]  }
0x1ce: {  	v43 =	vld [tilespmem:$0x127A0]  }
0x1cf: {  	v44 =	vld [tilespmem:$0x12820]  }
0x1d0: {  	v45 =	vld [tilespmem:$0x128A0]  }
0x1d1: {  	v46 =	vld [tilespmem:$0x12920]  }
0x1d2: {  	v47 =	vld [tilespmem:$0x129A0]  }
0x1d3: {  	v48 =	vld [tilespmem:$0x12A20]  }
0x1d4: {  	v49 =	vld [tilespmem:$0x12AA0]  }
0x1d5: {  	v50 =	vld [tilespmem:$0x12B20]  }
0x1d6: {  	v51 =	vld [tilespmem:$0x12BA0]  }
0x1d7: {  	v52 =	vld [tilespmem:$0x12C20]  }
0x1d8: {  	v53 =	vld [tilespmem:$0x12CA0]  }
0x1d9: {  	v37 =	vld [tilespmem:$0x12530]  }
0x1da: {  	v39 =	vld [tilespmem:$0x125B0]  }
0x1db: {  	v54 =	vld [tilespmem:$0x12630]  }
0x1dc: {  	v55 =	vld [tilespmem:$0x126B0]  }
0x1dd: {  	v56 =	vld [tilespmem:$0x12730]  }
0x1de: {  	v57 =	vld [tilespmem:$0x127B0]  }
0x1df: {  	v58 =	vld [tilespmem:$0x12830]  }
0x1e0: {  	v59 =	vld [tilespmem:$0x128B0]  }
0x1e1: {  	v60 =	vld [tilespmem:$0x12930]  }
0x1e2: {  	v61 =	vld [tilespmem:$0x129B0]  }
0x1e3: {  	v62 =	vld [tilespmem:$0x12A30]  }
0x1e4: {  	v63 =	vld [tilespmem:$0x12AB0]  }
0x1e5: {  	v40 =	vld [tilespmem:$0x12B30]  }
0x1e6: {  	v6 =	vld [tilespmem:$0x12BB0]  }
0x1e7: {  	v12 =	vld [tilespmem:$0x12CB0]  }
0x1e8: {  	v36 =	vld [tilespmem:$0x12540]  }
0x1e9: {  	v8 =	vld [tilespmem:$0x125C0]  }
0x1ea: {  	v13 =	vld [tilespmem:$0x12640]  }
0x1eb: {  	v15 =	vld [tilespmem:$0x126C0]  }
0x1ec: {  	v17 =	vld [tilespmem:$0x12740]  }
0x1ed: {  	v38 =	vld [tilespmem:$0x12840]  }
0x1ee: {  	[tilespmem:$0x1FD40] =	vst v26;
	v26 =	vld [tilespmem:$0x12990]  }
0x1ef: {  	[tilespmem:$0x1FD50] =	vst v27;
	v27 =	vld [tilespmem:$0x12A10]  }
0x1f0: {  	[tilespmem:$0x1FD60] =	vst v28;
	v28 =	vld [tilespmem:$0x12A90]  }
0x1f1: {  	[tilespmem:$0x1FD80] =	vst v29;
	v29 =	vld [tilespmem:$0x12B10]  }
0x1f2: {  	[tilespmem:$0x1FD90] =	vst v33;
	v33 =	vld [tilespmem:$0x12520]  }
0x1f3: {  	[tilespmem:$0x1FD30] =	vst v0;
	v0 =	vld [tilespmem:$0x12C30]  }
0x1f4: {  	[tilespmem:$0x1FD70] =	vst v31;
	v31 =	vld [tilespmem:$0x127C0]  }
0x1f5: {  	v1 =	vadd.f32 v2, v1;
	v2 =	vld [tilespmem:$0x128C0]  }
0x1f6: {  	v7 =	vadd.f32 v18, v7;
	v18 =	vld [tilespmem:$0x12940]  }
0x1f7: {  	v8 =	vadd.f32 v8, v36;
	v36 =	vld [tilespmem:$0x12960]  }
0x1f8: {  	[tilespmem:$0x1FDA0] =	vst v38;
	v38 =	vld [tilespmem:$0x12970];
	v7 =	vadd.f32 v19, v7  }
0x1f9: {  	v1 =	vadd.f32 v3, v1;
	v3 =	vld [tilespmem:$0x129C0]  }
0x1fa: {  	v20 =	vadd.f32 v20, v7;
	v7 =	vld [tilespmem:$0x12B40]  }
0x1fb: {  	v8 =	vadd.f32 v13, v8;
	v1 =	vadd.f32 v4, v1;
	v4 =	vld [tilespmem:$0x12C40]  }
0x1fc: {  	v33 =	vadd.f32 v34, v33;
	v34 =	vadd.f32 v39, v37;
	v39 =	vld [tilespmem:$0x12A40]  }
0x1fd: {  	v37 =	vld [tilespmem:$0x12AC0]  }
0x1fe: {  	v8 =	vadd.f32 v15, v8;
	v1 =	vadd.f32 v5, v1;
	v5 =	vld [tilespmem:$0x12BC0]  }
0x1ff: {  	v19 =	vadd.f32 v54, v34;
	v54 =	vld [tilespmem:$0x12550]  }
0x200: {  	v8 =	vadd.f32 v17, v8;
	v34 =	vld [tilespmem:$0x12BD0]  }
0x201: {  	v35 =	vadd.f32 v35, v33;
	v9 =	vadd.f32 v9, v1;
	v1 =	vld [tilespmem:$0x12CC0]  }
0x202: {  	v20 =	vadd.f32 v21, v20;
	v8 =	vadd.f32 v31, v8;
	v31 =	vld [tilespmem:$0x1FDA0]  }
0x203: {  	v33 =	vadd.f32 v41, v35;
	v19 =	vadd.f32 v55, v19;
	v35 =	vld [tilespmem:$0x12CD0]  }
0x204: {  	v20 =	vadd.f32 v22, v20;
	v41 =	vld [tilespmem:$0x129F0]  }
0x205: {  	v9 =	vadd.f32 v10, v9;
	v19 =	vadd.f32 v56, v19;
	v56 =	vld [tilespmem:$0x125D0]  }
0x206: {  	v20 =	vadd.f32 v23, v20;
	v42 =	vadd.f32 v42, v33;
	v33 =	vld [tilespmem:$0x12AD0]  }
0x207: {  	v9 =	vadd.f32 v11, v9;
	v11 =	vld [tilespmem:$0x126D0]  }
0x208: {  	v20 =	vadd.f32 v24, v20;
	v24 =	vld [tilespmem:$0x12750];
	v55 =	vadd.f32 v43, v42  }
0x209: {  	v19 =	vadd.f32 v57, v19;
	v57 =	vld [tilespmem:$0x12650]  }
0x20a: {  	v42 =	vld [tilespmem:$0x12A60];
	v10 =	vadd.f32 v44, v55  }
0x20b: {  	v9 =	vadd.f32 v14, v9;
	v14 =	vld [tilespmem:$0x127D0];
	v19 =	vadd.f32 v58, v19  }
0x20c: {  	v20 =	vadd.f32 v25, v20;
	v25 =	vld [tilespmem:$0x12850];
	v10 =	vadd.f32 v45, v10  }
0x20d: {  	v44 =	vld [tilespmem:$0x1FD60];
	v19 =	vadd.f32 v59, v19  }
0x20e: {  	v8 =	vadd.f32 v31, v8;
	v58 =	vld [tilespmem:$0x12770];
	v10 =	vadd.f32 v46, v10  }
0x20f: {  	v9 =	vadd.f32 v16, v9;
	v16 =	vld [tilespmem:$0x128D0];
	v19 =	vadd.f32 v60, v19  }
0x210: {  	v20 =	vadd.f32 v26, v20;
	v26 =	vld [tilespmem:$0x12950];
	v10 =	vadd.f32 v47, v10  }
0x211: {  	v2 =	vadd.f32 v2, v8;
	v45 =	vld [tilespmem:$0x125E0];
	v19 =	vadd.f32 v61, v19  }
0x212: {  	v9 =	vadd.f32 v30, v9;
	v30 =	vld [tilespmem:$0x129D0];
	v10 =	vadd.f32 v48, v10  }
0x213: {  	v20 =	vadd.f32 v27, v20;
	v27 =	vld [tilespmem:$0x12A50];
	v19 =	vadd.f32 v62, v19  }
0x214: {  	v2 =	vadd.f32 v18, v2;
	v60 =	vld [tilespmem:$0x1FD30];
	v10 =	vadd.f32 v49, v10  }
0x215: {  	v61 =	vld [tilespmem:$0x1FD40];
	v19 =	vadd.f32 v63, v19  }
0x216: {  	v2 =	vadd.f32 v3, v2;
	v47 =	vld [tilespmem:$0x12570];
	v10 =	vadd.f32 v50, v10  }
0x217: {  	v20 =	vadd.f32 v28, v20;
	v63 =	vld [tilespmem:$0x12560];
	v19 =	vadd.f32 v40, v19  }
0x218: {  	v2 =	vadd.f32 v39, v2;
	v49 =	vld [tilespmem:$0x125F0];
	v10 =	vadd.f32 v51, v10  }
0x219: {  	v20 =	vadd.f32 v29, v20;
	v62 =	vld [tilespmem:$0x1FD50];
	v6 =	vadd.f32 v6, v19  }
0x21a: {  	v2 =	vadd.f32 v37, v2;
	v51 =	vld [tilespmem:$0x12660];
	v10 =	vadd.f32 v52, v10  }
0x21b: {  	v9 =	vadd.f32 v60, v9;
	v0 =	vadd.f32 v0, v6;
	v52 =	vld [tilespmem:$0x12670]  }
0x21c: {  	v10 =	vadd.f32 v53, v10;
	v53 =	vadd.f32 v56, v54;
	v54 =	vld [tilespmem:$0x126E0]  }
0x21d: {  	v55 =	vadd.f32 v45, v63;
	v19 =	vadd.f32 v49, v47;
	v56 =	vld [tilespmem:$0x126F0]  }
0x21e: {  	v0 =	vadd.f32 v12, v0;
	v12 =	vadd.f32 v57, v53;
	v57 =	vld [tilespmem:$0x12760]  }
0x21f: {  	v46 =	vld [tilespmem:$0x1FD70];
	v9 =	vadd.f32 v61, v9;
	v6 =	vadd.f32 v51, v55  }
0x220: {  	v60 =	vld [tilespmem:$0x127E0];
	v59 =	vadd.f32 v52, v19;
	v11 =	vadd.f32 v11, v12  }
0x221: {  	v61 =	vld [tilespmem:$0x127F0];
	v9 =	vadd.f32 v62, v9;
	v6 =	vadd.f32 v54, v6  }
0x222: {  	v62 =	vld [tilespmem:$0x12860];
	v12 =	vadd.f32 v56, v59;
	v11 =	vadd.f32 v24, v11  }
0x223: {  	v20 =	vadd.f32 v32, v20;
	v63 =	vld [tilespmem:$0x12870];
	v6 =	vadd.f32 v57, v6  }
0x224: {  	v24 =	vld [tilespmem:$0x128E0];
	v12 =	vadd.f32 v58, v12;
	v11 =	vadd.f32 v14, v11  }
0x225: {  	v32 =	vld [tilespmem:$0x128F0];
	v2 =	vadd.f32 v7, v2;
	v6 =	vadd.f32 v60, v6  }
0x226: {  	v28 =	vld [tilespmem:$0x12B50];
	v12 =	vadd.f32 v61, v12;
	v11 =	vadd.f32 v25, v11  }
0x227: {  	v29 =	vld [tilespmem:$0x12C50];
	v20 =	vadd.f32 v46, v20;
	v6 =	vadd.f32 v62, v6  }
0x228: {  	v40 =	vld [tilespmem:$0x129E0];
	v12 =	vadd.f32 v63, v12;
	v11 =	vadd.f32 v16, v11  }
0x229: {  	v48 =	vld [tilespmem:$0x1FD80];
	v2 =	vadd.f32 v5, v2;
	v6 =	vadd.f32 v24, v6  }
0x22a: {  	v50 =	vld [tilespmem:$0x1FD90];
	v12 =	vadd.f32 v32, v12;
	v11 =	vadd.f32 v26, v11  }
0x22b: {  	v9 =	vadd.f32 v44, v9;
	v44 =	vld [tilespmem:$0x12A70];
	v43 =	vadd.f32 v36, v6  }
0x22c: {  	v45 =	vld [tilespmem:$0x12AE0];
	v8 =	vadd.f32 v38, v12;
	v11 =	vadd.f32 v30, v11  }
0x22d: {  	v46 =	vld [tilespmem:$0x12AF0];
	v2 =	vadd.f32 v4, v2;
	v3 =	vadd.f32 v40, v43  }
0x22e: {  	v47 =	vld [tilespmem:$0x12B60];
	v8 =	vadd.f32 v41, v8;
	v11 =	vadd.f32 v27, v11  }
0x22f: {  	v9 =	vadd.f32 v48, v9;
	v48 =	vld [tilespmem:$0x12B70];
	v3 =	vadd.f32 v42, v3  }
0x230: {  	v49 =	vld [tilespmem:$0x12BE0];
	v6 =	vadd.f32 v44, v8;
	v11 =	vadd.f32 v33, v11  }
0x231: {  	v20 =	vadd.f32 v50, v20;
	v50 =	vld [tilespmem:$0x12BF0];
	v3 =	vadd.f32 v45, v3  }
0x232: {  	v51 =	vld [tilespmem:$0x12C60];
	v6 =	vadd.f32 v46, v6;
	v11 =	vadd.f32 v28, v11  }
0x233: {  	v1 =	vadd.f32 v1, v2;
	v52 =	vld [tilespmem:$0x12C70];
	v3 =	vadd.f32 v47, v3  }
0x234: {  	v53 =	vld [tilespmem:$0x12CE0];
	v6 =	vadd.f32 v48, v6;
	v11 =	vadd.f32 v34, v11  }
0x235: {  	v1 =	vmul.f32 $4.999999890e-03, v1;
	v55 =	vld [tilespmem:$0x12CF0];
	v3 =	vadd.f32 v49, v3  }
0x236: {  	v0 =	vmul.f32 $4.999999890e-03, v0;
	v6 =	vadd.f32 v50, v6;
	v56 =	vadd.f32 v29, v11  }
0x237: {  	[tilespmem:$0x124C0] =	vst v1;
	v54 =	vmul.f32 $4.999999890e-03, v9;
	v58 =	vadd.f32 v51, v3  }
0x238: {  	[tilespmem:$0x124B0] =	vst v0;
	v59 =	vmul.f32 $4.999999890e-03, v10;
	v5 =	vadd.f32 v52, v6;
	v60 =	vadd.f32 v35, v56  }
0x239: {  	v57 =	vmul.f32 $4.999999890e-03, v20;
	[tilespmem:$0x12480] =	vst v54;
	v2 =	vadd.f32 v53, v58  }
0x23a: {  	[tilespmem:$0x124A0] =	vst v59;
	v61 =	vadd.f32 v55, v5;
	v62 =	vmul.f32 $4.999999890e-03, v60  }
0x23b: {  	[tilespmem:$0x12490] =	vst v57;
	v63 =	vmul.f32 $4.999999890e-03, v2  }
0x23c: {  	v0 =	vmul.f32 $4.999999890e-03, v61;
	[tilespmem:$0x124D0] =	vst v62  }
0x23d: {  	[tilespmem:$0x124E0] =	vst v63  }
.Ltmp5:
0x23e: {  	s31 =	rddreg [dreg:$0x9];
	[tilespmem:$0x124F0] =	vst v0;
	(pc) =	sbr.rel .LBB2_5-.Ltmp5, $4  }
0x23f: {  	[hbm4b:s31+s3] =	stream.linear.scatter [tilespmem:s26], [sflag:$0x4], $0x80, $0x38;
	[tilespmem:$0x12D80] =	vst v63  }
0x240: {  	_ =	swait.ge [sflag:s28], $0x80  }
0x241: {  	[sflag:s28] =	ssyncset.done $0x0  }
0x242: {  	[sflag:s28] =	ssyncadd.s32 $0xFFFFFF80  }
.LBB2_6:
0x243: {  	_ =	sfence.sel $0x180000  }
0x244: {  	[bflag:$0x0] =	sbarrier.arrive $0xFFFF  }
0x245: {  	_ =	strace $0x90000047  }
0x246: {  	[bflag:$0x2] =	sbarrier.arrive $0xFFFF  }
0x247: {  	s0 =	rddreg [dreg:$0x6]  }
0x248: {  	s0 =	sadd.s32 @!p1 $0x100000, s0  }
0x249: {  	[sflag:s0] =	ssyncadd.tile.s32 @!p1 $0x1;
	_ =	shalt  }
.Lfunc_end2:
_tile_overlayer_lowered:
.L_overlay_start_2:
0x24a: {  	(tag) =	ssettag $0x2  }
0x24b: {  	s0 =	rddreg [dreg:$0x0];
	s2 =	stileid.u32  }
0x24c: {  	s1 =	rddreg [dreg:$0x1];
	p0 =	sne.s32 s2, $0x0  }
0x24d: {  	s3 =	rddreg [dreg:$0x2];
	[bflag:$0x3] =	sbarrier.arrive $0xFFFF;
	s2 =	simm.s32 @!p0 $0x1C04  }
0x24e: {  	[timem:s3], [sflag:s2] =	dma.local @!p0 [hbm:s0], s1  }
0x24f: {  	s0 =	simm.s32 @!p0 $0x4  }
0x250: {  	_ =	swait.ge @!p0 [sflag:s0], s1  }
0x251: {  	s1 =	ssub.s32 @!p0 $0x0, s1;
	[sflag:s0] =	ssyncset.done @!p0 $0x0  }
0x252: {  	[sflag:s0] =	ssyncadd.s32 @!p0 s1  }
0x253: {  	[bflag:$0x3] =	sbarrier.arrive $0xFFFF  }
0x254: {  	_ =	shalt  }

</sc_bundles>
